<compile_context>
chip_gen: v7x
topology: tpu7x:2x2x1
jax: 0.10.2.dev20260603
libtpu: 0.0.44.dev20260713+nightly
codegen_flags: <defaults>
</compile_context>

<pallas_src>
import jax
import jax.numpy as jnp
from jax import lax
from jax.experimental import pallas as pl
from jax.experimental.pallas import tpu as pltpu
from jax.experimental.pallas import tpu_sc as plsc

N_NODES = 100000
EMB = 128
NSEG = 512
NTASK = 10
NC = 2
NS = 16
NW = NC * NS
SZ = 400
HSZ = 80
NSUB = SZ // HSZ
NCH = N_NODES // SZ
GROUPS = SZ // 16
JFULL = NCH // NW
JREM = NCH - JFULL * NW


def _sc_body(x_hbm, batch_hbm, sum_hbm, cnt_hbm, xbuf0, xbuf1, bbuf0, bbuf1,
             cacc, zbuf, sacc, sem0, sem1, ssem0, ssem1):
    c = lax.axis_index("c")
    s = lax.axis_index("s")
    w = c * NS + s
    xbufs = (xbuf0, xbuf1)
    bbufs = (bbuf0, bbuf1)
    sems = (sem0, sem1)
    ssems = (ssem0, ssem1)

    zero = jnp.zeros((16,), jnp.float32)
    ones = jnp.ones((16,), jnp.float32)

    def zc(i, carry):
        for k in range(8):
            cacc[i, pl.ds(k * 16, 16)] = zero
        return carry

    lax.fori_loop(0, 64, zc, 0)

    def zz(i, carry):
        for k in range(8):
            zbuf[i, pl.ds(k * 16, 16)] = zero
        return carry

    lax.fori_loop(0, 64, zz, 0)

    @pl.when(s == 0)
    def _():
        for blk in range(8):
            pltpu.sync_copy(zbuf, sacc.at[pl.ds(blk * 64, 64)])

    plsc.subcore_barrier()

    myn = jnp.where(w < JREM, JFULL + 1, JFULL)

    def start_load(j, b):
        base = (w + NW * j) * SZ
        pltpu.async_copy(x_hbm.at[pl.ds(base, SZ)], xbufs[b], sems[b])
        for h in range(NSUB):
            pltpu.async_copy(batch_hbm.at[pl.ds(base + h * HSZ, HSZ)],
                             bbufs[b].at[h], sems[b])

    def wait_load(b):
        pltpu.make_async_copy(x_hbm.at[pl.ds(0, SZ)], xbufs[b], sems[b]).wait()
        for h in range(NSUB):
            pltpu.make_async_copy(batch_hbm.at[pl.ds(0, HSZ)], bbufs[b].at[h],
                                  sems[b]).wait()

    def wait_scatter(b):
        for h in range(NSUB):
            pltpu.make_async_copy(xbufs[b].at[pl.ds(h * HSZ, HSZ)],
                                  sacc.at[bbufs[b].at[h]], ssems[b]).wait()

    def handle(j, b):
        @pl.when(j < myn)
        def _():
            wait_load(b)

            @pl.when(j + 1 < myn)
            def _():
                @pl.when(j >= 1)
                def _():
                    wait_scatter(1 - b)

                start_load(j + 1, 1 - b)

            for h in range(NSUB):
                pltpu.async_copy(xbufs[b].at[pl.ds(h * HSZ, HSZ)],
                                 sacc.at[bbufs[b].at[h]], ssems[b], add=True)

            def gb(g, carry2):
                segs = bbufs[b][g // 5, pl.ds((g % 5) * 16, 16)]
                for k in range(16):
                    seg = segs[k]
                    srow = seg // 8
                    scol = (seg % 8) * 16
                    plsc.addupdate(cacc.at[srow, pl.ds(scol, 16)], ones)
                return carry2

            lax.fori_loop(0, GROUPS, gb, 0)

    @pl.when(myn > 0)
    def _():
        start_load(0, 0)

    def jb(jj, carry):
        handle(2 * jj, 0)
        handle(2 * jj + 1, 1)
        return carry

    lax.fori_loop(0, (JFULL + 2) // 2, jb, 0)

    wait_scatter(0)
    wait_scatter(1)

    plsc.subcore_barrier()

    @pl.when(s == 0)
    def _():
        pltpu.sync_copy(sacc, sum_hbm.at[c])

    pltpu.sync_copy(cacc, cnt_hbm.at[w])


def _segment_partials(x, batch32):
    mesh = plsc.VectorSubcoreMesh(core_axis_name="c", subcore_axis_name="s")
    f = pl.kernel(
        _sc_body,
        mesh=mesh,
        out_type=(
            jax.ShapeDtypeStruct((NC, NSEG, EMB), jnp.float32),
            jax.ShapeDtypeStruct((NW, 64, 128), jnp.float32),
        ),
        scratch_types=[
            pltpu.VMEM((SZ, EMB), jnp.float32),
            pltpu.VMEM((SZ, EMB), jnp.float32),
            pltpu.VMEM((NSUB, HSZ), jnp.int32),
            pltpu.VMEM((NSUB, HSZ), jnp.int32),
            pltpu.VMEM((64, 128), jnp.float32),
            pltpu.VMEM((64, 128), jnp.float32),
            pltpu.VMEM_SHARED((NSEG, EMB), jnp.float32),
            pltpu.SemaphoreType.DMA,
            pltpu.SemaphoreType.DMA,
            pltpu.SemaphoreType.DMA,
            pltpu.SemaphoreType.DMA,
        ],
    )
    return f(x, batch32)


def _final_body(sum_ref, cnt_ref, w_ref, b_ref, o_ref):
    S = jnp.sum(sum_ref[...], axis=0)
    T = jnp.sum(cnt_ref[...], axis=0)
    si = lax.broadcasted_iota(jnp.int32, (NSEG, 64), 0)
    ri = lax.broadcasted_iota(jnp.int32, (NSEG, 64), 1)
    R2 = jnp.where(ri == si // 8, 1.0, 0.0)
    M = lax.dot_general(R2, T, (((1,), (0,)), ((), ())),
                        preferred_element_type=jnp.float32)
    li = lax.broadcasted_iota(jnp.int32, (NSEG, 128), 1)
    s2 = lax.broadcasted_iota(jnp.int32, (NSEG, 128), 0)
    msk = jnp.where(li // 16 == s2 % 8, 1.0, 0.0)
    cnt = jnp.sum(M * msk, axis=1, keepdims=True) / 16.0
    mean = S / jnp.maximum(cnt, 1.0)
    out = lax.dot_general(mean, w_ref[...], (((1,), (1,)), ((), ())),
                          preferred_element_type=jnp.float32)
    o_ref[...] = out + b_ref[...]


def _finalize(sums, cnts, W, b2):
    return pl.pallas_call(
        _final_body,
        grid=(1,),
        in_specs=[
            pl.BlockSpec((NC, NSEG, EMB), lambda i: (0, 0, 0)),
            pl.BlockSpec((NW, 64, 128), lambda i: (0, 0, 0)),
            pl.BlockSpec((NTASK, EMB), lambda i: (0, 0)),
            pl.BlockSpec((1, NTASK), lambda i: (0, 0)),
        ],
        out_specs=pl.BlockSpec((NSEG, NTASK), lambda i: (0, 0)),
        out_shape=jax.ShapeDtypeStruct((NSEG, NTASK), jnp.float32),
    )(sums, cnts, W, b2)


def kernel(x, batch, W, b):
    batch32 = batch.astype(jnp.int32)
    sums, cnts = _segment_partials(x, batch32)
    return _finalize(sums, cnts, W, b.reshape(1, NTASK))

# --- scband reference (transcript-rebuilt; emitter-appended) ---
"""Pipeline reference for scband-graph-clf-50955491999981 (READ-ONLY COPY).

The authoritative reference and input builder live on the scoring server;
editing this copy changes nothing except your own understanding.
"""

import jax, jax.numpy as jnp
import numpy as np

NUM_GRAPHS = 512
EMB_DIM = 128
NUM_TASKS = 10
N_NODES = 100000

def setup_inputs(seed: int = 0) -> dict:
    key = jax.random.key(seed)
    k1, k2, k3, k4 = jax.random.split(key, 4)
    x = jax.random.normal(k1, (N_NODES, EMB_DIM), dtype=jnp.float32)
    batch = jnp.sort(jax.random.randint(k2, (N_NODES,), 0, NUM_GRAPHS, dtype=jnp.int64))
    # Linear(emb_dim, num_tasks) parameters (PyTorch convention: W [out,in], b [out])
    bound = 1.0 / np.sqrt(EMB_DIM)
    W = jax.random.uniform(k3, (NUM_TASKS, EMB_DIM), minval=-bound, maxval=bound, dtype=jnp.float32)
    b = jax.random.uniform(k4, (NUM_TASKS,), minval=-bound, maxval=bound, dtype=jnp.float32)
    return {"x": x, "batch": batch, "W": W, "b": b}

def reference(x, batch, W, b):
    # gnn is identity (frozen/no-op backbone); node_representation = x
    node_representation = x
    # global_mean_pool: segment mean over graphs in the batch
    sums = jax.ops.segment_sum(node_representation, batch, num_segments=NUM_GRAPHS)
    counts = jax.ops.segment_sum(jnp.ones((node_representation.shape[0],), dtype=node_representation.dtype), batch, num_segments=NUM_GRAPHS)
    graph_rep = sums / jnp.maximum(counts, 1.0)[:, None]
    # linear head
    out = graph_rep @ W.T + b
    return out

if __name__ == "__main__":
    import jax
    _d = setup_inputs()
    print(jax.jit(kernel)(*tuple(_d.values())))

</pallas_src>

<mosaic_0001>
#map = affine_map<(d0, d1) -> (0, 0)>
#map1 = affine_map<(d0, d1) -> (0)>
#map2 = affine_map<(d0, d1) -> (0, 0, 0)>
module attributes {stable_mosaic.version = 14 : i64} {
  func.func @_sc_body(%arg0: i32, %arg1: i32, %arg2: memref<100000x128xf32, #tpu.memory_space<hbm>>, %arg3: memref<100000xi32, #tpu.memory_space<hbm>>, %arg4: memref<2x512x128xf32, #tpu.memory_space<hbm>>, %arg5: memref<32x64x128xf32, #tpu.memory_space<hbm>>, %arg6: memref<400x128xf32, #tpu.memory_space<vmem>>, %arg7: memref<400x128xf32, #tpu.memory_space<vmem>>, %arg8: memref<5x80xi32, #tpu.memory_space<vmem>>, %arg9: memref<5x80xi32, #tpu.memory_space<vmem>>, %arg10: memref<64x128xf32, #tpu.memory_space<vmem>>, %arg11: memref<64x128xf32, #tpu.memory_space<vmem>>, %arg12: memref<512x128xf32, #tpu.memory_space<vmem_shared>>, %arg13: memref<!tpu.dma_semaphore, #tpu.memory_space<semaphore_mem>>, %arg14: memref<!tpu.dma_semaphore, #tpu.memory_space<semaphore_mem>>, %arg15: memref<!tpu.dma_semaphore, #tpu.memory_space<semaphore_mem>>, %arg16: memref<!tpu.dma_semaphore, #tpu.memory_space<semaphore_mem>>) attributes {dimension_semantics = [#tpu.dimension_semantics<core_parallel>, #tpu.dimension_semantics<subcore_parallel>], iteration_bounds = array<i64: 2, 16>, scalar_prefetch = 0 : i64, scratch_operands = 11 : i64, tpu.core_type = #tpu.core_type<sc_vector_subcore>, window_params = [{transform_indices = #map}, {transform_indices = #map1}, {transform_indices = #map2}, {transform_indices = #map2}]} {
    %mul3A = arith.constant 16 : i32
    %mul3A_0 = arith.muli %arg0, %mul3A : i32
    %add3A = arith.addi %mul3A_0, %arg1 : i32
    %broadcast_in_dim3A = arith.constant 0.000000e+00 : f32
    %broadcast_in_dim3A_1 = vector.broadcast %broadcast_in_dim3A : f32 to vector<16xf32>
    %broadcast_in_dim3A_2 = arith.constant 1.000000e+00 : f32
    %broadcast_in_dim3A_3 = vector.broadcast %broadcast_in_dim3A_2 : f32 to vector<16xf32>
    %scan3A = arith.constant 0 : i32
    %scan3A_4 = arith.constant 0 : i32
    %scan3A_5 = arith.constant 64 : i32
    %scan3A_6 = arith.addi %scan3A_4, %scan3A_5 : i32
    %scan3A_7 = arith.constant 1 : i32
    scf.for %scan3A_134 = %scan3A_4 to %scan3A_6 step %scan3A_7  : i32 {
      %swap3A = arith.index_cast %scan3A_134 : i32 to index
      %swap3A_135 = arith.constant 0 : index
      %swap3A_136 = tpu.vector_load %arg10[%swap3A, %swap3A_135] {strides = array<i32>} : memref<64x128xf32, #tpu.memory_space<vmem>>, vector<1x16xf32>,
      %swap3A_137 = vector.shape_cast %swap3A_136 : vector<1x16xf32> to vector<16xf32>
      %swap3A_138 = vector.shape_cast %broadcast_in_dim3A_1 : vector<16xf32> to vector<1x16xf32>
      tpu.vector_store %arg10[%swap3A, %swap3A_135], %swap3A_138 {strides = array<i32>} : memref<64x128xf32, #tpu.memory_space<vmem>>, vector<1x16xf32>,
      %swap3A_139 = arith.index_cast %scan3A_134 : i32 to index
      %swap3A_140 = arith.constant 16 : index
      %swap3A_141 = tpu.vector_load %arg10[%swap3A_139, %swap3A_140] {strides = array<i32>} : memref<64x128xf32, #tpu.memory_space<vmem>>, vector<1x16xf32>,
      %swap3A_142 = vector.shape_cast %swap3A_141 : vector<1x16xf32> to vector<16xf32>
      %swap3A_143 = vector.shape_cast %broadcast_in_dim3A_1 : vector<16xf32> to vector<1x16xf32>
      tpu.vector_store %arg10[%swap3A_139, %swap3A_140], %swap3A_143 {strides = array<i32>} : memref<64x128xf32, #tpu.memory_space<vmem>>, vector<1x16xf32>,
      %swap3A_144 = arith.index_cast %scan3A_134 : i32 to index
      %swap3A_145 = arith.constant 32 : index
      %swap3A_146 = tpu.vector_load %arg10[%swap3A_144, %swap3A_145] {strides = array<i32>} : memref<64x128xf32, #tpu.memory_space<vmem>>, vector<1x16xf32>,
      %swap3A_147 = vector.shape_cast %swap3A_146 : vector<1x16xf32> to vector<16xf32>
      %swap3A_148 = vector.shape_cast %broadcast_in_dim3A_1 : vector<16xf32> to vector<1x16xf32>
      tpu.vector_store %arg10[%swap3A_144, %swap3A_145], %swap3A_148 {strides = array<i32>} : memref<64x128xf32, #tpu.memory_space<vmem>>, vector<1x16xf32>,
      %swap3A_149 = arith.index_cast %scan3A_134 : i32 to index
      %swap3A_150 = arith.constant 48 : index
      %swap3A_151 = tpu.vector_load %arg10[%swap3A_149, %swap3A_150] {strides = array<i32>} : memref<64x128xf32, #tpu.memory_space<vmem>>, vector<1x16xf32>,
      %swap3A_152 = vector.shape_cast %swap3A_151 : vector<1x16xf32> to vector<16xf32>
      %swap3A_153 = vector.shape_cast %broadcast_in_dim3A_1 : vector<16xf32> to vector<1x16xf32>
      tpu.vector_store %arg10[%swap3A_149, %swap3A_150], %swap3A_153 {strides = array<i32>} : memref<64x128xf32, #tpu.memory_space<vmem>>, vector<1x16xf32>,
      %swap3A_154 = arith.index_cast %scan3A_134 : i32 to index
      %swap3A_155 = arith.constant 64 : index
      %swap3A_156 = tpu.vector_load %arg10[%swap3A_154, %swap3A_155] {strides = array<i32>} : memref<64x128xf32, #tpu.memory_space<vmem>>, vector<1x16xf32>,
      %swap3A_157 = vector.shape_cast %swap3A_156 : vector<1x16xf32> to vector<16xf32>
      %swap3A_158 = vector.shape_cast %broadcast_in_dim3A_1 : vector<16xf32> to vector<1x16xf32>
      tpu.vector_store %arg10[%swap3A_154, %swap3A_155], %swap3A_158 {strides = array<i32>} : memref<64x128xf32, #tpu.memory_space<vmem>>, vector<1x16xf32>,
      %swap3A_159 = arith.index_cast %scan3A_134 : i32 to index
      %swap3A_160 = arith.constant 80 : index
      %swap3A_161 = tpu.vector_load %arg10[%swap3A_159, %swap3A_160] {strides = array<i32>} : memref<64x128xf32, #tpu.memory_space<vmem>>, vector<1x16xf32>,
      %swap3A_162 = vector.shape_cast %swap3A_161 : vector<1x16xf32> to vector<16xf32>
      %swap3A_163 = vector.shape_cast %broadcast_in_dim3A_1 : vector<16xf32> to vector<1x16xf32>
      tpu.vector_store %arg10[%swap3A_159, %swap3A_160], %swap3A_163 {strides = array<i32>} : memref<64x128xf32, #tpu.memory_space<vmem>>, vector<1x16xf32>,
      %swap3A_164 = arith.index_cast %scan3A_134 : i32 to index
      %swap3A_165 = arith.constant 96 : index
      %swap3A_166 = tpu.vector_load %arg10[%swap3A_164, %swap3A_165] {strides = array<i32>} : memref<64x128xf32, #tpu.memory_space<vmem>>, vector<1x16xf32>,
      %swap3A_167 = vector.shape_cast %swap3A_166 : vector<1x16xf32> to vector<16xf32>
      %swap3A_168 = vector.shape_cast %broadcast_in_dim3A_1 : vector<16xf32> to vector<1x16xf32>
      tpu.vector_store %arg10[%swap3A_164, %swap3A_165], %swap3A_168 {strides = array<i32>} : memref<64x128xf32, #tpu.memory_space<vmem>>, vector<1x16xf32>,
      %swap3A_169 = arith.index_cast %scan3A_134 : i32 to index
      %swap3A_170 = arith.constant 112 : index
      %swap3A_171 = tpu.vector_load %arg10[%swap3A_169, %swap3A_170] {strides = array<i32>} : memref<64x128xf32, #tpu.memory_space<vmem>>, vector<1x16xf32>,
      %swap3A_172 = vector.shape_cast %swap3A_171 : vector<1x16xf32> to vector<16xf32>
      %swap3A_173 = vector.shape_cast %broadcast_in_dim3A_1 : vector<16xf32> to vector<1x16xf32>
      tpu.vector_store %arg10[%swap3A_169, %swap3A_170], %swap3A_173 {strides = array<i32>} : memref<64x128xf32, #tpu.memory_space<vmem>>, vector<1x16xf32>,
    }
    %scan3A_8 = arith.constant 64 : i32
    %scan3A_9 = arith.constant 0 : i32
    %scan3A_10 = arith.constant 0 : i32
    %scan3A_11 = arith.constant 64 : i32
    %scan3A_12 = arith.addi %scan3A_10, %scan3A_11 : i32
    %scan3A_13 = arith.constant 1 : i32
    scf.for %scan3A_134 = %scan3A_10 to %scan3A_12 step %scan3A_13  : i32 {
      %swap3A = arith.index_cast %scan3A_134 : i32 to index
      %swap3A_135 = arith.constant 0 : index
      %swap3A_136 = tpu.vector_load %arg11[%swap3A, %swap3A_135] {strides = array<i32>} : memref<64x128xf32, #tpu.memory_space<vmem>>, vector<1x16xf32>,
      %swap3A_137 = vector.shape_cast %swap3A_136 : vector<1x16xf32> to vector<16xf32>
      %swap3A_138 = vector.shape_cast %broadcast_in_dim3A_1 : vector<16xf32> to vector<1x16xf32>
      tpu.vector_store %arg11[%swap3A, %swap3A_135], %swap3A_138 {strides = array<i32>} : memref<64x128xf32, #tpu.memory_space<vmem>>, vector<1x16xf32>,
      %swap3A_139 = arith.index_cast %scan3A_134 : i32 to index
      %swap3A_140 = arith.constant 16 : index
      %swap3A_141 = tpu.vector_load %arg11[%swap3A_139, %swap3A_140] {strides = array<i32>} : memref<64x128xf32, #tpu.memory_space<vmem>>, vector<1x16xf32>,
      %swap3A_142 = vector.shape_cast %swap3A_141 : vector<1x16xf32> to vector<16xf32>
      %swap3A_143 = vector.shape_cast %broadcast_in_dim3A_1 : vector<16xf32> to vector<1x16xf32>
      tpu.vector_store %arg11[%swap3A_139, %swap3A_140], %swap3A_143 {strides = array<i32>} : memref<64x128xf32, #tpu.memory_space<vmem>>, vector<1x16xf32>,
      %swap3A_144 = arith.index_cast %scan3A_134 : i32 to index
      %swap3A_145 = arith.constant 32 : index
      %swap3A_146 = tpu.vector_load %arg11[%swap3A_144, %swap3A_145] {strides = array<i32>} : memref<64x128xf32, #tpu.memory_space<vmem>>, vector<1x16xf32>,
      %swap3A_147 = vector.shape_cast %swap3A_146 : vector<1x16xf32> to vector<16xf32>
      %swap3A_148 = vector.shape_cast %broadcast_in_dim3A_1 : vector<16xf32> to vector<1x16xf32>
      tpu.vector_store %arg11[%swap3A_144, %swap3A_145], %swap3A_148 {strides = array<i32>} : memref<64x128xf32, #tpu.memory_space<vmem>>, vector<1x16xf32>,
      %swap3A_149 = arith.index_cast %scan3A_134 : i32 to index
      %swap3A_150 = arith.constant 48 : index
      %swap3A_151 = tpu.vector_load %arg11[%swap3A_149, %swap3A_150] {strides = array<i32>} : memref<64x128xf32, #tpu.memory_space<vmem>>, vector<1x16xf32>,
      %swap3A_152 = vector.shape_cast %swap3A_151 : vector<1x16xf32> to vector<16xf32>
      %swap3A_153 = vector.shape_cast %broadcast_in_dim3A_1 : vector<16xf32> to vector<1x16xf32>
      tpu.vector_store %arg11[%swap3A_149, %swap3A_150], %swap3A_153 {strides = array<i32>} : memref<64x128xf32, #tpu.memory_space<vmem>>, vector<1x16xf32>,
      %swap3A_154 = arith.index_cast %scan3A_134 : i32 to index
      %swap3A_155 = arith.constant 64 : index
      %swap3A_156 = tpu.vector_load %arg11[%swap3A_154, %swap3A_155] {strides = array<i32>} : memref<64x128xf32, #tpu.memory_space<vmem>>, vector<1x16xf32>,
      %swap3A_157 = vector.shape_cast %swap3A_156 : vector<1x16xf32> to vector<16xf32>
      %swap3A_158 = vector.shape_cast %broadcast_in_dim3A_1 : vector<16xf32> to vector<1x16xf32>
      tpu.vector_store %arg11[%swap3A_154, %swap3A_155], %swap3A_158 {strides = array<i32>} : memref<64x128xf32, #tpu.memory_space<vmem>>, vector<1x16xf32>,
      %swap3A_159 = arith.index_cast %scan3A_134 : i32 to index
      %swap3A_160 = arith.constant 80 : index
      %swap3A_161 = tpu.vector_load %arg11[%swap3A_159, %swap3A_160] {strides = array<i32>} : memref<64x128xf32, #tpu.memory_space<vmem>>, vector<1x16xf32>,
      %swap3A_162 = vector.shape_cast %swap3A_161 : vector<1x16xf32> to vector<16xf32>
      %swap3A_163 = vector.shape_cast %broadcast_in_dim3A_1 : vector<16xf32> to vector<1x16xf32>
      tpu.vector_store %arg11[%swap3A_159, %swap3A_160], %swap3A_163 {strides = array<i32>} : memref<64x128xf32, #tpu.memory_space<vmem>>, vector<1x16xf32>,
      %swap3A_164 = arith.index_cast %scan3A_134 : i32 to index
      %swap3A_165 = arith.constant 96 : index
      %swap3A_166 = tpu.vector_load %arg11[%swap3A_164, %swap3A_165] {strides = array<i32>} : memref<64x128xf32, #tpu.memory_space<vmem>>, vector<1x16xf32>,
      %swap3A_167 = vector.shape_cast %swap3A_166 : vector<1x16xf32> to vector<16xf32>
      %swap3A_168 = vector.shape_cast %broadcast_in_dim3A_1 : vector<16xf32> to vector<1x16xf32>
      tpu.vector_store %arg11[%swap3A_164, %swap3A_165], %swap3A_168 {strides = array<i32>} : memref<64x128xf32, #tpu.memory_space<vmem>>, vector<1x16xf32>,
      %swap3A_169 = arith.index_cast %scan3A_134 : i32 to index
      %swap3A_170 = arith.constant 112 : index
      %swap3A_171 = tpu.vector_load %arg11[%swap3A_169, %swap3A_170] {strides = array<i32>} : memref<64x128xf32, #tpu.memory_space<vmem>>, vector<1x16xf32>,
      %swap3A_172 = vector.shape_cast %swap3A_171 : vector<1x16xf32> to vector<16xf32>
      %swap3A_173 = vector.shape_cast %broadcast_in_dim3A_1 : vector<16xf32> to vector<1x16xf32>
      tpu.vector_store %arg11[%swap3A_169, %swap3A_170], %swap3A_173 {strides = array<i32>} : memref<64x128xf32, #tpu.memory_space<vmem>>, vector<1x16xf32>,
    }
    %scan3A_14 = arith.constant 64 : i32
    %eq3A = arith.constant 0 : i32
    %eq3A_15 = arith.cmpi eq, %arg1, %eq3A : i32
    %convert_element_type3A = arith.extui %eq3A_15 : i1 to i32
    %cond3A = arith.constant 0 : i32
    %cond3A_16 = arith.cmpi ne, %convert_element_type3A, %cond3A : i32
    scf.if %cond3A_16 {
      "tpu.region"() ({
        %run_scoped3A = tpu.sem_alloc : memref<!tpu.dma_semaphore, #tpu.memory_space<semaphore_mem>>
        %dma_start3A = arith.constant 0 : i32
        %dma_start3A_134 = arith.constant 0 : i32
        %dma_start3A_135 = tpu.memref_slice %arg12[%dma_start3A, %dma_start3A_134] : memref<512x128xf32, #tpu.memory_space<vmem_shared>> -> memref<64x128xf32, #tpu.memory_space<vmem_shared>>
        %dma_start3A_136 = arith.constant 0 : i32
        %dma_start3A_137 = arith.constant 0 : i32
        %dma_start3A_138 = tpu.memref_slice %arg12[%dma_start3A_136, %dma_start3A_137] : memref<512x128xf32, #tpu.memory_space<vmem_shared>> -> memref<64x128xf32, #tpu.memory_space<vmem_shared>>
        tpu.enqueue_dma source(%arg11 : memref<64x128xf32, #tpu.memory_space<vmem>>) target(%dma_start3A_138 : memref<64x128xf32, #tpu.memory_space<vmem_shared>>) target_semaphore(%run_scoped3A : memref<!tpu.dma_semaphore, #tpu.memory_space<semaphore_mem>>)
        %dma_wait3A_139 = arith.constant 0 : i32
        %dma_wait3A_140 = arith.constant 0 : i32
        %dma_wait3A_141 = tpu.memref_slice %arg12[%dma_wait3A_139, %dma_wait3A_140] : memref<512x128xf32, #tpu.memory_space<vmem_shared>> -> memref<64x128xf32, #tpu.memory_space<vmem_shared>>
        %dma_wait3A_142 = arith.constant 0 : i32
        %dma_wait3A_143 = arith.constant 0 : i32
        %dma_wait3A_144 = tpu.memref_slice %arg12[%dma_wait3A_142, %dma_wait3A_143] : memref<512x128xf32, #tpu.memory_space<vmem_shared>> -> memref<64x128xf32, #tpu.memory_space<vmem_shared>>
        tpu.wait_dma2 semaphore(%run_scoped3A : memref<!tpu.dma_semaphore, #tpu.memory_space<semaphore_mem>>) src(%arg11 : memref<64x128xf32, #tpu.memory_space<vmem>>) dst(%dma_wait3A_144 : memref<64x128xf32, #tpu.memory_space<vmem_shared>>)
        tpu.yield
      }) : () -> ()
      "tpu.region"() ({
        %run_scoped3A = tpu.sem_alloc : memref<!tpu.dma_semaphore, #tpu.memory_space<semaphore_mem>>
        %dma_start3A = arith.constant 64 : i32
        %dma_start3A_134 = arith.constant 0 : i32
        %dma_start3A_135 = tpu.memref_slice %arg12[%dma_start3A, %dma_start3A_134] : memref<512x128xf32, #tpu.memory_space<vmem_shared>> -> memref<64x128xf32, #tpu.memory_space<vmem_shared>>
        %dma_start3A_136 = arith.constant 64 : i32
        %dma_start3A_137 = arith.constant 0 : i32
        %dma_start3A_138 = tpu.memref_slice %arg12[%dma_start3A_136, %dma_start3A_137] : memref<512x128xf32, #tpu.memory_space<vmem_shared>> -> memref<64x128xf32, #tpu.memory_space<vmem_shared>>
        tpu.enqueue_dma source(%arg11 : memref<64x128xf32, #tpu.memory_space<vmem>>) target(%dma_start3A_138 : memref<64x128xf32, #tpu.memory_space<vmem_shared>>) target_semaphore(%run_scoped3A : memref<!tpu.dma_semaphore, #tpu.memory_space<semaphore_mem>>)
        %dma_wait3A_139 = arith.constant 64 : i32
        %dma_wait3A_140 = arith.constant 0 : i32
        %dma_wait3A_141 = tpu.memref_slice %arg12[%dma_wait3A_139, %dma_wait3A_140] : memref<512x128xf32, #tpu.memory_space<vmem_shared>> -> memref<64x128xf32, #tpu.memory_space<vmem_shared>>
        %dma_wait3A_142 = arith.constant 64 : i32
        %dma_wait3A_143 = arith.constant 0 : i32
        %dma_wait3A_144 = tpu.memref_slice %arg12[%dma_wait3A_142, %dma_wait3A_143] : memref<512x128xf32, #tpu.memory_space<vmem_shared>> -> memref<64x128xf32, #tpu.memory_space<vmem_shared>>
        tpu.wait_dma2 semaphore(%run_scoped3A : memref<!tpu.dma_semaphore, #tpu.memory_space<semaphore_mem>>) src(%arg11 : memref<64x128xf32, #tpu.memory_space<vmem>>) dst(%dma_wait3A_144 : memref<64x128xf32, #tpu.memory_space<vmem_shared>>)
        tpu.yield
      }) : () -> ()
      "tpu.region"() ({
        %run_scoped3A = tpu.sem_alloc : memref<!tpu.dma_semaphore, #tpu.memory_space<semaphore_mem>>
        %dma_start3A = arith.constant 128 : i32
        %dma_start3A_134 = arith.constant 0 : i32
        %dma_start3A_135 = tpu.memref_slice %arg12[%dma_start3A, %dma_start3A_134] : memref<512x128xf32, #tpu.memory_space<vmem_shared>> -> memref<64x128xf32, #tpu.memory_space<vmem_shared>>
        %dma_start3A_136 = arith.constant 128 : i32
        %dma_start3A_137 = arith.constant 0 : i32
        %dma_start3A_138 = tpu.memref_slice %arg12[%dma_start3A_136, %dma_start3A_137] : memref<512x128xf32, #tpu.memory_space<vmem_shared>> -> memref<64x128xf32, #tpu.memory_space<vmem_shared>>
        tpu.enqueue_dma source(%arg11 : memref<64x128xf32, #tpu.memory_space<vmem>>) target(%dma_start3A_138 : memref<64x128xf32, #tpu.memory_space<vmem_shared>>) target_semaphore(%run_scoped3A : memref<!tpu.dma_semaphore, #tpu.memory_space<semaphore_mem>>)
        %dma_wait3A_139 = arith.constant 128 : i32
        %dma_wait3A_140 = arith.constant 0 : i32
        %dma_wait3A_141 = tpu.memref_slice %arg12[%dma_wait3A_139, %dma_wait3A_140] : memref<512x128xf32, #tpu.memory_space<vmem_shared>> -> memref<64x128xf32, #tpu.memory_space<vmem_shared>>
        %dma_wait3A_142 = arith.constant 128 : i32
        %dma_wait3A_143 = arith.constant 0 : i32
        %dma_wait3A_144 = tpu.memref_slice %arg12[%dma_wait3A_142, %dma_wait3A_143] : memref<512x128xf32, #tpu.memory_space<vmem_shared>> -> memref<64x128xf32, #tpu.memory_space<vmem_shared>>
        tpu.wait_dma2 semaphore(%run_scoped3A : memref<!tpu.dma_semaphore, #tpu.memory_space<semaphore_mem>>) src(%arg11 : memref<64x128xf32, #tpu.memory_space<vmem>>) dst(%dma_wait3A_144 : memref<64x128xf32, #tpu.memory_space<vmem_shared>>)
        tpu.yield
      }) : () -> ()
      "tpu.region"() ({
        %run_scoped3A = tpu.sem_alloc : memref<!tpu.dma_semaphore, #tpu.memory_space<semaphore_mem>>
        %dma_start3A = arith.constant 192 : i32
        %dma_start3A_134 = arith.constant 0 : i32
        %dma_start3A_135 = tpu.memref_slice %arg12[%dma_start3A, %dma_start3A_134] : memref<512x128xf32, #tpu.memory_space<vmem_shared>> -> memref<64x128xf32, #tpu.memory_space<vmem_shared>>
        %dma_start3A_136 = arith.constant 192 : i32
        %dma_start3A_137 = arith.constant 0 : i32
        %dma_start3A_138 = tpu.memref_slice %arg12[%dma_start3A_136, %dma_start3A_137] : memref<512x128xf32, #tpu.memory_space<vmem_shared>> -> memref<64x128xf32, #tpu.memory_space<vmem_shared>>
        tpu.enqueue_dma source(%arg11 : memref<64x128xf32, #tpu.memory_space<vmem>>) target(%dma_start3A_138 : memref<64x128xf32, #tpu.memory_space<vmem_shared>>) target_semaphore(%run_scoped3A : memref<!tpu.dma_semaphore, #tpu.memory_space<semaphore_mem>>)
        %dma_wait3A_139 = arith.constant 192 : i32
        %dma_wait3A_140 = arith.constant 0 : i32
        %dma_wait3A_141 = tpu.memref_slice %arg12[%dma_wait3A_139, %dma_wait3A_140] : memref<512x128xf32, #tpu.memory_space<vmem_shared>> -> memref<64x128xf32, #tpu.memory_space<vmem_shared>>
        %dma_wait3A_142 = arith.constant 192 : i32
        %dma_wait3A_143 = arith.constant 0 : i32
        %dma_wait3A_144 = tpu.memref_slice %arg12[%dma_wait3A_142, %dma_wait3A_143] : memref<512x128xf32, #tpu.memory_space<vmem_shared>> -> memref<64x128xf32, #tpu.memory_space<vmem_shared>>
        tpu.wait_dma2 semaphore(%run_scoped3A : memref<!tpu.dma_semaphore, #tpu.memory_space<semaphore_mem>>) src(%arg11 : memref<64x128xf32, #tpu.memory_space<vmem>>) dst(%dma_wait3A_144 : memref<64x128xf32, #tpu.memory_space<vmem_shared>>)
        tpu.yield
      }) : () -> ()
      "tpu.region"() ({
        %run_scoped3A = tpu.sem_alloc : memref<!tpu.dma_semaphore, #tpu.memory_space<semaphore_mem>>
        %dma_start3A = arith.constant 256 : i32
        %dma_start3A_134 = arith.constant 0 : i32
        %dma_start3A_135 = tpu.memref_slice %arg12[%dma_start3A, %dma_start3A_134] : memref<512x128xf32, #tpu.memory_space<vmem_shared>> -> memref<64x128xf32, #tpu.memory_space<vmem_shared>>
        %dma_start3A_136 = arith.constant 256 : i32
        %dma_start3A_137 = arith.constant 0 : i32
        %dma_start3A_138 = tpu.memref_slice %arg12[%dma_start3A_136, %dma_start3A_137] : memref<512x128xf32, #tpu.memory_space<vmem_shared>> -> memref<64x128xf32, #tpu.memory_space<vmem_shared>>
        tpu.enqueue_dma source(%arg11 : memref<64x128xf32, #tpu.memory_space<vmem>>) target(%dma_start3A_138 : memref<64x128xf32, #tpu.memory_space<vmem_shared>>) target_semaphore(%run_scoped3A : memref<!tpu.dma_semaphore, #tpu.memory_space<semaphore_mem>>)
        %dma_wait3A_139 = arith.constant 256 : i32
        %dma_wait3A_140 = arith.constant 0 : i32
        %dma_wait3A_141 = tpu.memref_slice %arg12[%dma_wait3A_139, %dma_wait3A_140] : memref<512x128xf32, #tpu.memory_space<vmem_shared>> -> memref<64x128xf32, #tpu.memory_space<vmem_shared>>
        %dma_wait3A_142 = arith.constant 256 : i32
        %dma_wait3A_143 = arith.constant 0 : i32
        %dma_wait3A_144 = tpu.memref_slice %arg12[%dma_wait3A_142, %dma_wait3A_143] : memref<512x128xf32, #tpu.memory_space<vmem_shared>> -> memref<64x128xf32, #tpu.memory_space<vmem_shared>>
        tpu.wait_dma2 semaphore(%run_scoped3A : memref<!tpu.dma_semaphore, #tpu.memory_space<semaphore_mem>>) src(%arg11 : memref<64x128xf32, #tpu.memory_space<vmem>>) dst(%dma_wait3A_144 : memref<64x128xf32, #tpu.memory_space<vmem_shared>>)
        tpu.yield
      }) : () -> ()
      "tpu.region"() ({
        %run_scoped3A = tpu.sem_alloc : memref<!tpu.dma_semaphore, #tpu.memory_space<semaphore_mem>>
        %dma_start3A = arith.constant 320 : i32
        %dma_start3A_134 = arith.constant 0 : i32
        %dma_start3A_135 = tpu.memref_slice %arg12[%dma_start3A, %dma_start3A_134] : memref<512x128xf32, #tpu.memory_space<vmem_shared>> -> memref<64x128xf32, #tpu.memory_space<vmem_shared>>
        %dma_start3A_136 = arith.constant 320 : i32
        %dma_start3A_137 = arith.constant 0 : i32
        %dma_start3A_138 = tpu.memref_slice %arg12[%dma_start3A_136, %dma_start3A_137] : memref<512x128xf32, #tpu.memory_space<vmem_shared>> -> memref<64x128xf32, #tpu.memory_space<vmem_shared>>
        tpu.enqueue_dma source(%arg11 : memref<64x128xf32, #tpu.memory_space<vmem>>) target(%dma_start3A_138 : memref<64x128xf32, #tpu.memory_space<vmem_shared>>) target_semaphore(%run_scoped3A : memref<!tpu.dma_semaphore, #tpu.memory_space<semaphore_mem>>)
        %dma_wait3A_139 = arith.constant 320 : i32
        %dma_wait3A_140 = arith.constant 0 : i32
        %dma_wait3A_141 = tpu.memref_slice %arg12[%dma_wait3A_139, %dma_wait3A_140] : memref<512x128xf32, #tpu.memory_space<vmem_shared>> -> memref<64x128xf32, #tpu.memory_space<vmem_shared>>
        %dma_wait3A_142 = arith.constant 320 : i32
        %dma_wait3A_143 = arith.constant 0 : i32
        %dma_wait3A_144 = tpu.memref_slice %arg12[%dma_wait3A_142, %dma_wait3A_143] : memref<512x128xf32, #tpu.memory_space<vmem_shared>> -> memref<64x128xf32, #tpu.memory_space<vmem_shared>>
        tpu.wait_dma2 semaphore(%run_scoped3A : memref<!tpu.dma_semaphore, #tpu.memory_space<semaphore_mem>>) src(%arg11 : memref<64x128xf32, #tpu.memory_space<vmem>>) dst(%dma_wait3A_144 : memref<64x128xf32, #tpu.memory_space<vmem_shared>>)
        tpu.yield
      }) : () -> ()
      "tpu.region"() ({
        %run_scoped3A = tpu.sem_alloc : memref<!tpu.dma_semaphore, #tpu.memory_space<semaphore_mem>>
        %dma_start3A = arith.constant 384 : i32
        %dma_start3A_134 = arith.constant 0 : i32
        %dma_start3A_135 = tpu.memref_slice %arg12[%dma_start3A, %dma_start3A_134] : memref<512x128xf32, #tpu.memory_space<vmem_shared>> -> memref<64x128xf32, #tpu.memory_space<vmem_shared>>
        %dma_start3A_136 = arith.constant 384 : i32
        %dma_start3A_137 = arith.constant 0 : i32
        %dma_start3A_138 = tpu.memref_slice %arg12[%dma_start3A_136, %dma_start3A_137] : memref<512x128xf32, #tpu.memory_space<vmem_shared>> -> memref<64x128xf32, #tpu.memory_space<vmem_shared>>
        tpu.enqueue_dma source(%arg11 : memref<64x128xf32, #tpu.memory_space<vmem>>) target(%dma_start3A_138 : memref<64x128xf32, #tpu.memory_space<vmem_shared>>) target_semaphore(%run_scoped3A : memref<!tpu.dma_semaphore, #tpu.memory_space<semaphore_mem>>)
        %dma_wait3A_139 = arith.constant 384 : i32
        %dma_wait3A_140 = arith.constant 0 : i32
        %dma_wait3A_141 = tpu.memref_slice %arg12[%dma_wait3A_139, %dma_wait3A_140] : memref<512x128xf32, #tpu.memory_space<vmem_shared>> -> memref<64x128xf32, #tpu.memory_space<vmem_shared>>
        %dma_wait3A_142 = arith.constant 384 : i32
        %dma_wait3A_143 = arith.constant 0 : i32
        %dma_wait3A_144 = tpu.memref_slice %arg12[%dma_wait3A_142, %dma_wait3A_143] : memref<512x128xf32, #tpu.memory_space<vmem_shared>> -> memref<64x128xf32, #tpu.memory_space<vmem_shared>>
        tpu.wait_dma2 semaphore(%run_scoped3A : memref<!tpu.dma_semaphore, #tpu.memory_space<semaphore_mem>>) src(%arg11 : memref<64x128xf32, #tpu.memory_space<vmem>>) dst(%dma_wait3A_144 : memref<64x128xf32, #tpu.memory_space<vmem_shared>>)
        tpu.yield
      }) : () -> ()
      "tpu.region"() ({
        %run_scoped3A = tpu.sem_alloc : memref<!tpu.dma_semaphore, #tpu.memory_space<semaphore_mem>>
        %dma_start3A = arith.constant 448 : i32
        %dma_start3A_134 = arith.constant 0 : i32
        %dma_start3A_135 = tpu.memref_slice %arg12[%dma_start3A, %dma_start3A_134] : memref<512x128xf32, #tpu.memory_space<vmem_shared>> -> memref<64x128xf32, #tpu.memory_space<vmem_shared>>
        %dma_start3A_136 = arith.constant 448 : i32
        %dma_start3A_137 = arith.constant 0 : i32
        %dma_start3A_138 = tpu.memref_slice %arg12[%dma_start3A_136, %dma_start3A_137] : memref<512x128xf32, #tpu.memory_space<vmem_shared>> -> memref<64x128xf32, #tpu.memory_space<vmem_shared>>
        tpu.enqueue_dma source(%arg11 : memref<64x128xf32, #tpu.memory_space<vmem>>) target(%dma_start3A_138 : memref<64x128xf32, #tpu.memory_space<vmem_shared>>) target_semaphore(%run_scoped3A : memref<!tpu.dma_semaphore, #tpu.memory_space<semaphore_mem>>)
        %dma_wait3A_139 = arith.constant 448 : i32
        %dma_wait3A_140 = arith.constant 0 : i32
        %dma_wait3A_141 = tpu.memref_slice %arg12[%dma_wait3A_139, %dma_wait3A_140] : memref<512x128xf32, #tpu.memory_space<vmem_shared>> -> memref<64x128xf32, #tpu.memory_space<vmem_shared>>
        %dma_wait3A_142 = arith.constant 448 : i32
        %dma_wait3A_143 = arith.constant 0 : i32
        %dma_wait3A_144 = tpu.memref_slice %arg12[%dma_wait3A_142, %dma_wait3A_143] : memref<512x128xf32, #tpu.memory_space<vmem_shared>> -> memref<64x128xf32, #tpu.memory_space<vmem_shared>>
        tpu.wait_dma2 semaphore(%run_scoped3A : memref<!tpu.dma_semaphore, #tpu.memory_space<semaphore_mem>>) src(%arg11 : memref<64x128xf32, #tpu.memory_space<vmem>>) dst(%dma_wait3A_144 : memref<64x128xf32, #tpu.memory_space<vmem_shared>>)
        tpu.yield
      }) : () -> ()
    } else {
    }
    %barrier3A = arith.constant 0 : index
    tpu.barrier barrier_id(%barrier3A)
    %lt3A = arith.constant 26 : i32
    %lt3A_17 = arith.cmpi slt, %add3A, %lt3A : i32
    %jit3A = arith.constant 8 : i32
    %jit3A_18 = arith.constant 7 : i32
    %select_n3A = arith.select %lt3A_17, %jit3A, %jit3A_18 : i32
    %gt3A = arith.constant 0 : i32
    %gt3A_19 = arith.cmpi sgt, %select_n3A, %gt3A : i32
    %convert_element_type3A_20 = arith.extui %gt3A_19 : i1 to i32
    %cond3A_21 = arith.constant 0 : i32
    %cond3A_22 = arith.cmpi ne, %convert_element_type3A_20, %cond3A_21 : i32
    scf.if %cond3A_22 {
      %add3A_134 = arith.constant 0 : i32
      %add3A_135 = arith.addi %add3A, %add3A_134 : i32
      %mul3A_136 = arith.constant 400 : i32
      %mul3A_137 = arith.muli %add3A_135, %mul3A_136 : i32
      %dma_start3A = arith.constant 0 : i32
      %dma_start3A_138 = tpu.memref_slice %arg2[%mul3A_137, %dma_start3A] : memref<100000x128xf32, #tpu.memory_space<hbm>> -> memref<400x128xf32, #tpu.memory_space<hbm>>
      %dma_start3A_139 = arith.constant 0 : i32
      %dma_start3A_140 = tpu.memref_slice %arg2[%mul3A_137, %dma_start3A_139] : memref<100000x128xf32, #tpu.memory_space<hbm>> -> memref<400x128xf32, #tpu.memory_space<hbm>>
      tpu.enqueue_dma source(%dma_start3A_140 : memref<400x128xf32, #tpu.memory_space<hbm>>) target(%arg6 : memref<400x128xf32, #tpu.memory_space<vmem>>) target_semaphore(%arg13 : memref<!tpu.dma_semaphore, #tpu.memory_space<semaphore_mem>>)
      %add3A_141 = arith.constant 0 : i32
      %add3A_142 = arith.addi %mul3A_137, %add3A_141 : i32
      %dma_start3A_143 = arith.constant 0 : i32
      %dma_start3A_144 = arith.constant 0 : i32
      %dma_start3A_145 = tpu.memref_slice %arg8[%dma_start3A_143, %dma_start3A_144] : memref<5x80xi32, #tpu.memory_space<vmem>> -> memref<1x80xi32, #tpu.memory_space<vmem>>
      %dma_start3A_146 = tpu.memref_squeeze %dma_start3A_145 : memref<1x80xi32, #tpu.memory_space<vmem>> -> memref<80xi32, #tpu.memory_space<vmem>>
      %dma_start3A_147 = tpu.memref_slice %arg3[%add3A_142] : memref<100000xi32, #tpu.memory_space<hbm>> -> memref<80xi32, #tpu.memory_space<hbm>>
      %dma_start3A_148 = arith.constant 0 : i32
      %dma_start3A_149 = tpu.memref_slice %arg8[%dma_start3A_143, %dma_start3A_148] : memref<5x80xi32, #tpu.memory_space<vmem>> -> memref<1x80xi32, #tpu.memory_space<vmem>>
      %dma_start3A_150 = tpu.memref_squeeze %dma_start3A_149 : memref<1x80xi32, #tpu.memory_space<vmem>> -> memref<80xi32, #tpu.memory_space<vmem>>
      %dma_start3A_151 = tpu.memref_slice %arg3[%add3A_142] : memref<100000xi32, #tpu.memory_space<hbm>> -> memref<80xi32, #tpu.memory_space<hbm>>
      tpu.enqueue_dma source(%dma_start3A_151 : memref<80xi32, #tpu.memory_space<hbm>>) target(%dma_start3A_150 : memref<80xi32, #tpu.memory_space<vmem>>) target_semaphore(%arg13 : memref<!tpu.dma_semaphore, #tpu.memory_space<semaphore_mem>>)
      %add3A_152 = arith.constant 80 : i32
      %add3A_153 = arith.addi %mul3A_137, %add3A_152 : i32
      %dma_start3A_154 = arith.constant 1 : i32
      %dma_start3A_155 = arith.constant 0 : i32
      %dma_start3A_156 = tpu.memref_slice %arg8[%dma_start3A_154, %dma_start3A_155] : memref<5x80xi32, #tpu.memory_space<vmem>> -> memref<1x80xi32, #tpu.memory_space<vmem>>
      %dma_start3A_157 = tpu.memref_squeeze %dma_start3A_156 : memref<1x80xi32, #tpu.memory_space<vmem>> -> memref<80xi32, #tpu.memory_space<vmem>>
      %dma_start3A_158 = tpu.memref_slice %arg3[%add3A_153] : memref<100000xi32, #tpu.memory_space<hbm>> -> memref<80xi32, #tpu.memory_space<hbm>>
      %dma_start3A_159 = arith.constant 0 : i32
      %dma_start3A_160 = tpu.memref_slice %arg8[%dma_start3A_154, %dma_start3A_159] : memref<5x80xi32, #tpu.memory_space<vmem>> -> memref<1x80xi32, #tpu.memory_space<vmem>>
      %dma_start3A_161 = tpu.memref_squeeze %dma_start3A_160 : memref<1x80xi32, #tpu.memory_space<vmem>> -> memref<80xi32, #tpu.memory_space<vmem>>
      %dma_start3A_162 = tpu.memref_slice %arg3[%add3A_153] : memref<100000xi32, #tpu.memory_space<hbm>> -> memref<80xi32, #tpu.memory_space<hbm>>
      tpu.enqueue_dma source(%dma_start3A_162 : memref<80xi32, #tpu.memory_space<hbm>>) target(%dma_start3A_161 : memref<80xi32, #tpu.memory_space<vmem>>) target_semaphore(%arg13 : memref<!tpu.dma_semaphore, #tpu.memory_space<semaphore_mem>>)
      %add3A_163 = arith.constant 160 : i32
      %add3A_164 = arith.addi %mul3A_137, %add3A_163 : i32
      %dma_start3A_165 = arith.constant 2 : i32
      %dma_start3A_166 = arith.constant 0 : i32
      %dma_start3A_167 = tpu.memref_slice %arg8[%dma_start3A_165, %dma_start3A_166] : memref<5x80xi32, #tpu.memory_space<vmem>> -> memref<1x80xi32, #tpu.memory_space<vmem>>
      %dma_start3A_168 = tpu.memref_squeeze %dma_start3A_167 : memref<1x80xi32, #tpu.memory_space<vmem>> -> memref<80xi32, #tpu.memory_space<vmem>>
      %dma_start3A_169 = tpu.memref_slice %arg3[%add3A_164] : memref<100000xi32, #tpu.memory_space<hbm>> -> memref<80xi32, #tpu.memory_space<hbm>>
      %dma_start3A_170 = arith.constant 0 : i32
      %dma_start3A_171 = tpu.memref_slice %arg8[%dma_start3A_165, %dma_start3A_170] : memref<5x80xi32, #tpu.memory_space<vmem>> -> memref<1x80xi32, #tpu.memory_space<vmem>>
      %dma_start3A_172 = tpu.memref_squeeze %dma_start3A_171 : memref<1x80xi32, #tpu.memory_space<vmem>> -> memref<80xi32, #tpu.memory_space<vmem>>
      %dma_start3A_173 = tpu.memref_slice %arg3[%add3A_164] : memref<100000xi32, #tpu.memory_space<hbm>> -> memref<80xi32, #tpu.memory_space<hbm>>
      tpu.enqueue_dma source(%dma_start3A_173 : memref<80xi32, #tpu.memory_space<hbm>>) target(%dma_start3A_172 : memref<80xi32, #tpu.memory_space<vmem>>) target_semaphore(%arg13 : memref<!tpu.dma_semaphore, #tpu.memory_space<semaphore_mem>>)
      %add3A_174 = arith.constant 240 : i32
      %add3A_175 = arith.addi %mul3A_137, %add3A_174 : i32
      %dma_start3A_176 = arith.constant 3 : i32
      %dma_start3A_177 = arith.constant 0 : i32
      %dma_start3A_178 = tpu.memref_slice %arg8[%dma_start3A_176, %dma_start3A_177] : memref<5x80xi32, #tpu.memory_space<vmem>> -> memref<1x80xi32, #tpu.memory_space<vmem>>
      %dma_start3A_179 = tpu.memref_squeeze %dma_start3A_178 : memref<1x80xi32, #tpu.memory_space<vmem>> -> memref<80xi32, #tpu.memory_space<vmem>>
      %dma_start3A_180 = tpu.memref_slice %arg3[%add3A_175] : memref<100000xi32, #tpu.memory_space<hbm>> -> memref<80xi32, #tpu.memory_space<hbm>>
      %dma_start3A_181 = arith.constant 0 : i32
      %dma_start3A_182 = tpu.memref_slice %arg8[%dma_start3A_176, %dma_start3A_181] : memref<5x80xi32, #tpu.memory_space<vmem>> -> memref<1x80xi32, #tpu.memory_space<vmem>>
      %dma_start3A_183 = tpu.memref_squeeze %dma_start3A_182 : memref<1x80xi32, #tpu.memory_space<vmem>> -> memref<80xi32, #tpu.memory_space<vmem>>
      %dma_start3A_184 = tpu.memref_slice %arg3[%add3A_175] : memref<100000xi32, #tpu.memory_space<hbm>> -> memref<80xi32, #tpu.memory_space<hbm>>
      tpu.enqueue_dma source(%dma_start3A_184 : memref<80xi32, #tpu.memory_space<hbm>>) target(%dma_start3A_183 : memref<80xi32, #tpu.memory_space<vmem>>) target_semaphore(%arg13 : memref<!tpu.dma_semaphore, #tpu.memory_space<semaphore_mem>>)
      %add3A_185 = arith.constant 320 : i32
      %add3A_186 = arith.addi %mul3A_137, %add3A_185 : i32
      %dma_start3A_187 = arith.constant 4 : i32
      %dma_start3A_188 = arith.constant 0 : i32
      %dma_start3A_189 = tpu.memref_slice %arg8[%dma_start3A_187, %dma_start3A_188] : memref<5x80xi32, #tpu.memory_space<vmem>> -> memref<1x80xi32, #tpu.memory_space<vmem>>
      %dma_start3A_190 = tpu.memref_squeeze %dma_start3A_189 : memref<1x80xi32, #tpu.memory_space<vmem>> -> memref<80xi32, #tpu.memory_space<vmem>>
      %dma_start3A_191 = tpu.memref_slice %arg3[%add3A_186] : memref<100000xi32, #tpu.memory_space<hbm>> -> memref<80xi32, #tpu.memory_space<hbm>>
      %dma_start3A_192 = arith.constant 0 : i32
      %dma_start3A_193 = tpu.memref_slice %arg8[%dma_start3A_187, %dma_start3A_192] : memref<5x80xi32, #tpu.memory_space<vmem>> -> memref<1x80xi32, #tpu.memory_space<vmem>>
      %dma_start3A_194 = tpu.memref_squeeze %dma_start3A_193 : memref<1x80xi32, #tpu.memory_space<vmem>> -> memref<80xi32, #tpu.memory_space<vmem>>
      %dma_start3A_195 = tpu.memref_slice %arg3[%add3A_186] : memref<100000xi32, #tpu.memory_space<hbm>> -> memref<80xi32, #tpu.memory_space<hbm>>
      tpu.enqueue_dma source(%dma_start3A_195 : memref<80xi32, #tpu.memory_space<hbm>>) target(%dma_start3A_194 : memref<80xi32, #tpu.memory_space<vmem>>) target_semaphore(%arg13 : memref<!tpu.dma_semaphore, #tpu.memory_space<semaphore_mem>>)
    } else {
    }
    %scan3A_23 = arith.constant 0 : i32
    %scan3A_24 = arith.constant 0 : i32
    %scan3A_25 = arith.constant 4 : i32
    %scan3A_26 = arith.addi %scan3A_24, %scan3A_25 : i32
    %scan3A_27 = arith.constant 1 : i32
    scf.for %scan3A_134 = %scan3A_24 to %scan3A_26 step %scan3A_27  : i32 {
      %mul3A_135 = arith.constant 2 : i32
      %mul3A_136 = arith.muli %mul3A_135, %scan3A_134 : i32
      %lt3A_137 = arith.cmpi slt, %mul3A_136, %select_n3A : i32
      %convert_element_type3A_138 = arith.extui %lt3A_137 : i1 to i32
      %cond3A_139 = arith.constant 0 : i32
      %cond3A_140 = arith.cmpi ne, %convert_element_type3A_138, %cond3A_139 : i32
      scf.if %cond3A_140 {
        %dma_wait3A_149 = arith.constant 0 : i32
        %dma_wait3A_150 = arith.constant 0 : i32
        %dma_wait3A_151 = tpu.memref_slice %arg2[%dma_wait3A_149, %dma_wait3A_150] : memref<100000x128xf32, #tpu.memory_space<hbm>> -> memref<400x128xf32, #tpu.memory_space<hbm>>
        %dma_wait3A_152 = arith.constant 0 : i32
        %dma_wait3A_153 = arith.constant 0 : i32
        %dma_wait3A_154 = tpu.memref_slice %arg2[%dma_wait3A_152, %dma_wait3A_153] : memref<100000x128xf32, #tpu.memory_space<hbm>> -> memref<400x128xf32, #tpu.memory_space<hbm>>
        tpu.wait_dma2 semaphore(%arg13 : memref<!tpu.dma_semaphore, #tpu.memory_space<semaphore_mem>>) src(%dma_wait3A_154 : memref<400x128xf32, #tpu.memory_space<hbm>>) dst(%arg6 : memref<400x128xf32, #tpu.memory_space<vmem>>)
        %dma_wait3A_155 = arith.constant 0 : i32
        %dma_wait3A_156 = arith.constant 0 : i32
        %dma_wait3A_157 = tpu.memref_slice %arg8[%dma_wait3A_155, %dma_wait3A_156] : memref<5x80xi32, #tpu.memory_space<vmem>> -> memref<1x80xi32, #tpu.memory_space<vmem>>
        %dma_wait3A_158 = tpu.memref_squeeze %dma_wait3A_157 : memref<1x80xi32, #tpu.memory_space<vmem>> -> memref<80xi32, #tpu.memory_space<vmem>>
        %dma_wait3A_159 = arith.constant 0 : i32
        %dma_wait3A_160 = tpu.memref_slice %arg3[%dma_wait3A_159] : memref<100000xi32, #tpu.memory_space<hbm>> -> memref<80xi32, #tpu.memory_space<hbm>>
        %dma_wait3A_161 = arith.constant 0 : i32
        %dma_wait3A_162 = tpu.memref_slice %arg8[%dma_wait3A_155, %dma_wait3A_161] : memref<5x80xi32, #tpu.memory_space<vmem>> -> memref<1x80xi32, #tpu.memory_space<vmem>>
        %dma_wait3A_163 = tpu.memref_squeeze %dma_wait3A_162 : memref<1x80xi32, #tpu.memory_space<vmem>> -> memref<80xi32, #tpu.memory_space<vmem>>
        %dma_wait3A_164 = arith.constant 0 : i32
        %dma_wait3A_165 = tpu.memref_slice %arg3[%dma_wait3A_164] : memref<100000xi32, #tpu.memory_space<hbm>> -> memref<80xi32, #tpu.memory_space<hbm>>
        tpu.wait_dma2 semaphore(%arg13 : memref<!tpu.dma_semaphore, #tpu.memory_space<semaphore_mem>>) src(%dma_wait3A_165 : memref<80xi32, #tpu.memory_space<hbm>>) dst(%dma_wait3A_163 : memref<80xi32, #tpu.memory_space<vmem>>)
        %dma_wait3A_166 = arith.constant 1 : i32
        %dma_wait3A_167 = arith.constant 0 : i32
        %dma_wait3A_168 = tpu.memref_slice %arg8[%dma_wait3A_166, %dma_wait3A_167] : memref<5x80xi32, #tpu.memory_space<vmem>> -> memref<1x80xi32, #tpu.memory_space<vmem>>
        %dma_wait3A_169 = tpu.memref_squeeze %dma_wait3A_168 : memref<1x80xi32, #tpu.memory_space<vmem>> -> memref<80xi32, #tpu.memory_space<vmem>>
        %dma_wait3A_170 = arith.constant 0 : i32
        %dma_wait3A_171 = tpu.memref_slice %arg3[%dma_wait3A_170] : memref<100000xi32, #tpu.memory_space<hbm>> -> memref<80xi32, #tpu.memory_space<hbm>>
        %dma_wait3A_172 = arith.constant 0 : i32
        %dma_wait3A_173 = tpu.memref_slice %arg8[%dma_wait3A_166, %dma_wait3A_172] : memref<5x80xi32, #tpu.memory_space<vmem>> -> memref<1x80xi32, #tpu.memory_space<vmem>>
        %dma_wait3A_174 = tpu.memref_squeeze %dma_wait3A_173 : memref<1x80xi32, #tpu.memory_space<vmem>> -> memref<80xi32, #tpu.memory_space<vmem>>
        %dma_wait3A_175 = arith.constant 0 : i32
        %dma_wait3A_176 = tpu.memref_slice %arg3[%dma_wait3A_175] : memref<100000xi32, #tpu.memory_space<hbm>> -> memref<80xi32, #tpu.memory_space<hbm>>
        tpu.wait_dma2 semaphore(%arg13 : memref<!tpu.dma_semaphore, #tpu.memory_space<semaphore_mem>>) src(%dma_wait3A_176 : memref<80xi32, #tpu.memory_space<hbm>>) dst(%dma_wait3A_174 : memref<80xi32, #tpu.memory_space<vmem>>)
        %dma_wait3A_177 = arith.constant 2 : i32
        %dma_wait3A_178 = arith.constant 0 : i32
        %dma_wait3A_179 = tpu.memref_slice %arg8[%dma_wait3A_177, %dma_wait3A_178] : memref<5x80xi32, #tpu.memory_space<vmem>> -> memref<1x80xi32, #tpu.memory_space<vmem>>
        %dma_wait3A_180 = tpu.memref_squeeze %dma_wait3A_179 : memref<1x80xi32, #tpu.memory_space<vmem>> -> memref<80xi32, #tpu.memory_space<vmem>>
        %dma_wait3A_181 = arith.constant 0 : i32
        %dma_wait3A_182 = tpu.memref_slice %arg3[%dma_wait3A_181] : memref<100000xi32, #tpu.memory_space<hbm>> -> memref<80xi32, #tpu.memory_space<hbm>>
        %dma_wait3A_183 = arith.constant 0 : i32
        %dma_wait3A_184 = tpu.memref_slice %arg8[%dma_wait3A_177, %dma_wait3A_183] : memref<5x80xi32, #tpu.memory_space<vmem>> -> memref<1x80xi32, #tpu.memory_space<vmem>>
        %dma_wait3A_185 = tpu.memref_squeeze %dma_wait3A_184 : memref<1x80xi32, #tpu.memory_space<vmem>> -> memref<80xi32, #tpu.memory_space<vmem>>
        %dma_wait3A_186 = arith.constant 0 : i32
        %dma_wait3A_187 = tpu.memref_slice %arg3[%dma_wait3A_186] : memref<100000xi32, #tpu.memory_space<hbm>> -> memref<80xi32, #tpu.memory_space<hbm>>
        tpu.wait_dma2 semaphore(%arg13 : memref<!tpu.dma_semaphore, #tpu.memory_space<semaphore_mem>>) src(%dma_wait3A_187 : memref<80xi32, #tpu.memory_space<hbm>>) dst(%dma_wait3A_185 : memref<80xi32, #tpu.memory_space<vmem>>)
        %dma_wait3A_188 = arith.constant 3 : i32
        %dma_wait3A_189 = arith.constant 0 : i32
        %dma_wait3A_190 = tpu.memref_slice %arg8[%dma_wait3A_188, %dma_wait3A_189] : memref<5x80xi32, #tpu.memory_space<vmem>> -> memref<1x80xi32, #tpu.memory_space<vmem>>
        %dma_wait3A_191 = tpu.memref_squeeze %dma_wait3A_190 : memref<1x80xi32, #tpu.memory_space<vmem>> -> memref<80xi32, #tpu.memory_space<vmem>>
        %dma_wait3A_192 = arith.constant 0 : i32
        %dma_wait3A_193 = tpu.memref_slice %arg3[%dma_wait3A_192] : memref<100000xi32, #tpu.memory_space<hbm>> -> memref<80xi32, #tpu.memory_space<hbm>>
        %dma_wait3A_194 = arith.constant 0 : i32
        %dma_wait3A_195 = tpu.memref_slice %arg8[%dma_wait3A_188, %dma_wait3A_194] : memref<5x80xi32, #tpu.memory_space<vmem>> -> memref<1x80xi32, #tpu.memory_space<vmem>>
        %dma_wait3A_196 = tpu.memref_squeeze %dma_wait3A_195 : memref<1x80xi32, #tpu.memory_space<vmem>> -> memref<80xi32, #tpu.memory_space<vmem>>
        %dma_wait3A_197 = arith.constant 0 : i32
        %dma_wait3A_198 = tpu.memref_slice %arg3[%dma_wait3A_197] : memref<100000xi32, #tpu.memory_space<hbm>> -> memref<80xi32, #tpu.memory_space<hbm>>
        tpu.wait_dma2 semaphore(%arg13 : memref<!tpu.dma_semaphore, #tpu.memory_space<semaphore_mem>>) src(%dma_wait3A_198 : memref<80xi32, #tpu.memory_space<hbm>>) dst(%dma_wait3A_196 : memref<80xi32, #tpu.memory_space<vmem>>)
        %dma_wait3A_199 = arith.constant 4 : i32
        %dma_wait3A_200 = arith.constant 0 : i32
        %dma_wait3A_201 = tpu.memref_slice %arg8[%dma_wait3A_199, %dma_wait3A_200] : memref<5x80xi32, #tpu.memory_space<vmem>> -> memref<1x80xi32, #tpu.memory_space<vmem>>
        %dma_wait3A_202 = tpu.memref_squeeze %dma_wait3A_201 : memref<1x80xi32, #tpu.memory_space<vmem>> -> memref<80xi32, #tpu.memory_space<vmem>>
        %dma_wait3A_203 = arith.constant 0 : i32
        %dma_wait3A_204 = tpu.memref_slice %arg3[%dma_wait3A_203] : memref<100000xi32, #tpu.memory_space<hbm>> -> memref<80xi32, #tpu.memory_space<hbm>>
        %dma_wait3A_205 = arith.constant 0 : i32
        %dma_wait3A_206 = tpu.memref_slice %arg8[%dma_wait3A_199, %dma_wait3A_205] : memref<5x80xi32, #tpu.memory_space<vmem>> -> memref<1x80xi32, #tpu.memory_space<vmem>>
        %dma_wait3A_207 = tpu.memref_squeeze %dma_wait3A_206 : memref<1x80xi32, #tpu.memory_space<vmem>> -> memref<80xi32, #tpu.memory_space<vmem>>
        %dma_wait3A_208 = arith.constant 0 : i32
        %dma_wait3A_209 = tpu.memref_slice %arg3[%dma_wait3A_208] : memref<100000xi32, #tpu.memory_space<hbm>> -> memref<80xi32, #tpu.memory_space<hbm>>
        tpu.wait_dma2 semaphore(%arg13 : memref<!tpu.dma_semaphore, #tpu.memory_space<semaphore_mem>>) src(%dma_wait3A_209 : memref<80xi32, #tpu.memory_space<hbm>>) dst(%dma_wait3A_207 : memref<80xi32, #tpu.memory_space<vmem>>)
        %add3A_210 = arith.constant 1 : i32
        %add3A_211 = arith.addi %mul3A_136, %add3A_210 : i32
        %lt3A_212 = arith.cmpi slt, %add3A_211, %select_n3A : i32
        %convert_element_type3A_213 = arith.extui %lt3A_212 : i1 to i32
        %cond3A_214 = arith.constant 0 : i32
        %cond3A_215 = arith.cmpi ne, %convert_element_type3A_213, %cond3A_214 : i32
        scf.if %cond3A_215 {
          %ge3A = arith.constant 1 : i32
          %ge3A_271 = arith.cmpi sge, %mul3A_136, %ge3A : i32
          %convert_element_type3A_272 = arith.extui %ge3A_271 : i1 to i32
          %cond3A_273 = arith.constant 0 : i32
          %cond3A_274 = arith.cmpi ne, %convert_element_type3A_272, %cond3A_273 : i32
          scf.if %cond3A_274 {
            %dma_wait3A_341 = arith.constant 0 : i32
            %dma_wait3A_342 = arith.constant 0 : i32
            %dma_wait3A_343 = arith.constant 0 : i32
            %dma_wait3A_344 = tpu.memref_slice %arg7[%dma_wait3A_342, %dma_wait3A_343] : memref<400x128xf32, #tpu.memory_space<vmem>> -> memref<80x128xf32, #tpu.memory_space<vmem>>
            %dma_wait3A_345 = arith.constant 0 : i32
            %dma_wait3A_346 = tpu.memref_slice %arg9[%dma_wait3A_341, %dma_wait3A_345] : memref<5x80xi32, #tpu.memory_space<vmem>> -> memref<1x80xi32, #tpu.memory_space<vmem>>
            %dma_wait3A_347 = tpu.memref_squeeze %dma_wait3A_346 : memref<1x80xi32, #tpu.memory_space<vmem>> -> memref<80xi32, #tpu.memory_space<vmem>>
            %dma_wait3A_348 = arith.constant 0 : i32
            %dma_wait3A_349 = arith.constant 0 : i32
            %dma_wait3A_350 = tpu.memref_slice %arg12[%dma_wait3A_348, %dma_wait3A_349] : memref<512x128xf32, #tpu.memory_space<vmem_shared>> -> memref<512x128xf32, #tpu.memory_space<vmem_shared>>
            tpu.wait_indirect_dma semaphore(%arg16 : memref<!tpu.dma_semaphore, #tpu.memory_space<semaphore_mem>>) src(%dma_wait3A_344 : memref<80x128xf32, #tpu.memory_space<vmem>>) dst(%dma_wait3A_350 : memref<512x128xf32, #tpu.memory_space<vmem_shared>>)
            %dma_wait3A_351 = arith.constant 1 : i32
            %dma_wait3A_352 = arith.constant 80 : i32
            %dma_wait3A_353 = arith.constant 0 : i32
            %dma_wait3A_354 = tpu.memref_slice %arg7[%dma_wait3A_352, %dma_wait3A_353] : memref<400x128xf32, #tpu.memory_space<vmem>> -> memref<80x128xf32, #tpu.memory_space<vmem>>
            %dma_wait3A_355 = arith.constant 0 : i32
            %dma_wait3A_356 = tpu.memref_slice %arg9[%dma_wait3A_351, %dma_wait3A_355] : memref<5x80xi32, #tpu.memory_space<vmem>> -> memref<1x80xi32, #tpu.memory_space<vmem>>
            %dma_wait3A_357 = tpu.memref_squeeze %dma_wait3A_356 : memref<1x80xi32, #tpu.memory_space<vmem>> -> memref<80xi32, #tpu.memory_space<vmem>>
            %dma_wait3A_358 = arith.constant 0 : i32
            %dma_wait3A_359 = arith.constant 0 : i32
            %dma_wait3A_360 = tpu.memref_slice %arg12[%dma_wait3A_358, %dma_wait3A_359] : memref<512x128xf32, #tpu.memory_space<vmem_shared>> -> memref<512x128xf32, #tpu.memory_space<vmem_shared>>
            tpu.wait_indirect_dma semaphore(%arg16 : memref<!tpu.dma_semaphore, #tpu.memory_space<semaphore_mem>>) src(%dma_wait3A_354 : memref<80x128xf32, #tpu.memory_space<vmem>>) dst(%dma_wait3A_360 : memref<512x128xf32, #tpu.memory_space<vmem_shared>>)
            %dma_wait3A_361 = arith.constant 2 : i32
            %dma_wait3A_362 = arith.constant 160 : i32
            %dma_wait3A_363 = arith.constant 0 : i32
            %dma_wait3A_364 = tpu.memref_slice %arg7[%dma_wait3A_362, %dma_wait3A_363] : memref<400x128xf32, #tpu.memory_space<vmem>> -> memref<80x128xf32, #tpu.memory_space<vmem>>
            %dma_wait3A_365 = arith.constant 0 : i32
            %dma_wait3A_366 = tpu.memref_slice %arg9[%dma_wait3A_361, %dma_wait3A_365] : memref<5x80xi32, #tpu.memory_space<vmem>> -> memref<1x80xi32, #tpu.memory_space<vmem>>
            %dma_wait3A_367 = tpu.memref_squeeze %dma_wait3A_366 : memref<1x80xi32, #tpu.memory_space<vmem>> -> memref<80xi32, #tpu.memory_space<vmem>>
            %dma_wait3A_368 = arith.constant 0 : i32
            %dma_wait3A_369 = arith.constant 0 : i32
            %dma_wait3A_370 = tpu.memref_slice %arg12[%dma_wait3A_368, %dma_wait3A_369] : memref<512x128xf32, #tpu.memory_space<vmem_shared>> -> memref<512x128xf32, #tpu.memory_space<vmem_shared>>
            tpu.wait_indirect_dma semaphore(%arg16 : memref<!tpu.dma_semaphore, #tpu.memory_space<semaphore_mem>>) src(%dma_wait3A_364 : memref<80x128xf32, #tpu.memory_space<vmem>>) dst(%dma_wait3A_370 : memref<512x128xf32, #tpu.memory_space<vmem_shared>>)
            %dma_wait3A_371 = arith.constant 3 : i32
            %dma_wait3A_372 = arith.constant 240 : i32
            %dma_wait3A_373 = arith.constant 0 : i32
            %dma_wait3A_374 = tpu.memref_slice %arg7[%dma_wait3A_372, %dma_wait3A_373] : memref<400x128xf32, #tpu.memory_space<vmem>> -> memref<80x128xf32, #tpu.memory_space<vmem>>
            %dma_wait3A_375 = arith.constant 0 : i32
            %dma_wait3A_376 = tpu.memref_slice %arg9[%dma_wait3A_371, %dma_wait3A_375] : memref<5x80xi32, #tpu.memory_space<vmem>> -> memref<1x80xi32, #tpu.memory_space<vmem>>
            %dma_wait3A_377 = tpu.memref_squeeze %dma_wait3A_376 : memref<1x80xi32, #tpu.memory_space<vmem>> -> memref<80xi32, #tpu.memory_space<vmem>>
            %dma_wait3A_378 = arith.constant 0 : i32
            %dma_wait3A_379 = arith.constant 0 : i32
            %dma_wait3A_380 = tpu.memref_slice %arg12[%dma_wait3A_378, %dma_wait3A_379] : memref<512x128xf32, #tpu.memory_space<vmem_shared>> -> memref<512x128xf32, #tpu.memory_space<vmem_shared>>
            tpu.wait_indirect_dma semaphore(%arg16 : memref<!tpu.dma_semaphore, #tpu.memory_space<semaphore_mem>>) src(%dma_wait3A_374 : memref<80x128xf32, #tpu.memory_space<vmem>>) dst(%dma_wait3A_380 : memref<512x128xf32, #tpu.memory_space<vmem_shared>>)
            %dma_wait3A_381 = arith.constant 4 : i32
            %dma_wait3A_382 = arith.constant 320 : i32
            %dma_wait3A_383 = arith.constant 0 : i32
            %dma_wait3A_384 = tpu.memref_slice %arg7[%dma_wait3A_382, %dma_wait3A_383] : memref<400x128xf32, #tpu.memory_space<vmem>> -> memref<80x128xf32, #tpu.memory_space<vmem>>
            %dma_wait3A_385 = arith.constant 0 : i32
            %dma_wait3A_386 = tpu.memref_slice %arg9[%dma_wait3A_381, %dma_wait3A_385] : memref<5x80xi32, #tpu.memory_space<vmem>> -> memref<1x80xi32, #tpu.memory_space<vmem>>
            %dma_wait3A_387 = tpu.memref_squeeze %dma_wait3A_386 : memref<1x80xi32, #tpu.memory_space<vmem>> -> memref<80xi32, #tpu.memory_space<vmem>>
            %dma_wait3A_388 = arith.constant 0 : i32
            %dma_wait3A_389 = arith.constant 0 : i32
            %dma_wait3A_390 = tpu.memref_slice %arg12[%dma_wait3A_388, %dma_wait3A_389] : memref<512x128xf32, #tpu.memory_space<vmem_shared>> -> memref<512x128xf32, #tpu.memory_space<vmem_shared>>
            tpu.wait_indirect_dma semaphore(%arg16 : memref<!tpu.dma_semaphore, #tpu.memory_space<semaphore_mem>>) src(%dma_wait3A_384 : memref<80x128xf32, #tpu.memory_space<vmem>>) dst(%dma_wait3A_390 : memref<512x128xf32, #tpu.memory_space<vmem_shared>>)
          } else {
          }
          %add3A_275 = arith.constant 1 : i32
          %add3A_276 = arith.addi %mul3A_136, %add3A_275 : i32
          %mul3A_277 = arith.constant 32 : i32
          %mul3A_278 = arith.muli %mul3A_277, %add3A_276 : i32
          %add3A_279 = arith.addi %add3A, %mul3A_278 : i32
          %mul3A_280 = arith.constant 400 : i32
          %mul3A_281 = arith.muli %add3A_279, %mul3A_280 : i32
          %dma_start3A_282 = arith.constant 0 : i32
          %dma_start3A_283 = tpu.memref_slice %arg2[%mul3A_281, %dma_start3A_282] : memref<100000x128xf32, #tpu.memory_space<hbm>> -> memref<400x128xf32, #tpu.memory_space<hbm>>
          %dma_start3A_284 = arith.constant 0 : i32
          %dma_start3A_285 = tpu.memref_slice %arg2[%mul3A_281, %dma_start3A_284] : memref<100000x128xf32, #tpu.memory_space<hbm>> -> memref<400x128xf32, #tpu.memory_space<hbm>>
          tpu.enqueue_dma source(%dma_start3A_285 : memref<400x128xf32, #tpu.memory_space<hbm>>) target(%arg7 : memref<400x128xf32, #tpu.memory_space<vmem>>) target_semaphore(%arg14 : memref<!tpu.dma_semaphore, #tpu.memory_space<semaphore_mem>>)
          %add3A_286 = arith.constant 0 : i32
          %add3A_287 = arith.addi %mul3A_281, %add3A_286 : i32
          %dma_start3A_288 = arith.constant 0 : i32
          %dma_start3A_289 = arith.constant 0 : i32
          %dma_start3A_290 = tpu.memref_slice %arg9[%dma_start3A_288, %dma_start3A_289] : memref<5x80xi32, #tpu.memory_space<vmem>> -> memref<1x80xi32, #tpu.memory_space<vmem>>
          %dma_start3A_291 = tpu.memref_squeeze %dma_start3A_290 : memref<1x80xi32, #tpu.memory_space<vmem>> -> memref<80xi32, #tpu.memory_space<vmem>>
          %dma_start3A_292 = tpu.memref_slice %arg3[%add3A_287] : memref<100000xi32, #tpu.memory_space<hbm>> -> memref<80xi32, #tpu.memory_space<hbm>>
          %dma_start3A_293 = arith.constant 0 : i32
          %dma_start3A_294 = tpu.memref_slice %arg9[%dma_start3A_288, %dma_start3A_293] : memref<5x80xi32, #tpu.memory_space<vmem>> -> memref<1x80xi32, #tpu.memory_space<vmem>>
          %dma_start3A_295 = tpu.memref_squeeze %dma_start3A_294 : memref<1x80xi32, #tpu.memory_space<vmem>> -> memref<80xi32, #tpu.memory_space<vmem>>
          %dma_start3A_296 = tpu.memref_slice %arg3[%add3A_287] : memref<100000xi32, #tpu.memory_space<hbm>> -> memref<80xi32, #tpu.memory_space<hbm>>
          tpu.enqueue_dma source(%dma_start3A_296 : memref<80xi32, #tpu.memory_space<hbm>>) target(%dma_start3A_295 : memref<80xi32, #tpu.memory_space<vmem>>) target_semaphore(%arg14 : memref<!tpu.dma_semaphore, #tpu.memory_space<semaphore_mem>>)
          %add3A_297 = arith.constant 80 : i32
          %add3A_298 = arith.addi %mul3A_281, %add3A_297 : i32
          %dma_start3A_299 = arith.constant 1 : i32
          %dma_start3A_300 = arith.constant 0 : i32
          %dma_start3A_301 = tpu.memref_slice %arg9[%dma_start3A_299, %dma_start3A_300] : memref<5x80xi32, #tpu.memory_space<vmem>> -> memref<1x80xi32, #tpu.memory_space<vmem>>
          %dma_start3A_302 = tpu.memref_squeeze %dma_start3A_301 : memref<1x80xi32, #tpu.memory_space<vmem>> -> memref<80xi32, #tpu.memory_space<vmem>>
          %dma_start3A_303 = tpu.memref_slice %arg3[%add3A_298] : memref<100000xi32, #tpu.memory_space<hbm>> -> memref<80xi32, #tpu.memory_space<hbm>>
          %dma_start3A_304 = arith.constant 0 : i32
          %dma_start3A_305 = tpu.memref_slice %arg9[%dma_start3A_299, %dma_start3A_304] : memref<5x80xi32, #tpu.memory_space<vmem>> -> memref<1x80xi32, #tpu.memory_space<vmem>>
          %dma_start3A_306 = tpu.memref_squeeze %dma_start3A_305 : memref<1x80xi32, #tpu.memory_space<vmem>> -> memref<80xi32, #tpu.memory_space<vmem>>
          %dma_start3A_307 = tpu.memref_slice %arg3[%add3A_298] : memref<100000xi32, #tpu.memory_space<hbm>> -> memref<80xi32, #tpu.memory_space<hbm>>
          tpu.enqueue_dma source(%dma_start3A_307 : memref<80xi32, #tpu.memory_space<hbm>>) target(%dma_start3A_306 : memref<80xi32, #tpu.memory_space<vmem>>) target_semaphore(%arg14 : memref<!tpu.dma_semaphore, #tpu.memory_space<semaphore_mem>>)
          %add3A_308 = arith.constant 160 : i32
          %add3A_309 = arith.addi %mul3A_281, %add3A_308 : i32
          %dma_start3A_310 = arith.constant 2 : i32
          %dma_start3A_311 = arith.constant 0 : i32
          %dma_start3A_312 = tpu.memref_slice %arg9[%dma_start3A_310, %dma_start3A_311] : memref<5x80xi32, #tpu.memory_space<vmem>> -> memref<1x80xi32, #tpu.memory_space<vmem>>
          %dma_start3A_313 = tpu.memref_squeeze %dma_start3A_312 : memref<1x80xi32, #tpu.memory_space<vmem>> -> memref<80xi32, #tpu.memory_space<vmem>>
          %dma_start3A_314 = tpu.memref_slice %arg3[%add3A_309] : memref<100000xi32, #tpu.memory_space<hbm>> -> memref<80xi32, #tpu.memory_space<hbm>>
          %dma_start3A_315 = arith.constant 0 : i32
          %dma_start3A_316 = tpu.memref_slice %arg9[%dma_start3A_310, %dma_start3A_315] : memref<5x80xi32, #tpu.memory_space<vmem>> -> memref<1x80xi32, #tpu.memory_space<vmem>>
          %dma_start3A_317 = tpu.memref_squeeze %dma_start3A_316 : memref<1x80xi32, #tpu.memory_space<vmem>> -> memref<80xi32, #tpu.memory_space<vmem>>
          %dma_start3A_318 = tpu.memref_slice %arg3[%add3A_309] : memref<100000xi32, #tpu.memory_space<hbm>> -> memref<80xi32, #tpu.memory_space<hbm>>
          tpu.enqueue_dma source(%dma_start3A_318 : memref<80xi32, #tpu.memory_space<hbm>>) target(%dma_start3A_317 : memref<80xi32, #tpu.memory_space<vmem>>) target_semaphore(%arg14 : memref<!tpu.dma_semaphore, #tpu.memory_space<semaphore_mem>>)
          %add3A_319 = arith.constant 240 : i32
          %add3A_320 = arith.addi %mul3A_281, %add3A_319 : i32
          %dma_start3A_321 = arith.constant 3 : i32
          %dma_start3A_322 = arith.constant 0 : i32
          %dma_start3A_323 = tpu.memref_slice %arg9[%dma_start3A_321, %dma_start3A_322] : memref<5x80xi32, #tpu.memory_space<vmem>> -> memref<1x80xi32, #tpu.memory_space<vmem>>
          %dma_start3A_324 = tpu.memref_squeeze %dma_start3A_323 : memref<1x80xi32, #tpu.memory_space<vmem>> -> memref<80xi32, #tpu.memory_space<vmem>>
          %dma_start3A_325 = tpu.memref_slice %arg3[%add3A_320] : memref<100000xi32, #tpu.memory_space<hbm>> -> memref<80xi32, #tpu.memory_space<hbm>>
          %dma_start3A_326 = arith.constant 0 : i32
          %dma_start3A_327 = tpu.memref_slice %arg9[%dma_start3A_321, %dma_start3A_326] : memref<5x80xi32, #tpu.memory_space<vmem>> -> memref<1x80xi32, #tpu.memory_space<vmem>>
          %dma_start3A_328 = tpu.memref_squeeze %dma_start3A_327 : memref<1x80xi32, #tpu.memory_space<vmem>> -> memref<80xi32, #tpu.memory_space<vmem>>
          %dma_start3A_329 = tpu.memref_slice %arg3[%add3A_320] : memref<100000xi32, #tpu.memory_space<hbm>> -> memref<80xi32, #tpu.memory_space<hbm>>
          tpu.enqueue_dma source(%dma_start3A_329 : memref<80xi32, #tpu.memory_space<hbm>>) target(%dma_start3A_328 : memref<80xi32, #tpu.memory_space<vmem>>) target_semaphore(%arg14 : memref<!tpu.dma_semaphore, #tpu.memory_space<semaphore_mem>>)
          %add3A_330 = arith.constant 320 : i32
          %add3A_331 = arith.addi %mul3A_281, %add3A_330 : i32
          %dma_start3A_332 = arith.constant 4 : i32
          %dma_start3A_333 = arith.constant 0 : i32
          %dma_start3A_334 = tpu.memref_slice %arg9[%dma_start3A_332, %dma_start3A_333] : memref<5x80xi32, #tpu.memory_space<vmem>> -> memref<1x80xi32, #tpu.memory_space<vmem>>
          %dma_start3A_335 = tpu.memref_squeeze %dma_start3A_334 : memref<1x80xi32, #tpu.memory_space<vmem>> -> memref<80xi32, #tpu.memory_space<vmem>>
          %dma_start3A_336 = tpu.memref_slice %arg3[%add3A_331] : memref<100000xi32, #tpu.memory_space<hbm>> -> memref<80xi32, #tpu.memory_space<hbm>>
          %dma_start3A_337 = arith.constant 0 : i32
          %dma_start3A_338 = tpu.memref_slice %arg9[%dma_start3A_332, %dma_start3A_337] : memref<5x80xi32, #tpu.memory_space<vmem>> -> memref<1x80xi32, #tpu.memory_space<vmem>>
          %dma_start3A_339 = tpu.memref_squeeze %dma_start3A_338 : memref<1x80xi32, #tpu.memory_space<vmem>> -> memref<80xi32, #tpu.memory_space<vmem>>
          %dma_start3A_340 = tpu.memref_slice %arg3[%add3A_331] : memref<100000xi32, #tpu.memory_space<hbm>> -> memref<80xi32, #tpu.memory_space<hbm>>
          tpu.enqueue_dma source(%dma_start3A_340 : memref<80xi32, #tpu.memory_space<hbm>>) target(%dma_start3A_339 : memref<80xi32, #tpu.memory_space<vmem>>) target_semaphore(%arg14 : memref<!tpu.dma_semaphore, #tpu.memory_space<semaphore_mem>>)
        } else {
        }
        %dma_start3A = arith.constant 0 : i32
        %dma_start3A_216 = arith.constant 0 : i32
        %dma_start3A_217 = arith.constant 0 : i32
        %dma_start3A_218 = tpu.memref_slice %arg6[%dma_start3A_216, %dma_start3A_217] : memref<400x128xf32, #tpu.memory_space<vmem>> -> memref<80x128xf32, #tpu.memory_space<vmem>>
        %dma_start3A_219 = arith.constant 0 : i32
        %dma_start3A_220 = tpu.memref_slice %arg8[%dma_start3A, %dma_start3A_219] : memref<5x80xi32, #tpu.memory_space<vmem>> -> memref<1x80xi32, #tpu.memory_space<vmem>>
        %dma_start3A_221 = tpu.memref_squeeze %dma_start3A_220 : memref<1x80xi32, #tpu.memory_space<vmem>> -> memref<80xi32, #tpu.memory_space<vmem>>
        %dma_start3A_222 = arith.constant 0 : i32
        %dma_start3A_223 = arith.constant 0 : i32
        %dma_start3A_224 = tpu.memref_slice %arg12[%dma_start3A_222, %dma_start3A_223] : memref<512x128xf32, #tpu.memory_space<vmem_shared>> -> memref<512x128xf32, #tpu.memory_space<vmem_shared>>
        tpu.enqueue_indirect_dma source(%dma_start3A_218 : memref<80x128xf32, #tpu.memory_space<vmem>>) target(%dma_start3A_224 : memref<512x128xf32, #tpu.memory_space<vmem_shared>>) offsets(%dma_start3A_221 : memref<80xi32, #tpu.memory_space<vmem>>) semaphore(%arg15 : memref<!tpu.dma_semaphore, #tpu.memory_space<semaphore_mem>>) {add = true}
        %dma_start3A_225 = arith.constant 1 : i32
        %dma_start3A_226 = arith.constant 80 : i32
        %dma_start3A_227 = arith.constant 0 : i32
        %dma_start3A_228 = tpu.memref_slice %arg6[%dma_start3A_226, %dma_start3A_227] : memref<400x128xf32, #tpu.memory_space<vmem>> -> memref<80x128xf32, #tpu.memory_space<vmem>>
        %dma_start3A_229 = arith.constant 0 : i32
        %dma_start3A_230 = tpu.memref_slice %arg8[%dma_start3A_225, %dma_start3A_229] : memref<5x80xi32, #tpu.memory_space<vmem>> -> memref<1x80xi32, #tpu.memory_space<vmem>>
        %dma_start3A_231 = tpu.memref_squeeze %dma_start3A_230 : memref<1x80xi32, #tpu.memory_space<vmem>> -> memref<80xi32, #tpu.memory_space<vmem>>
        %dma_start3A_232 = arith.constant 0 : i32
        %dma_start3A_233 = arith.constant 0 : i32
        %dma_start3A_234 = tpu.memref_slice %arg12[%dma_start3A_232, %dma_start3A_233] : memref<512x128xf32, #tpu.memory_space<vmem_shared>> -> memref<512x128xf32, #tpu.memory_space<vmem_shared>>
        tpu.enqueue_indirect_dma source(%dma_start3A_228 : memref<80x128xf32, #tpu.memory_space<vmem>>) target(%dma_start3A_234 : memref<512x128xf32, #tpu.memory_space<vmem_shared>>) offsets(%dma_start3A_231 : memref<80xi32, #tpu.memory_space<vmem>>) semaphore(%arg15 : memref<!tpu.dma_semaphore, #tpu.memory_space<semaphore_mem>>) {add = true}
        %dma_start3A_235 = arith.constant 2 : i32
        %dma_start3A_236 = arith.constant 160 : i32
        %dma_start3A_237 = arith.constant 0 : i32
        %dma_start3A_238 = tpu.memref_slice %arg6[%dma_start3A_236, %dma_start3A_237] : memref<400x128xf32, #tpu.memory_space<vmem>> -> memref<80x128xf32, #tpu.memory_space<vmem>>
        %dma_start3A_239 = arith.constant 0 : i32
        %dma_start3A_240 = tpu.memref_slice %arg8[%dma_start3A_235, %dma_start3A_239] : memref<5x80xi32, #tpu.memory_space<vmem>> -> memref<1x80xi32, #tpu.memory_space<vmem>>
        %dma_start3A_241 = tpu.memref_squeeze %dma_start3A_240 : memref<1x80xi32, #tpu.memory_space<vmem>> -> memref<80xi32, #tpu.memory_space<vmem>>
        %dma_start3A_242 = arith.constant 0 : i32
        %dma_start3A_243 = arith.constant 0 : i32
        %dma_start3A_244 = tpu.memref_slice %arg12[%dma_start3A_242, %dma_start3A_243] : memref<512x128xf32, #tpu.memory_space<vmem_shared>> -> memref<512x128xf32, #tpu.memory_space<vmem_shared>>
        tpu.enqueue_indirect_dma source(%dma_start3A_238 : memref<80x128xf32, #tpu.memory_space<vmem>>) target(%dma_start3A_244 : memref<512x128xf32, #tpu.memory_space<vmem_shared>>) offsets(%dma_start3A_241 : memref<80xi32, #tpu.memory_space<vmem>>) semaphore(%arg15 : memref<!tpu.dma_semaphore, #tpu.memory_space<semaphore_mem>>) {add = true}
        %dma_start3A_245 = arith.constant 3 : i32
        %dma_start3A_246 = arith.constant 240 : i32
        %dma_start3A_247 = arith.constant 0 : i32
        %dma_start3A_248 = tpu.memref_slice %arg6[%dma_start3A_246, %dma_start3A_247] : memref<400x128xf32, #tpu.memory_space<vmem>> -> memref<80x128xf32, #tpu.memory_space<vmem>>
        %dma_start3A_249 = arith.constant 0 : i32
        %dma_start3A_250 = tpu.memref_slice %arg8[%dma_start3A_245, %dma_start3A_249] : memref<5x80xi32, #tpu.memory_space<vmem>> -> memref<1x80xi32, #tpu.memory_space<vmem>>
        %dma_start3A_251 = tpu.memref_squeeze %dma_start3A_250 : memref<1x80xi32, #tpu.memory_space<vmem>> -> memref<80xi32, #tpu.memory_space<vmem>>
        %dma_start3A_252 = arith.constant 0 : i32
        %dma_start3A_253 = arith.constant 0 : i32
        %dma_start3A_254 = tpu.memref_slice %arg12[%dma_start3A_252, %dma_start3A_253] : memref<512x128xf32, #tpu.memory_space<vmem_shared>> -> memref<512x128xf32, #tpu.memory_space<vmem_shared>>
        tpu.enqueue_indirect_dma source(%dma_start3A_248 : memref<80x128xf32, #tpu.memory_space<vmem>>) target(%dma_start3A_254 : memref<512x128xf32, #tpu.memory_space<vmem_shared>>) offsets(%dma_start3A_251 : memref<80xi32, #tpu.memory_space<vmem>>) semaphore(%arg15 : memref<!tpu.dma_semaphore, #tpu.memory_space<semaphore_mem>>) {add = true}
        %dma_start3A_255 = arith.constant 4 : i32
        %dma_start3A_256 = arith.constant 320 : i32
        %dma_start3A_257 = arith.constant 0 : i32
        %dma_start3A_258 = tpu.memref_slice %arg6[%dma_start3A_256, %dma_start3A_257] : memref<400x128xf32, #tpu.memory_space<vmem>> -> memref<80x128xf32, #tpu.memory_space<vmem>>
        %dma_start3A_259 = arith.constant 0 : i32
        %dma_start3A_260 = tpu.memref_slice %arg8[%dma_start3A_255, %dma_start3A_259] : memref<5x80xi32, #tpu.memory_space<vmem>> -> memref<1x80xi32, #tpu.memory_space<vmem>>
        %dma_start3A_261 = tpu.memref_squeeze %dma_start3A_260 : memref<1x80xi32, #tpu.memory_space<vmem>> -> memref<80xi32, #tpu.memory_space<vmem>>
        %dma_start3A_262 = arith.constant 0 : i32
        %dma_start3A_263 = arith.constant 0 : i32
        %dma_start3A_264 = tpu.memref_slice %arg12[%dma_start3A_262, %dma_start3A_263] : memref<512x128xf32, #tpu.memory_space<vmem_shared>> -> memref<512x128xf32, #tpu.memory_space<vmem_shared>>
        tpu.enqueue_indirect_dma source(%dma_start3A_258 : memref<80x128xf32, #tpu.memory_space<vmem>>) target(%dma_start3A_264 : memref<512x128xf32, #tpu.memory_space<vmem_shared>>) offsets(%dma_start3A_261 : memref<80xi32, #tpu.memory_space<vmem>>) semaphore(%arg15 : memref<!tpu.dma_semaphore, #tpu.memory_space<semaphore_mem>>) {add = true}
        %scan3A_265 = arith.constant 0 : i32
        %scan3A_266 = arith.constant 0 : i32
        %scan3A_267 = arith.constant 25 : i32
        %scan3A_268 = arith.addi %scan3A_266, %scan3A_267 : i32
        %scan3A_269 = arith.constant 1 : i32
        scf.for %scan3A_271 = %scan3A_266 to %scan3A_268 step %scan3A_269  : i32 {
          %jit3A_272 = arith.constant 5 : i32
          %div3A = arith.divsi %scan3A_271, %jit3A_272 : i32
          %sign3A = arith.constant 0 : i32
          %sign3A_273 = arith.cmpi sgt, %scan3A_271, %sign3A : i32
          %sign3A_274 = arith.extui %sign3A_273 : i1 to i32
          %sign3A_275 = arith.constant 0 : i32
          %sign3A_276 = arith.cmpi slt, %scan3A_271, %sign3A_275 : i32
          %sign3A_277 = arith.extui %sign3A_276 : i1 to i32
          %sign3A_278 = arith.subi %sign3A_274, %sign3A_277 : i32
          %sign3A_279 = arith.constant 0 : i32
          %sign3A_280 = arith.cmpi sgt, %jit3A_272, %sign3A_279 : i32
          %sign3A_281 = arith.extui %sign3A_280 : i1 to i32
          %sign3A_282 = arith.constant 0 : i32
          %sign3A_283 = arith.cmpi slt, %jit3A_272, %sign3A_282 : i32
          %sign3A_284 = arith.extui %sign3A_283 : i1 to i32
          %sign3A_285 = arith.subi %sign3A_281, %sign3A_284 : i32
          %ne3A = arith.cmpi ne, %sign3A_278, %sign3A_285 : i32
          %rem3A = arith.remsi %scan3A_271, %jit3A_272 : i32
          %ne3A_286 = arith.constant 0 : i32
          %ne3A_287 = arith.cmpi ne, %rem3A, %ne3A_286 : i32
          %and3A = arith.andi %ne3A, %ne3A_287 : i1
          %sub3A = arith.constant 1 : i32
          %sub3A_288 = arith.subi %div3A, %sub3A : i32
          %select_n3A_289 = arith.select %and3A, %sub3A_288, %div3A : i32
          %jit3A_290 = arith.constant 5 : i32
          %eq3A_291 = arith.constant 0 : i32
          %eq3A_292 = arith.cmpi eq, %jit3A_290, %eq3A_291 : i32
          %jit3A_293 = arith.constant 1 : i32
          %select_n3A_294 = arith.select %eq3A_292, %jit3A_293, %jit3A_290 : i32
          %rem3A_295 = arith.remsi %scan3A_271, %select_n3A_294 : i32
          %ne3A_296 = arith.constant 0 : i32
          %ne3A_297 = arith.cmpi ne, %rem3A_295, %ne3A_296 : i32
          %lt3A_298 = arith.constant 0 : i32
          %lt3A_299 = arith.cmpi slt, %rem3A_295, %lt3A_298 : i32
          %lt3A_300 = arith.constant 0 : i32
          %lt3A_301 = arith.cmpi slt, %select_n3A_294, %lt3A_300 : i32
          %ne3A_302 = arith.xori %lt3A_299, %lt3A_301 : i1
          %and3A_303 = arith.andi %ne3A_302, %ne3A_297 : i1
          %add3A_304 = arith.addi %rem3A_295, %select_n3A_294 : i32
          %select_n3A_305 = arith.select %and3A_303, %add3A_304, %rem3A_295 : i32
          %mul3A_306 = arith.constant 16 : i32
          %mul3A_307 = arith.muli %select_n3A_305, %mul3A_306 : i32
          %get3A = arith.index_cast %select_n3A_289 : i32 to index
          %get3A_308 = arith.index_cast %mul3A_307 : i32 to index
          %get3A_309 = tpu.vector_load %arg8[%get3A, %get3A_308] {strides = array<i32>} : memref<5x80xi32, #tpu.memory_space<vmem>>, vector<1x16xi32>,
          %get3A_310 = vector.shape_cast %get3A_309 : vector<1x16xi32> to vector<16xi32>
          %slice3A = vector.extract_strided_slice %get3A_310 {offsets = [0], sizes = [1], strides = [1]} : vector<16xi32> to vector<1xi32>
          %squeeze3A = vector.extract %slice3A[0] : i32 from vector<1xi32>
          %jit3A_311 = arith.constant 8 : i32
          %div3A_312 = arith.divsi %squeeze3A, %jit3A_311 : i32
          %sign3A_313 = arith.constant 0 : i32
          %sign3A_314 = arith.cmpi sgt, %squeeze3A, %sign3A_313 : i32
          %sign3A_315 = arith.extui %sign3A_314 : i1 to i32
          %sign3A_316 = arith.constant 0 : i32
          %sign3A_317 = arith.cmpi slt, %squeeze3A, %sign3A_316 : i32
          %sign3A_318 = arith.extui %sign3A_317 : i1 to i32
          %sign3A_319 = arith.subi %sign3A_315, %sign3A_318 : i32
          %sign3A_320 = arith.constant 0 : i32
          %sign3A_321 = arith.cmpi sgt, %jit3A_311, %sign3A_320 : i32
          %sign3A_322 = arith.extui %sign3A_321 : i1 to i32
          %sign3A_323 = arith.constant 0 : i32
          %sign3A_324 = arith.cmpi slt, %jit3A_311, %sign3A_323 : i32
          %sign3A_325 = arith.extui %sign3A_324 : i1 to i32
          %sign3A_326 = arith.subi %sign3A_322, %sign3A_325 : i32
          %ne3A_327 = arith.cmpi ne, %sign3A_319, %sign3A_326 : i32
          %rem3A_328 = arith.remsi %squeeze3A, %jit3A_311 : i32
          %ne3A_329 = arith.constant 0 : i32
          %ne3A_330 = arith.cmpi ne, %rem3A_328, %ne3A_329 : i32
          %and3A_331 = arith.andi %ne3A_327, %ne3A_330 : i1
          %sub3A_332 = arith.constant 1 : i32
          %sub3A_333 = arith.subi %div3A_312, %sub3A_332 : i32
          %select_n3A_334 = arith.select %and3A_331, %sub3A_333, %div3A_312 : i32
          %jit3A_335 = arith.constant 8 : i32
          %eq3A_336 = arith.constant 0 : i32
          %eq3A_337 = arith.cmpi eq, %jit3A_335, %eq3A_336 : i32
          %jit3A_338 = arith.constant 1 : i32
          %select_n3A_339 = arith.select %eq3A_337, %jit3A_338, %jit3A_335 : i32
          %rem3A_340 = arith.remsi %squeeze3A, %select_n3A_339 : i32
          %ne3A_341 = arith.constant 0 : i32
          %ne3A_342 = arith.cmpi ne, %rem3A_340, %ne3A_341 : i32
          %lt3A_343 = arith.constant 0 : i32
          %lt3A_344 = arith.cmpi slt, %rem3A_340, %lt3A_343 : i32
          %lt3A_345 = arith.constant 0 : i32
          %lt3A_346 = arith.cmpi slt, %select_n3A_339, %lt3A_345 : i32
          %ne3A_347 = arith.xori %lt3A_344, %lt3A_346 : i1
          %and3A_348 = arith.andi %ne3A_347, %ne3A_342 : i1
          %add3A_349 = arith.addi %rem3A_340, %select_n3A_339 : i32
          %select_n3A_350 = arith.select %and3A_348, %add3A_349, %rem3A_340 : i32
          %mul3A_351 = arith.constant 16 : i32
          %mul3A_352 = arith.muli %select_n3A_350, %mul3A_351 : i32
          %swap3A = arith.index_cast %select_n3A_334 : i32 to index
          %swap3A_353 = arith.index_cast %mul3A_352 : i32 to index
          %swap3A_354 = tpu.vector_load %arg10[%swap3A, %swap3A_353] {strides = array<i32>} : memref<64x128xf32, #tpu.memory_space<vmem>>, vector<1x16xf32>,
          %swap3A_355 = vector.shape_cast %swap3A_354 : vector<1x16xf32> to vector<16xf32>
          %swap3A_356 = vector.shape_cast %broadcast_in_dim3A_3 : vector<16xf32> to vector<1x16xf32>
          tpu.vector_store %arg10[%swap3A, %swap3A_353], %swap3A_356 {add = true, strides = array<i32>} : memref<64x128xf32, #tpu.memory_space<vmem>>, vector<1x16xf32>,
          %slice3A_357 = vector.extract_strided_slice %get3A_310 {offsets = [1], sizes = [1], strides = [1]} : vector<16xi32> to vector<1xi32>
          %squeeze3A_358 = vector.extract %slice3A_357[0] : i32 from vector<1xi32>
          %jit3A_359 = arith.constant 8 : i32
          %div3A_360 = arith.divsi %squeeze3A_358, %jit3A_359 : i32
          %sign3A_361 = arith.constant 0 : i32
          %sign3A_362 = arith.cmpi sgt, %squeeze3A_358, %sign3A_361 : i32
          %sign3A_363 = arith.extui %sign3A_362 : i1 to i32
          %sign3A_364 = arith.constant 0 : i32
          %sign3A_365 = arith.cmpi slt, %squeeze3A_358, %sign3A_364 : i32
          %sign3A_366 = arith.extui %sign3A_365 : i1 to i32
          %sign3A_367 = arith.subi %sign3A_363, %sign3A_366 : i32
          %sign3A_368 = arith.constant 0 : i32
          %sign3A_369 = arith.cmpi sgt, %jit3A_359, %sign3A_368 : i32
          %sign3A_370 = arith.extui %sign3A_369 : i1 to i32
          %sign3A_371 = arith.constant 0 : i32
          %sign3A_372 = arith.cmpi slt, %jit3A_359, %sign3A_371 : i32
          %sign3A_373 = arith.extui %sign3A_372 : i1 to i32
          %sign3A_374 = arith.subi %sign3A_370, %sign3A_373 : i32
          %ne3A_375 = arith.cmpi ne, %sign3A_367, %sign3A_374 : i32
          %rem3A_376 = arith.remsi %squeeze3A_358, %jit3A_359 : i32
          %ne3A_377 = arith.constant 0 : i32
          %ne3A_378 = arith.cmpi ne, %rem3A_376, %ne3A_377 : i32
          %and3A_379 = arith.andi %ne3A_375, %ne3A_378 : i1
          %sub3A_380 = arith.constant 1 : i32
          %sub3A_381 = arith.subi %div3A_360, %sub3A_380 : i32
          %select_n3A_382 = arith.select %and3A_379, %sub3A_381, %div3A_360 : i32
          %jit3A_383 = arith.constant 8 : i32
          %eq3A_384 = arith.constant 0 : i32
          %eq3A_385 = arith.cmpi eq, %jit3A_383, %eq3A_384 : i32
          %jit3A_386 = arith.constant 1 : i32
          %select_n3A_387 = arith.select %eq3A_385, %jit3A_386, %jit3A_383 : i32
          %rem3A_388 = arith.remsi %squeeze3A_358, %select_n3A_387 : i32
          %ne3A_389 = arith.constant 0 : i32
          %ne3A_390 = arith.cmpi ne, %rem3A_388, %ne3A_389 : i32
          %lt3A_391 = arith.constant 0 : i32
          %lt3A_392 = arith.cmpi slt, %rem3A_388, %lt3A_391 : i32
          %lt3A_393 = arith.constant 0 : i32
          %lt3A_394 = arith.cmpi slt, %select_n3A_387, %lt3A_393 : i32
          %ne3A_395 = arith.xori %lt3A_392, %lt3A_394 : i1
          %and3A_396 = arith.andi %ne3A_395, %ne3A_390 : i1
          %add3A_397 = arith.addi %rem3A_388, %select_n3A_387 : i32
          %select_n3A_398 = arith.select %and3A_396, %add3A_397, %rem3A_388 : i32
          %mul3A_399 = arith.constant 16 : i32
          %mul3A_400 = arith.muli %select_n3A_398, %mul3A_399 : i32
          %swap3A_401 = arith.index_cast %select_n3A_382 : i32 to index
          %swap3A_402 = arith.index_cast %mul3A_400 : i32 to index
          %swap3A_403 = tpu.vector_load %arg10[%swap3A_401, %swap3A_402] {strides = array<i32>} : memref<64x128xf32, #tpu.memory_space<vmem>>, vector<1x16xf32>,
          %swap3A_404 = vector.shape_cast %swap3A_403 : vector<1x16xf32> to vector<16xf32>
          %swap3A_405 = vector.shape_cast %broadcast_in_dim3A_3 : vector<16xf32> to vector<1x16xf32>
          tpu.vector_store %arg10[%swap3A_401, %swap3A_402], %swap3A_405 {add = true, strides = array<i32>} : memref<64x128xf32, #tpu.memory_space<vmem>>, vector<1x16xf32>,
          %slice3A_406 = vector.extract_strided_slice %get3A_310 {offsets = [2], sizes = [1], strides = [1]} : vector<16xi32> to vector<1xi32>
          %squeeze3A_407 = vector.extract %slice3A_406[0] : i32 from vector<1xi32>
          %jit3A_408 = arith.constant 8 : i32
          %div3A_409 = arith.divsi %squeeze3A_407, %jit3A_408 : i32
          %sign3A_410 = arith.constant 0 : i32
          %sign3A_411 = arith.cmpi sgt, %squeeze3A_407, %sign3A_410 : i32
          %sign3A_412 = arith.extui %sign3A_411 : i1 to i32
          %sign3A_413 = arith.constant 0 : i32
          %sign3A_414 = arith.cmpi slt, %squeeze3A_407, %sign3A_413 : i32
          %sign3A_415 = arith.extui %sign3A_414 : i1 to i32
          %sign3A_416 = arith.subi %sign3A_412, %sign3A_415 : i32
          %sign3A_417 = arith.constant 0 : i32
          %sign3A_418 = arith.cmpi sgt, %jit3A_408, %sign3A_417 : i32
          %sign3A_419 = arith.extui %sign3A_418 : i1 to i32
          %sign3A_420 = arith.constant 0 : i32
          %sign3A_421 = arith.cmpi slt, %jit3A_408, %sign3A_420 : i32
          %sign3A_422 = arith.extui %sign3A_421 : i1 to i32
          %sign3A_423 = arith.subi %sign3A_419, %sign3A_422 : i32
          %ne3A_424 = arith.cmpi ne, %sign3A_416, %sign3A_423 : i32
          %rem3A_425 = arith.remsi %squeeze3A_407, %jit3A_408 : i32
          %ne3A_426 = arith.constant 0 : i32
          %ne3A_427 = arith.cmpi ne, %rem3A_425, %ne3A_426 : i32
          %and3A_428 = arith.andi %ne3A_424, %ne3A_427 : i1
          %sub3A_429 = arith.constant 1 : i32
          %sub3A_430 = arith.subi %div3A_409, %sub3A_429 : i32
          %select_n3A_431 = arith.select %and3A_428, %sub3A_430, %div3A_409 : i32
          %jit3A_432 = arith.constant 8 : i32
          %eq3A_433 = arith.constant 0 : i32
          %eq3A_434 = arith.cmpi eq, %jit3A_432, %eq3A_433 : i32
          %jit3A_435 = arith.constant 1 : i32
          %select_n3A_436 = arith.select %eq3A_434, %jit3A_435, %jit3A_432 : i32
          %rem3A_437 = arith.remsi %squeeze3A_407, %select_n3A_436 : i32
          %ne3A_438 = arith.constant 0 : i32
          %ne3A_439 = arith.cmpi ne, %rem3A_437, %ne3A_438 : i32
          %lt3A_440 = arith.constant 0 : i32
          %lt3A_441 = arith.cmpi slt, %rem3A_437, %lt3A_440 : i32
          %lt3A_442 = arith.constant 0 : i32
          %lt3A_443 = arith.cmpi slt, %select_n3A_436, %lt3A_442 : i32
          %ne3A_444 = arith.xori %lt3A_441, %lt3A_443 : i1
          %and3A_445 = arith.andi %ne3A_444, %ne3A_439 : i1
          %add3A_446 = arith.addi %rem3A_437, %select_n3A_436 : i32
          %select_n3A_447 = arith.select %and3A_445, %add3A_446, %rem3A_437 : i32
          %mul3A_448 = arith.constant 16 : i32
          %mul3A_449 = arith.muli %select_n3A_447, %mul3A_448 : i32
          %swap3A_450 = arith.index_cast %select_n3A_431 : i32 to index
          %swap3A_451 = arith.index_cast %mul3A_449 : i32 to index
          %swap3A_452 = tpu.vector_load %arg10[%swap3A_450, %swap3A_451] {strides = array<i32>} : memref<64x128xf32, #tpu.memory_space<vmem>>, vector<1x16xf32>,
          %swap3A_453 = vector.shape_cast %swap3A_452 : vector<1x16xf32> to vector<16xf32>
          %swap3A_454 = vector.shape_cast %broadcast_in_dim3A_3 : vector<16xf32> to vector<1x16xf32>
          tpu.vector_store %arg10[%swap3A_450, %swap3A_451], %swap3A_454 {add = true, strides = array<i32>} : memref<64x128xf32, #tpu.memory_space<vmem>>, vector<1x16xf32>,
          %slice3A_455 = vector.extract_strided_slice %get3A_310 {offsets = [3], sizes = [1], strides = [1]} : vector<16xi32> to vector<1xi32>
          %squeeze3A_456 = vector.extract %slice3A_455[0] : i32 from vector<1xi32>
          %jit3A_457 = arith.constant 8 : i32
          %div3A_458 = arith.divsi %squeeze3A_456, %jit3A_457 : i32
          %sign3A_459 = arith.constant 0 : i32
          %sign3A_460 = arith.cmpi sgt, %squeeze3A_456, %sign3A_459 : i32
          %sign3A_461 = arith.extui %sign3A_460 : i1 to i32
          %sign3A_462 = arith.constant 0 : i32
          %sign3A_463 = arith.cmpi slt, %squeeze3A_456, %sign3A_462 : i32
          %sign3A_464 = arith.extui %sign3A_463 : i1 to i32
          %sign3A_465 = arith.subi %sign3A_461, %sign3A_464 : i32
          %sign3A_466 = arith.constant 0 : i32
          %sign3A_467 = arith.cmpi sgt, %jit3A_457, %sign3A_466 : i32
          %sign3A_468 = arith.extui %sign3A_467 : i1 to i32
          %sign3A_469 = arith.constant 0 : i32
          %sign3A_470 = arith.cmpi slt, %jit3A_457, %sign3A_469 : i32
          %sign3A_471 = arith.extui %sign3A_470 : i1 to i32
          %sign3A_472 = arith.subi %sign3A_468, %sign3A_471 : i32
          %ne3A_473 = arith.cmpi ne, %sign3A_465, %sign3A_472 : i32
          %rem3A_474 = arith.remsi %squeeze3A_456, %jit3A_457 : i32
          %ne3A_475 = arith.constant 0 : i32
          %ne3A_476 = arith.cmpi ne, %rem3A_474, %ne3A_475 : i32
          %and3A_477 = arith.andi %ne3A_473, %ne3A_476 : i1
          %sub3A_478 = arith.constant 1 : i32
          %sub3A_479 = arith.subi %div3A_458, %sub3A_478 : i32
          %select_n3A_480 = arith.select %and3A_477, %sub3A_479, %div3A_458 : i32
          %jit3A_481 = arith.constant 8 : i32
          %eq3A_482 = arith.constant 0 : i32
          %eq3A_483 = arith.cmpi eq, %jit3A_481, %eq3A_482 : i32
          %jit3A_484 = arith.constant 1 : i32
          %select_n3A_485 = arith.select %eq3A_483, %jit3A_484, %jit3A_481 : i32
          %rem3A_486 = arith.remsi %squeeze3A_456, %select_n3A_485 : i32
          %ne3A_487 = arith.constant 0 : i32
          %ne3A_488 = arith.cmpi ne, %rem3A_486, %ne3A_487 : i32
          %lt3A_489 = arith.constant 0 : i32
          %lt3A_490 = arith.cmpi slt, %rem3A_486, %lt3A_489 : i32
          %lt3A_491 = arith.constant 0 : i32
          %lt3A_492 = arith.cmpi slt, %select_n3A_485, %lt3A_491 : i32
          %ne3A_493 = arith.xori %lt3A_490, %lt3A_492 : i1
          %and3A_494 = arith.andi %ne3A_493, %ne3A_488 : i1
          %add3A_495 = arith.addi %rem3A_486, %select_n3A_485 : i32
          %select_n3A_496 = arith.select %and3A_494, %add3A_495, %rem3A_486 : i32
          %mul3A_497 = arith.constant 16 : i32
          %mul3A_498 = arith.muli %select_n3A_496, %mul3A_497 : i32
          %swap3A_499 = arith.index_cast %select_n3A_480 : i32 to index
          %swap3A_500 = arith.index_cast %mul3A_498 : i32 to index
          %swap3A_501 = tpu.vector_load %arg10[%swap3A_499, %swap3A_500] {strides = array<i32>} : memref<64x128xf32, #tpu.memory_space<vmem>>, vector<1x16xf32>,
          %swap3A_502 = vector.shape_cast %swap3A_501 : vector<1x16xf32> to vector<16xf32>
          %swap3A_503 = vector.shape_cast %broadcast_in_dim3A_3 : vector<16xf32> to vector<1x16xf32>
          tpu.vector_store %arg10[%swap3A_499, %swap3A_500], %swap3A_503 {add = true, strides = array<i32>} : memref<64x128xf32, #tpu.memory_space<vmem>>, vector<1x16xf32>,
          %slice3A_504 = vector.extract_strided_slice %get3A_310 {offsets = [4], sizes = [1], strides = [1]} : vector<16xi32> to vector<1xi32>
          %squeeze3A_505 = vector.extract %slice3A_504[0] : i32 from vector<1xi32>
          %jit3A_506 = arith.constant 8 : i32
          %div3A_507 = arith.divsi %squeeze3A_505, %jit3A_506 : i32
          %sign3A_508 = arith.constant 0 : i32
          %sign3A_509 = arith.cmpi sgt, %squeeze3A_505, %sign3A_508 : i32
          %sign3A_510 = arith.extui %sign3A_509 : i1 to i32
          %sign3A_511 = arith.constant 0 : i32
          %sign3A_512 = arith.cmpi slt, %squeeze3A_505, %sign3A_511 : i32
          %sign3A_513 = arith.extui %sign3A_512 : i1 to i32
          %sign3A_514 = arith.subi %sign3A_510, %sign3A_513 : i32
          %sign3A_515 = arith.constant 0 : i32
          %sign3A_516 = arith.cmpi sgt, %jit3A_506, %sign3A_515 : i32
          %sign3A_517 = arith.extui %sign3A_516 : i1 to i32
          %sign3A_518 = arith.constant 0 : i32
          %sign3A_519 = arith.cmpi slt, %jit3A_506, %sign3A_518 : i32
          %sign3A_520 = arith.extui %sign3A_519 : i1 to i32
          %sign3A_521 = arith.subi %sign3A_517, %sign3A_520 : i32
          %ne3A_522 = arith.cmpi ne, %sign3A_514, %sign3A_521 : i32
          %rem3A_523 = arith.remsi %squeeze3A_505, %jit3A_506 : i32
          %ne3A_524 = arith.constant 0 : i32
          %ne3A_525 = arith.cmpi ne, %rem3A_523, %ne3A_524 : i32
          %and3A_526 = arith.andi %ne3A_522, %ne3A_525 : i1
          %sub3A_527 = arith.constant 1 : i32
          %sub3A_528 = arith.subi %div3A_507, %sub3A_527 : i32
          %select_n3A_529 = arith.select %and3A_526, %sub3A_528, %div3A_507 : i32
          %jit3A_530 = arith.constant 8 : i32
          %eq3A_531 = arith.constant 0 : i32
          %eq3A_532 = arith.cmpi eq, %jit3A_530, %eq3A_531 : i32
          %jit3A_533 = arith.constant 1 : i32
          %select_n3A_534 = arith.select %eq3A_532, %jit3A_533, %jit3A_530 : i32
          %rem3A_535 = arith.remsi %squeeze3A_505, %select_n3A_534 : i32
          %ne3A_536 = arith.constant 0 : i32
          %ne3A_537 = arith.cmpi ne, %rem3A_535, %ne3A_536 : i32
          %lt3A_538 = arith.constant 0 : i32
          %lt3A_539 = arith.cmpi slt, %rem3A_535, %lt3A_538 : i32
          %lt3A_540 = arith.constant 0 : i32
          %lt3A_541 = arith.cmpi slt, %select_n3A_534, %lt3A_540 : i32
          %ne3A_542 = arith.xori %lt3A_539, %lt3A_541 : i1
          %and3A_543 = arith.andi %ne3A_542, %ne3A_537 : i1
          %add3A_544 = arith.addi %rem3A_535, %select_n3A_534 : i32
          %select_n3A_545 = arith.select %and3A_543, %add3A_544, %rem3A_535 : i32
          %mul3A_546 = arith.constant 16 : i32
          %mul3A_547 = arith.muli %select_n3A_545, %mul3A_546 : i32
          %swap3A_548 = arith.index_cast %select_n3A_529 : i32 to index
          %swap3A_549 = arith.index_cast %mul3A_547 : i32 to index
          %swap3A_550 = tpu.vector_load %arg10[%swap3A_548, %swap3A_549] {strides = array<i32>} : memref<64x128xf32, #tpu.memory_space<vmem>>, vector<1x16xf32>,
          %swap3A_551 = vector.shape_cast %swap3A_550 : vector<1x16xf32> to vector<16xf32>
          %swap3A_552 = vector.shape_cast %broadcast_in_dim3A_3 : vector<16xf32> to vector<1x16xf32>
          tpu.vector_store %arg10[%swap3A_548, %swap3A_549], %swap3A_552 {add = true, strides = array<i32>} : memref<64x128xf32, #tpu.memory_space<vmem>>, vector<1x16xf32>,
          %slice3A_553 = vector.extract_strided_slice %get3A_310 {offsets = [5], sizes = [1], strides = [1]} : vector<16xi32> to vector<1xi32>
          %squeeze3A_554 = vector.extract %slice3A_553[0] : i32 from vector<1xi32>
          %jit3A_555 = arith.constant 8 : i32
          %div3A_556 = arith.divsi %squeeze3A_554, %jit3A_555 : i32
          %sign3A_557 = arith.constant 0 : i32
          %sign3A_558 = arith.cmpi sgt, %squeeze3A_554, %sign3A_557 : i32
          %sign3A_559 = arith.extui %sign3A_558 : i1 to i32
          %sign3A_560 = arith.constant 0 : i32
          %sign3A_561 = arith.cmpi slt, %squeeze3A_554, %sign3A_560 : i32
          %sign3A_562 = arith.extui %sign3A_561 : i1 to i32
          %sign3A_563 = arith.subi %sign3A_559, %sign3A_562 : i32
          %sign3A_564 = arith.constant 0 : i32
          %sign3A_565 = arith.cmpi sgt, %jit3A_555, %sign3A_564 : i32
          %sign3A_566 = arith.extui %sign3A_565 : i1 to i32
          %sign3A_567 = arith.constant 0 : i32
          %sign3A_568 = arith.cmpi slt, %jit3A_555, %sign3A_567 : i32
          %sign3A_569 = arith.extui %sign3A_568 : i1 to i32
          %sign3A_570 = arith.subi %sign3A_566, %sign3A_569 : i32
          %ne3A_571 = arith.cmpi ne, %sign3A_563, %sign3A_570 : i32
          %rem3A_572 = arith.remsi %squeeze3A_554, %jit3A_555 : i32
          %ne3A_573 = arith.constant 0 : i32
          %ne3A_574 = arith.cmpi ne, %rem3A_572, %ne3A_573 : i32
          %and3A_575 = arith.andi %ne3A_571, %ne3A_574 : i1
          %sub3A_576 = arith.constant 1 : i32
          %sub3A_577 = arith.subi %div3A_556, %sub3A_576 : i32
          %select_n3A_578 = arith.select %and3A_575, %sub3A_577, %div3A_556 : i32
          %jit3A_579 = arith.constant 8 : i32
          %eq3A_580 = arith.constant 0 : i32
          %eq3A_581 = arith.cmpi eq, %jit3A_579, %eq3A_580 : i32
          %jit3A_582 = arith.constant 1 : i32
          %select_n3A_583 = arith.select %eq3A_581, %jit3A_582, %jit3A_579 : i32
          %rem3A_584 = arith.remsi %squeeze3A_554, %select_n3A_583 : i32
          %ne3A_585 = arith.constant 0 : i32
          %ne3A_586 = arith.cmpi ne, %rem3A_584, %ne3A_585 : i32
          %lt3A_587 = arith.constant 0 : i32
          %lt3A_588 = arith.cmpi slt, %rem3A_584, %lt3A_587 : i32
          %lt3A_589 = arith.constant 0 : i32
          %lt3A_590 = arith.cmpi slt, %select_n3A_583, %lt3A_589 : i32
          %ne3A_591 = arith.xori %lt3A_588, %lt3A_590 : i1
          %and3A_592 = arith.andi %ne3A_591, %ne3A_586 : i1
          %add3A_593 = arith.addi %rem3A_584, %select_n3A_583 : i32
          %select_n3A_594 = arith.select %and3A_592, %add3A_593, %rem3A_584 : i32
          %mul3A_595 = arith.constant 16 : i32
          %mul3A_596 = arith.muli %select_n3A_594, %mul3A_595 : i32
          %swap3A_597 = arith.index_cast %select_n3A_578 : i32 to index
          %swap3A_598 = arith.index_cast %mul3A_596 : i32 to index
          %swap3A_599 = tpu.vector_load %arg10[%swap3A_597, %swap3A_598] {strides = array<i32>} : memref<64x128xf32, #tpu.memory_space<vmem>>, vector<1x16xf32>,
          %swap3A_600 = vector.shape_cast %swap3A_599 : vector<1x16xf32> to vector<16xf32>
          %swap3A_601 = vector.shape_cast %broadcast_in_dim3A_3 : vector<16xf32> to vector<1x16xf32>
          tpu.vector_store %arg10[%swap3A_597, %swap3A_598], %swap3A_601 {add = true, strides = array<i32>} : memref<64x128xf32, #tpu.memory_space<vmem>>, vector<1x16xf32>,
          %slice3A_602 = vector.extract_strided_slice %get3A_310 {offsets = [6], sizes = [1], strides = [1]} : vector<16xi32> to vector<1xi32>
          %squeeze3A_603 = vector.extract %slice3A_602[0] : i32 from vector<1xi32>
          %jit3A_604 = arith.constant 8 : i32
          %div3A_605 = arith.divsi %squeeze3A_603, %jit3A_604 : i32
          %sign3A_606 = arith.constant 0 : i32
          %sign3A_607 = arith.cmpi sgt, %squeeze3A_603, %sign3A_606 : i32
          %sign3A_608 = arith.extui %sign3A_607 : i1 to i32
          %sign3A_609 = arith.constant 0 : i32
          %sign3A_610 = arith.cmpi slt, %squeeze3A_603, %sign3A_609 : i32
          %sign3A_611 = arith.extui %sign3A_610 : i1 to i32
          %sign3A_612 = arith.subi %sign3A_608, %sign3A_611 : i32
          %sign3A_613 = arith.constant 0 : i32
          %sign3A_614 = arith.cmpi sgt, %jit3A_604, %sign3A_613 : i32
          %sign3A_615 = arith.extui %sign3A_614 : i1 to i32
          %sign3A_616 = arith.constant 0 : i32
          %sign3A_617 = arith.cmpi slt, %jit3A_604, %sign3A_616 : i32
          %sign3A_618 = arith.extui %sign3A_617 : i1 to i32
          %sign3A_619 = arith.subi %sign3A_615, %sign3A_618 : i32
          %ne3A_620 = arith.cmpi ne, %sign3A_612, %sign3A_619 : i32
          %rem3A_621 = arith.remsi %squeeze3A_603, %jit3A_604 : i32
          %ne3A_622 = arith.constant 0 : i32
          %ne3A_623 = arith.cmpi ne, %rem3A_621, %ne3A_622 : i32
          %and3A_624 = arith.andi %ne3A_620, %ne3A_623 : i1
          %sub3A_625 = arith.constant 1 : i32
          %sub3A_626 = arith.subi %div3A_605, %sub3A_625 : i32
          %select_n3A_627 = arith.select %and3A_624, %sub3A_626, %div3A_605 : i32
          %jit3A_628 = arith.constant 8 : i32
          %eq3A_629 = arith.constant 0 : i32
          %eq3A_630 = arith.cmpi eq, %jit3A_628, %eq3A_629 : i32
          %jit3A_631 = arith.constant 1 : i32
          %select_n3A_632 = arith.select %eq3A_630, %jit3A_631, %jit3A_628 : i32
          %rem3A_633 = arith.remsi %squeeze3A_603, %select_n3A_632 : i32
          %ne3A_634 = arith.constant 0 : i32
          %ne3A_635 = arith.cmpi ne, %rem3A_633, %ne3A_634 : i32
          %lt3A_636 = arith.constant 0 : i32
          %lt3A_637 = arith.cmpi slt, %rem3A_633, %lt3A_636 : i32
          %lt3A_638 = arith.constant 0 : i32
          %lt3A_639 = arith.cmpi slt, %select_n3A_632, %lt3A_638 : i32
          %ne3A_640 = arith.xori %lt3A_637, %lt3A_639 : i1
          %and3A_641 = arith.andi %ne3A_640, %ne3A_635 : i1
          %add3A_642 = arith.addi %rem3A_633, %select_n3A_632 : i32
          %select_n3A_643 = arith.select %and3A_641, %add3A_642, %rem3A_633 : i32
          %mul3A_644 = arith.constant 16 : i32
          %mul3A_645 = arith.muli %select_n3A_643, %mul3A_644 : i32
          %swap3A_646 = arith.index_cast %select_n3A_627 : i32 to index
          %swap3A_647 = arith.index_cast %mul3A_645 : i32 to index
          %swap3A_648 = tpu.vector_load %arg10[%swap3A_646, %swap3A_647] {strides = array<i32>} : memref<64x128xf32, #tpu.memory_space<vmem>>, vector<1x16xf32>,
          %swap3A_649 = vector.shape_cast %swap3A_648 : vector<1x16xf32> to vector<16xf32>
          %swap3A_650 = vector.shape_cast %broadcast_in_dim3A_3 : vector<16xf32> to vector<1x16xf32>
          tpu.vector_store %arg10[%swap3A_646, %swap3A_647], %swap3A_650 {add = true, strides = array<i32>} : memref<64x128xf32, #tpu.memory_space<vmem>>, vector<1x16xf32>,
          %slice3A_651 = vector.extract_strided_slice %get3A_310 {offsets = [7], sizes = [1], strides = [1]} : vector<16xi32> to vector<1xi32>
          %squeeze3A_652 = vector.extract %slice3A_651[0] : i32 from vector<1xi32>
          %jit3A_653 = arith.constant 8 : i32
          %div3A_654 = arith.divsi %squeeze3A_652, %jit3A_653 : i32
          %sign3A_655 = arith.constant 0 : i32
          %sign3A_656 = arith.cmpi sgt, %squeeze3A_652, %sign3A_655 : i32
          %sign3A_657 = arith.extui %sign3A_656 : i1 to i32
          %sign3A_658 = arith.constant 0 : i32
          %sign3A_659 = arith.cmpi slt, %squeeze3A_652, %sign3A_658 : i32
          %sign3A_660 = arith.extui %sign3A_659 : i1 to i32
          %sign3A_661 = arith.subi %sign3A_657, %sign3A_660 : i32
          %sign3A_662 = arith.constant 0 : i32
          %sign3A_663 = arith.cmpi sgt, %jit3A_653, %sign3A_662 : i32
          %sign3A_664 = arith.extui %sign3A_663 : i1 to i32
          %sign3A_665 = arith.constant 0 : i32
          %sign3A_666 = arith.cmpi slt, %jit3A_653, %sign3A_665 : i32
          %sign3A_667 = arith.extui %sign3A_666 : i1 to i32
          %sign3A_668 = arith.subi %sign3A_664, %sign3A_667 : i32
          %ne3A_669 = arith.cmpi ne, %sign3A_661, %sign3A_668 : i32
          %rem3A_670 = arith.remsi %squeeze3A_652, %jit3A_653 : i32
          %ne3A_671 = arith.constant 0 : i32
          %ne3A_672 = arith.cmpi ne, %rem3A_670, %ne3A_671 : i32
          %and3A_673 = arith.andi %ne3A_669, %ne3A_672 : i1
          %sub3A_674 = arith.constant 1 : i32
          %sub3A_675 = arith.subi %div3A_654, %sub3A_674 : i32
          %select_n3A_676 = arith.select %and3A_673, %sub3A_675, %div3A_654 : i32
          %jit3A_677 = arith.constant 8 : i32
          %eq3A_678 = arith.constant 0 : i32
          %eq3A_679 = arith.cmpi eq, %jit3A_677, %eq3A_678 : i32
          %jit3A_680 = arith.constant 1 : i32
          %select_n3A_681 = arith.select %eq3A_679, %jit3A_680, %jit3A_677 : i32
          %rem3A_682 = arith.remsi %squeeze3A_652, %select_n3A_681 : i32
          %ne3A_683 = arith.constant 0 : i32
          %ne3A_684 = arith.cmpi ne, %rem3A_682, %ne3A_683 : i32
          %lt3A_685 = arith.constant 0 : i32
          %lt3A_686 = arith.cmpi slt, %rem3A_682, %lt3A_685 : i32
          %lt3A_687 = arith.constant 0 : i32
          %lt3A_688 = arith.cmpi slt, %select_n3A_681, %lt3A_687 : i32
          %ne3A_689 = arith.xori %lt3A_686, %lt3A_688 : i1
          %and3A_690 = arith.andi %ne3A_689, %ne3A_684 : i1
          %add3A_691 = arith.addi %rem3A_682, %select_n3A_681 : i32
          %select_n3A_692 = arith.select %and3A_690, %add3A_691, %rem3A_682 : i32
          %mul3A_693 = arith.constant 16 : i32
          %mul3A_694 = arith.muli %select_n3A_692, %mul3A_693 : i32
          %swap3A_695 = arith.index_cast %select_n3A_676 : i32 to index
          %swap3A_696 = arith.index_cast %mul3A_694 : i32 to index
          %swap3A_697 = tpu.vector_load %arg10[%swap3A_695, %swap3A_696] {strides = array<i32>} : memref<64x128xf32, #tpu.memory_space<vmem>>, vector<1x16xf32>,
          %swap3A_698 = vector.shape_cast %swap3A_697 : vector<1x16xf32> to vector<16xf32>
          %swap3A_699 = vector.shape_cast %broadcast_in_dim3A_3 : vector<16xf32> to vector<1x16xf32>
          tpu.vector_store %arg10[%swap3A_695, %swap3A_696], %swap3A_699 {add = true, strides = array<i32>} : memref<64x128xf32, #tpu.memory_space<vmem>>, vector<1x16xf32>,
          %slice3A_700 = vector.extract_strided_slice %get3A_310 {offsets = [8], sizes = [1], strides = [1]} : vector<16xi32> to vector<1xi32>
          %squeeze3A_701 = vector.extract %slice3A_700[0] : i32 from vector<1xi32>
          %jit3A_702 = arith.constant 8 : i32
          %div3A_703 = arith.divsi %squeeze3A_701, %jit3A_702 : i32
          %sign3A_704 = arith.constant 0 : i32
          %sign3A_705 = arith.cmpi sgt, %squeeze3A_701, %sign3A_704 : i32
          %sign3A_706 = arith.extui %sign3A_705 : i1 to i32
          %sign3A_707 = arith.constant 0 : i32
          %sign3A_708 = arith.cmpi slt, %squeeze3A_701, %sign3A_707 : i32
          %sign3A_709 = arith.extui %sign3A_708 : i1 to i32
          %sign3A_710 = arith.subi %sign3A_706, %sign3A_709 : i32
          %sign3A_711 = arith.constant 0 : i32
          %sign3A_712 = arith.cmpi sgt, %jit3A_702, %sign3A_711 : i32
          %sign3A_713 = arith.extui %sign3A_712 : i1 to i32
          %sign3A_714 = arith.constant 0 : i32
          %sign3A_715 = arith.cmpi slt, %jit3A_702, %sign3A_714 : i32
          %sign3A_716 = arith.extui %sign3A_715 : i1 to i32
          %sign3A_717 = arith.subi %sign3A_713, %sign3A_716 : i32
          %ne3A_718 = arith.cmpi ne, %sign3A_710, %sign3A_717 : i32
          %rem3A_719 = arith.remsi %squeeze3A_701, %jit3A_702 : i32
          %ne3A_720 = arith.constant 0 : i32
          %ne3A_721 = arith.cmpi ne, %rem3A_719, %ne3A_720 : i32
          %and3A_722 = arith.andi %ne3A_718, %ne3A_721 : i1
          %sub3A_723 = arith.constant 1 : i32
          %sub3A_724 = arith.subi %div3A_703, %sub3A_723 : i32
          %select_n3A_725 = arith.select %and3A_722, %sub3A_724, %div3A_703 : i32
          %jit3A_726 = arith.constant 8 : i32
          %eq3A_727 = arith.constant 0 : i32
          %eq3A_728 = arith.cmpi eq, %jit3A_726, %eq3A_727 : i32
          %jit3A_729 = arith.constant 1 : i32
          %select_n3A_730 = arith.select %eq3A_728, %jit3A_729, %jit3A_726 : i32
          %rem3A_731 = arith.remsi %squeeze3A_701, %select_n3A_730 : i32
          %ne3A_732 = arith.constant 0 : i32
          %ne3A_733 = arith.cmpi ne, %rem3A_731, %ne3A_732 : i32
          %lt3A_734 = arith.constant 0 : i32
          %lt3A_735 = arith.cmpi slt, %rem3A_731, %lt3A_734 : i32
          %lt3A_736 = arith.constant 0 : i32
          %lt3A_737 = arith.cmpi slt, %select_n3A_730, %lt3A_736 : i32
          %ne3A_738 = arith.xori %lt3A_735, %lt3A_737 : i1
          %and3A_739 = arith.andi %ne3A_738, %ne3A_733 : i1
          %add3A_740 = arith.addi %rem3A_731, %select_n3A_730 : i32
          %select_n3A_741 = arith.select %and3A_739, %add3A_740, %rem3A_731 : i32
          %mul3A_742 = arith.constant 16 : i32
          %mul3A_743 = arith.muli %select_n3A_741, %mul3A_742 : i32
          %swap3A_744 = arith.index_cast %select_n3A_725 : i32 to index
          %swap3A_745 = arith.index_cast %mul3A_743 : i32 to index
          %swap3A_746 = tpu.vector_load %arg10[%swap3A_744, %swap3A_745] {strides = array<i32>} : memref<64x128xf32, #tpu.memory_space<vmem>>, vector<1x16xf32>,
          %swap3A_747 = vector.shape_cast %swap3A_746 : vector<1x16xf32> to vector<16xf32>
          %swap3A_748 = vector.shape_cast %broadcast_in_dim3A_3 : vector<16xf32> to vector<1x16xf32>
          tpu.vector_store %arg10[%swap3A_744, %swap3A_745], %swap3A_748 {add = true, strides = array<i32>} : memref<64x128xf32, #tpu.memory_space<vmem>>, vector<1x16xf32>,
          %slice3A_749 = vector.extract_strided_slice %get3A_310 {offsets = [9], sizes = [1], strides = [1]} : vector<16xi32> to vector<1xi32>
          %squeeze3A_750 = vector.extract %slice3A_749[0] : i32 from vector<1xi32>
          %jit3A_751 = arith.constant 8 : i32
          %div3A_752 = arith.divsi %squeeze3A_750, %jit3A_751 : i32
          %sign3A_753 = arith.constant 0 : i32
          %sign3A_754 = arith.cmpi sgt, %squeeze3A_750, %sign3A_753 : i32
          %sign3A_755 = arith.extui %sign3A_754 : i1 to i32
          %sign3A_756 = arith.constant 0 : i32
          %sign3A_757 = arith.cmpi slt, %squeeze3A_750, %sign3A_756 : i32
          %sign3A_758 = arith.extui %sign3A_757 : i1 to i32
          %sign3A_759 = arith.subi %sign3A_755, %sign3A_758 : i32
          %sign3A_760 = arith.constant 0 : i32
          %sign3A_761 = arith.cmpi sgt, %jit3A_751, %sign3A_760 : i32
          %sign3A_762 = arith.extui %sign3A_761 : i1 to i32
          %sign3A_763 = arith.constant 0 : i32
          %sign3A_764 = arith.cmpi slt, %jit3A_751, %sign3A_763 : i32
          %sign3A_765 = arith.extui %sign3A_764 : i1 to i32
          %sign3A_766 = arith.subi %sign3A_762, %sign3A_765 : i32
          %ne3A_767 = arith.cmpi ne, %sign3A_759, %sign3A_766 : i32
          %rem3A_768 = arith.remsi %squeeze3A_750, %jit3A_751 : i32
          %ne3A_769 = arith.constant 0 : i32
          %ne3A_770 = arith.cmpi ne, %rem3A_768, %ne3A_769 : i32
          %and3A_771 = arith.andi %ne3A_767, %ne3A_770 : i1
          %sub3A_772 = arith.constant 1 : i32
          %sub3A_773 = arith.subi %div3A_752, %sub3A_772 : i32
          %select_n3A_774 = arith.select %and3A_771, %sub3A_773, %div3A_752 : i32
          %jit3A_775 = arith.constant 8 : i32
          %eq3A_776 = arith.constant 0 : i32
          %eq3A_777 = arith.cmpi eq, %jit3A_775, %eq3A_776 : i32
          %jit3A_778 = arith.constant 1 : i32
          %select_n3A_779 = arith.select %eq3A_777, %jit3A_778, %jit3A_775 : i32
          %rem3A_780 = arith.remsi %squeeze3A_750, %select_n3A_779 : i32
          %ne3A_781 = arith.constant 0 : i32
          %ne3A_782 = arith.cmpi ne, %rem3A_780, %ne3A_781 : i32
          %lt3A_783 = arith.constant 0 : i32
          %lt3A_784 = arith.cmpi slt, %rem3A_780, %lt3A_783 : i32
          %lt3A_785 = arith.constant 0 : i32
          %lt3A_786 = arith.cmpi slt, %select_n3A_779, %lt3A_785 : i32
          %ne3A_787 = arith.xori %lt3A_784, %lt3A_786 : i1
          %and3A_788 = arith.andi %ne3A_787, %ne3A_782 : i1
          %add3A_789 = arith.addi %rem3A_780, %select_n3A_779 : i32
          %select_n3A_790 = arith.select %and3A_788, %add3A_789, %rem3A_780 : i32
          %mul3A_791 = arith.constant 16 : i32
          %mul3A_792 = arith.muli %select_n3A_790, %mul3A_791 : i32
          %swap3A_793 = arith.index_cast %select_n3A_774 : i32 to index
          %swap3A_794 = arith.index_cast %mul3A_792 : i32 to index
          %swap3A_795 = tpu.vector_load %arg10[%swap3A_793, %swap3A_794] {strides = array<i32>} : memref<64x128xf32, #tpu.memory_space<vmem>>, vector<1x16xf32>,
          %swap3A_796 = vector.shape_cast %swap3A_795 : vector<1x16xf32> to vector<16xf32>
          %swap3A_797 = vector.shape_cast %broadcast_in_dim3A_3 : vector<16xf32> to vector<1x16xf32>
          tpu.vector_store %arg10[%swap3A_793, %swap3A_794], %swap3A_797 {add = true, strides = array<i32>} : memref<64x128xf32, #tpu.memory_space<vmem>>, vector<1x16xf32>,
          %slice3A_798 = vector.extract_strided_slice %get3A_310 {offsets = [10], sizes = [1], strides = [1]} : vector<16xi32> to vector<1xi32>
          %squeeze3A_799 = vector.extract %slice3A_798[0] : i32 from vector<1xi32>
          %jit3A_800 = arith.constant 8 : i32
          %div3A_801 = arith.divsi %squeeze3A_799, %jit3A_800 : i32
          %sign3A_802 = arith.constant 0 : i32
          %sign3A_803 = arith.cmpi sgt, %squeeze3A_799, %sign3A_802 : i32
          %sign3A_804 = arith.extui %sign3A_803 : i1 to i32
          %sign3A_805 = arith.constant 0 : i32
          %sign3A_806 = arith.cmpi slt, %squeeze3A_799, %sign3A_805 : i32
          %sign3A_807 = arith.extui %sign3A_806 : i1 to i32
          %sign3A_808 = arith.subi %sign3A_804, %sign3A_807 : i32
          %sign3A_809 = arith.constant 0 : i32
          %sign3A_810 = arith.cmpi sgt, %jit3A_800, %sign3A_809 : i32
          %sign3A_811 = arith.extui %sign3A_810 : i1 to i32
          %sign3A_812 = arith.constant 0 : i32
          %sign3A_813 = arith.cmpi slt, %jit3A_800, %sign3A_812 : i32
          %sign3A_814 = arith.extui %sign3A_813 : i1 to i32
          %sign3A_815 = arith.subi %sign3A_811, %sign3A_814 : i32
          %ne3A_816 = arith.cmpi ne, %sign3A_808, %sign3A_815 : i32
          %rem3A_817 = arith.remsi %squeeze3A_799, %jit3A_800 : i32
          %ne3A_818 = arith.constant 0 : i32
          %ne3A_819 = arith.cmpi ne, %rem3A_817, %ne3A_818 : i32
          %and3A_820 = arith.andi %ne3A_816, %ne3A_819 : i1
          %sub3A_821 = arith.constant 1 : i32
          %sub3A_822 = arith.subi %div3A_801, %sub3A_821 : i32
          %select_n3A_823 = arith.select %and3A_820, %sub3A_822, %div3A_801 : i32
          %jit3A_824 = arith.constant 8 : i32
          %eq3A_825 = arith.constant 0 : i32
          %eq3A_826 = arith.cmpi eq, %jit3A_824, %eq3A_825 : i32
          %jit3A_827 = arith.constant 1 : i32
          %select_n3A_828 = arith.select %eq3A_826, %jit3A_827, %jit3A_824 : i32
          %rem3A_829 = arith.remsi %squeeze3A_799, %select_n3A_828 : i32
          %ne3A_830 = arith.constant 0 : i32
          %ne3A_831 = arith.cmpi ne, %rem3A_829, %ne3A_830 : i32
          %lt3A_832 = arith.constant 0 : i32
          %lt3A_833 = arith.cmpi slt, %rem3A_829, %lt3A_832 : i32
          %lt3A_834 = arith.constant 0 : i32
          %lt3A_835 = arith.cmpi slt, %select_n3A_828, %lt3A_834 : i32
          %ne3A_836 = arith.xori %lt3A_833, %lt3A_835 : i1
          %and3A_837 = arith.andi %ne3A_836, %ne3A_831 : i1
          %add3A_838 = arith.addi %rem3A_829, %select_n3A_828 : i32
          %select_n3A_839 = arith.select %and3A_837, %add3A_838, %rem3A_829 : i32
          %mul3A_840 = arith.constant 16 : i32
          %mul3A_841 = arith.muli %select_n3A_839, %mul3A_840 : i32
          %swap3A_842 = arith.index_cast %select_n3A_823 : i32 to index
          %swap3A_843 = arith.index_cast %mul3A_841 : i32 to index
          %swap3A_844 = tpu.vector_load %arg10[%swap3A_842, %swap3A_843] {strides = array<i32>} : memref<64x128xf32, #tpu.memory_space<vmem>>, vector<1x16xf32>,
          %swap3A_845 = vector.shape_cast %swap3A_844 : vector<1x16xf32> to vector<16xf32>
          %swap3A_846 = vector.shape_cast %broadcast_in_dim3A_3 : vector<16xf32> to vector<1x16xf32>
          tpu.vector_store %arg10[%swap3A_842, %swap3A_843], %swap3A_846 {add = true, strides = array<i32>} : memref<64x128xf32, #tpu.memory_space<vmem>>, vector<1x16xf32>,
          %slice3A_847 = vector.extract_strided_slice %get3A_310 {offsets = [11], sizes = [1], strides = [1]} : vector<16xi32> to vector<1xi32>
          %squeeze3A_848 = vector.extract %slice3A_847[0] : i32 from vector<1xi32>
          %jit3A_849 = arith.constant 8 : i32
          %div3A_850 = arith.divsi %squeeze3A_848, %jit3A_849 : i32
          %sign3A_851 = arith.constant 0 : i32
          %sign3A_852 = arith.cmpi sgt, %squeeze3A_848, %sign3A_851 : i32
          %sign3A_853 = arith.extui %sign3A_852 : i1 to i32
          %sign3A_854 = arith.constant 0 : i32
          %sign3A_855 = arith.cmpi slt, %squeeze3A_848, %sign3A_854 : i32
          %sign3A_856 = arith.extui %sign3A_855 : i1 to i32
          %sign3A_857 = arith.subi %sign3A_853, %sign3A_856 : i32
          %sign3A_858 = arith.constant 0 : i32
          %sign3A_859 = arith.cmpi sgt, %jit3A_849, %sign3A_858 : i32
          %sign3A_860 = arith.extui %sign3A_859 : i1 to i32
          %sign3A_861 = arith.constant 0 : i32
          %sign3A_862 = arith.cmpi slt, %jit3A_849, %sign3A_861 : i32
          %sign3A_863 = arith.extui %sign3A_862 : i1 to i32
          %sign3A_864 = arith.subi %sign3A_860, %sign3A_863 : i32
          %ne3A_865 = arith.cmpi ne, %sign3A_857, %sign3A_864 : i32
          %rem3A_866 = arith.remsi %squeeze3A_848, %jit3A_849 : i32
          %ne3A_867 = arith.constant 0 : i32
          %ne3A_868 = arith.cmpi ne, %rem3A_866, %ne3A_867 : i32
          %and3A_869 = arith.andi %ne3A_865, %ne3A_868 : i1
          %sub3A_870 = arith.constant 1 : i32
          %sub3A_871 = arith.subi %div3A_850, %sub3A_870 : i32
          %select_n3A_872 = arith.select %and3A_869, %sub3A_871, %div3A_850 : i32
          %jit3A_873 = arith.constant 8 : i32
          %eq3A_874 = arith.constant 0 : i32
          %eq3A_875 = arith.cmpi eq, %jit3A_873, %eq3A_874 : i32
          %jit3A_876 = arith.constant 1 : i32
          %select_n3A_877 = arith.select %eq3A_875, %jit3A_876, %jit3A_873 : i32
          %rem3A_878 = arith.remsi %squeeze3A_848, %select_n3A_877 : i32
          %ne3A_879 = arith.constant 0 : i32
          %ne3A_880 = arith.cmpi ne, %rem3A_878, %ne3A_879 : i32
          %lt3A_881 = arith.constant 0 : i32
          %lt3A_882 = arith.cmpi slt, %rem3A_878, %lt3A_881 : i32
          %lt3A_883 = arith.constant 0 : i32
          %lt3A_884 = arith.cmpi slt, %select_n3A_877, %lt3A_883 : i32
          %ne3A_885 = arith.xori %lt3A_882, %lt3A_884 : i1
          %and3A_886 = arith.andi %ne3A_885, %ne3A_880 : i1
          %add3A_887 = arith.addi %rem3A_878, %select_n3A_877 : i32
          %select_n3A_888 = arith.select %and3A_886, %add3A_887, %rem3A_878 : i32
          %mul3A_889 = arith.constant 16 : i32
          %mul3A_890 = arith.muli %select_n3A_888, %mul3A_889 : i32
          %swap3A_891 = arith.index_cast %select_n3A_872 : i32 to index
          %swap3A_892 = arith.index_cast %mul3A_890 : i32 to index
          %swap3A_893 = tpu.vector_load %arg10[%swap3A_891, %swap3A_892] {strides = array<i32>} : memref<64x128xf32, #tpu.memory_space<vmem>>, vector<1x16xf32>,
          %swap3A_894 = vector.shape_cast %swap3A_893 : vector<1x16xf32> to vector<16xf32>
          %swap3A_895 = vector.shape_cast %broadcast_in_dim3A_3 : vector<16xf32> to vector<1x16xf32>
          tpu.vector_store %arg10[%swap3A_891, %swap3A_892], %swap3A_895 {add = true, strides = array<i32>} : memref<64x128xf32, #tpu.memory_space<vmem>>, vector<1x16xf32>,
          %slice3A_896 = vector.extract_strided_slice %get3A_310 {offsets = [12], sizes = [1], strides = [1]} : vector<16xi32> to vector<1xi32>
          %squeeze3A_897 = vector.extract %slice3A_896[0] : i32 from vector<1xi32>
          %jit3A_898 = arith.constant 8 : i32
          %div3A_899 = arith.divsi %squeeze3A_897, %jit3A_898 : i32
          %sign3A_900 = arith.constant 0 : i32
          %sign3A_901 = arith.cmpi sgt, %squeeze3A_897, %sign3A_900 : i32
          %sign3A_902 = arith.extui %sign3A_901 : i1 to i32
          %sign3A_903 = arith.constant 0 : i32
          %sign3A_904 = arith.cmpi slt, %squeeze3A_897, %sign3A_903 : i32
          %sign3A_905 = arith.extui %sign3A_904 : i1 to i32
          %sign3A_906 = arith.subi %sign3A_902, %sign3A_905 : i32
          %sign3A_907 = arith.constant 0 : i32
          %sign3A_908 = arith.cmpi sgt, %jit3A_898, %sign3A_907 : i32
          %sign3A_909 = arith.extui %sign3A_908 : i1 to i32
          %sign3A_910 = arith.constant 0 : i32
          %sign3A_911 = arith.cmpi slt, %jit3A_898, %sign3A_910 : i32
          %sign3A_912 = arith.extui %sign3A_911 : i1 to i32
          %sign3A_913 = arith.subi %sign3A_909, %sign3A_912 : i32
          %ne3A_914 = arith.cmpi ne, %sign3A_906, %sign3A_913 : i32
          %rem3A_915 = arith.remsi %squeeze3A_897, %jit3A_898 : i32
          %ne3A_916 = arith.constant 0 : i32
          %ne3A_917 = arith.cmpi ne, %rem3A_915, %ne3A_916 : i32
          %and3A_918 = arith.andi %ne3A_914, %ne3A_917 : i1
          %sub3A_919 = arith.constant 1 : i32
          %sub3A_920 = arith.subi %div3A_899, %sub3A_919 : i32
          %select_n3A_921 = arith.select %and3A_918, %sub3A_920, %div3A_899 : i32
          %jit3A_922 = arith.constant 8 : i32
          %eq3A_923 = arith.constant 0 : i32
          %eq3A_924 = arith.cmpi eq, %jit3A_922, %eq3A_923 : i32
          %jit3A_925 = arith.constant 1 : i32
          %select_n3A_926 = arith.select %eq3A_924, %jit3A_925, %jit3A_922 : i32
          %rem3A_927 = arith.remsi %squeeze3A_897, %select_n3A_926 : i32
          %ne3A_928 = arith.constant 0 : i32
          %ne3A_929 = arith.cmpi ne, %rem3A_927, %ne3A_928 : i32
          %lt3A_930 = arith.constant 0 : i32
          %lt3A_931 = arith.cmpi slt, %rem3A_927, %lt3A_930 : i32
          %lt3A_932 = arith.constant 0 : i32
          %lt3A_933 = arith.cmpi slt, %select_n3A_926, %lt3A_932 : i32
          %ne3A_934 = arith.xori %lt3A_931, %lt3A_933 : i1
          %and3A_935 = arith.andi %ne3A_934, %ne3A_929 : i1
          %add3A_936 = arith.addi %rem3A_927, %select_n3A_926 : i32
          %select_n3A_937 = arith.select %and3A_935, %add3A_936, %rem3A_927 : i32
          %mul3A_938 = arith.constant 16 : i32
          %mul3A_939 = arith.muli %select_n3A_937, %mul3A_938 : i32
          %swap3A_940 = arith.index_cast %select_n3A_921 : i32 to index
          %swap3A_941 = arith.index_cast %mul3A_939 : i32 to index
          %swap3A_942 = tpu.vector_load %arg10[%swap3A_940, %swap3A_941] {strides = array<i32>} : memref<64x128xf32, #tpu.memory_space<vmem>>, vector<1x16xf32>,
          %swap3A_943 = vector.shape_cast %swap3A_942 : vector<1x16xf32> to vector<16xf32>
          %swap3A_944 = vector.shape_cast %broadcast_in_dim3A_3 : vector<16xf32> to vector<1x16xf32>
          tpu.vector_store %arg10[%swap3A_940, %swap3A_941], %swap3A_944 {add = true, strides = array<i32>} : memref<64x128xf32, #tpu.memory_space<vmem>>, vector<1x16xf32>,
          %slice3A_945 = vector.extract_strided_slice %get3A_310 {offsets = [13], sizes = [1], strides = [1]} : vector<16xi32> to vector<1xi32>
          %squeeze3A_946 = vector.extract %slice3A_945[0] : i32 from vector<1xi32>
          %jit3A_947 = arith.constant 8 : i32
          %div3A_948 = arith.divsi %squeeze3A_946, %jit3A_947 : i32
          %sign3A_949 = arith.constant 0 : i32
          %sign3A_950 = arith.cmpi sgt, %squeeze3A_946, %sign3A_949 : i32
          %sign3A_951 = arith.extui %sign3A_950 : i1 to i32
          %sign3A_952 = arith.constant 0 : i32
          %sign3A_953 = arith.cmpi slt, %squeeze3A_946, %sign3A_952 : i32
          %sign3A_954 = arith.extui %sign3A_953 : i1 to i32
          %sign3A_955 = arith.subi %sign3A_951, %sign3A_954 : i32
          %sign3A_956 = arith.constant 0 : i32
          %sign3A_957 = arith.cmpi sgt, %jit3A_947, %sign3A_956 : i32
          %sign3A_958 = arith.extui %sign3A_957 : i1 to i32
          %sign3A_959 = arith.constant 0 : i32
          %sign3A_960 = arith.cmpi slt, %jit3A_947, %sign3A_959 : i32
          %sign3A_961 = arith.extui %sign3A_960 : i1 to i32
          %sign3A_962 = arith.subi %sign3A_958, %sign3A_961 : i32
          %ne3A_963 = arith.cmpi ne, %sign3A_955, %sign3A_962 : i32
          %rem3A_964 = arith.remsi %squeeze3A_946, %jit3A_947 : i32
          %ne3A_965 = arith.constant 0 : i32
          %ne3A_966 = arith.cmpi ne, %rem3A_964, %ne3A_965 : i32
          %and3A_967 = arith.andi %ne3A_963, %ne3A_966 : i1
          %sub3A_968 = arith.constant 1 : i32
          %sub3A_969 = arith.subi %div3A_948, %sub3A_968 : i32
          %select_n3A_970 = arith.select %and3A_967, %sub3A_969, %div3A_948 : i32
          %jit3A_971 = arith.constant 8 : i32
          %eq3A_972 = arith.constant 0 : i32
          %eq3A_973 = arith.cmpi eq, %jit3A_971, %eq3A_972 : i32
          %jit3A_974 = arith.constant 1 : i32
          %select_n3A_975 = arith.select %eq3A_973, %jit3A_974, %jit3A_971 : i32
          %rem3A_976 = arith.remsi %squeeze3A_946, %select_n3A_975 : i32
          %ne3A_977 = arith.constant 0 : i32
          %ne3A_978 = arith.cmpi ne, %rem3A_976, %ne3A_977 : i32
          %lt3A_979 = arith.constant 0 : i32
          %lt3A_980 = arith.cmpi slt, %rem3A_976, %lt3A_979 : i32
          %lt3A_981 = arith.constant 0 : i32
          %lt3A_982 = arith.cmpi slt, %select_n3A_975, %lt3A_981 : i32
          %ne3A_983 = arith.xori %lt3A_980, %lt3A_982 : i1
          %and3A_984 = arith.andi %ne3A_983, %ne3A_978 : i1
          %add3A_985 = arith.addi %rem3A_976, %select_n3A_975 : i32
          %select_n3A_986 = arith.select %and3A_984, %add3A_985, %rem3A_976 : i32
          %mul3A_987 = arith.constant 16 : i32
          %mul3A_988 = arith.muli %select_n3A_986, %mul3A_987 : i32
          %swap3A_989 = arith.index_cast %select_n3A_970 : i32 to index
          %swap3A_990 = arith.index_cast %mul3A_988 : i32 to index
          %swap3A_991 = tpu.vector_load %arg10[%swap3A_989, %swap3A_990] {strides = array<i32>} : memref<64x128xf32, #tpu.memory_space<vmem>>, vector<1x16xf32>,
          %swap3A_992 = vector.shape_cast %swap3A_991 : vector<1x16xf32> to vector<16xf32>
          %swap3A_993 = vector.shape_cast %broadcast_in_dim3A_3 : vector<16xf32> to vector<1x16xf32>
          tpu.vector_store %arg10[%swap3A_989, %swap3A_990], %swap3A_993 {add = true, strides = array<i32>} : memref<64x128xf32, #tpu.memory_space<vmem>>, vector<1x16xf32>,
          %slice3A_994 = vector.extract_strided_slice %get3A_310 {offsets = [14], sizes = [1], strides = [1]} : vector<16xi32> to vector<1xi32>
          %squeeze3A_995 = vector.extract %slice3A_994[0] : i32 from vector<1xi32>
          %jit3A_996 = arith.constant 8 : i32
          %div3A_997 = arith.divsi %squeeze3A_995, %jit3A_996 : i32
          %sign3A_998 = arith.constant 0 : i32
          %sign3A_999 = arith.cmpi sgt, %squeeze3A_995, %sign3A_998 : i32
          %sign3A_1000 = arith.extui %sign3A_999 : i1 to i32
          %sign3A_1001 = arith.constant 0 : i32
          %sign3A_1002 = arith.cmpi slt, %squeeze3A_995, %sign3A_1001 : i32
          %sign3A_1003 = arith.extui %sign3A_1002 : i1 to i32
          %sign3A_1004 = arith.subi %sign3A_1000, %sign3A_1003 : i32
          %sign3A_1005 = arith.constant 0 : i32
          %sign3A_1006 = arith.cmpi sgt, %jit3A_996, %sign3A_1005 : i32
          %sign3A_1007 = arith.extui %sign3A_1006 : i1 to i32
          %sign3A_1008 = arith.constant 0 : i32
          %sign3A_1009 = arith.cmpi slt, %jit3A_996, %sign3A_1008 : i32
          %sign3A_1010 = arith.extui %sign3A_1009 : i1 to i32
          %sign3A_1011 = arith.subi %sign3A_1007, %sign3A_1010 : i32
          %ne3A_1012 = arith.cmpi ne, %sign3A_1004, %sign3A_1011 : i32
          %rem3A_1013 = arith.remsi %squeeze3A_995, %jit3A_996 : i32
          %ne3A_1014 = arith.constant 0 : i32
          %ne3A_1015 = arith.cmpi ne, %rem3A_1013, %ne3A_1014 : i32
          %and3A_1016 = arith.andi %ne3A_1012, %ne3A_1015 : i1
          %sub3A_1017 = arith.constant 1 : i32
          %sub3A_1018 = arith.subi %div3A_997, %sub3A_1017 : i32
          %select_n3A_1019 = arith.select %and3A_1016, %sub3A_1018, %div3A_997 : i32
          %jit3A_1020 = arith.constant 8 : i32
          %eq3A_1021 = arith.constant 0 : i32
          %eq3A_1022 = arith.cmpi eq, %jit3A_1020, %eq3A_1021 : i32
          %jit3A_1023 = arith.constant 1 : i32
          %select_n3A_1024 = arith.select %eq3A_1022, %jit3A_1023, %jit3A_1020 : i32
          %rem3A_1025 = arith.remsi %squeeze3A_995, %select_n3A_1024 : i32
          %ne3A_1026 = arith.constant 0 : i32
          %ne3A_1027 = arith.cmpi ne, %rem3A_1025, %ne3A_1026 : i32
          %lt3A_1028 = arith.constant 0 : i32
          %lt3A_1029 = arith.cmpi slt, %rem3A_1025, %lt3A_1028 : i32
          %lt3A_1030 = arith.constant 0 : i32
          %lt3A_1031 = arith.cmpi slt, %select_n3A_1024, %lt3A_1030 : i32
          %ne3A_1032 = arith.xori %lt3A_1029, %lt3A_1031 : i1
          %and3A_1033 = arith.andi %ne3A_1032, %ne3A_1027 : i1
          %add3A_1034 = arith.addi %rem3A_1025, %select_n3A_1024 : i32
          %select_n3A_1035 = arith.select %and3A_1033, %add3A_1034, %rem3A_1025 : i32
          %mul3A_1036 = arith.constant 16 : i32
          %mul3A_1037 = arith.muli %select_n3A_1035, %mul3A_1036 : i32
          %swap3A_1038 = arith.index_cast %select_n3A_1019 : i32 to index
          %swap3A_1039 = arith.index_cast %mul3A_1037 : i32 to index
          %swap3A_1040 = tpu.vector_load %arg10[%swap3A_1038, %swap3A_1039] {strides = array<i32>} : memref<64x128xf32, #tpu.memory_space<vmem>>, vector<1x16xf32>,
          %swap3A_1041 = vector.shape_cast %swap3A_1040 : vector<1x16xf32> to vector<16xf32>
          %swap3A_1042 = vector.shape_cast %broadcast_in_dim3A_3 : vector<16xf32> to vector<1x16xf32>
          tpu.vector_store %arg10[%swap3A_1038, %swap3A_1039], %swap3A_1042 {add = true, strides = array<i32>} : memref<64x128xf32, #tpu.memory_space<vmem>>, vector<1x16xf32>,
          %slice3A_1043 = vector.extract_strided_slice %get3A_310 {offsets = [15], sizes = [1], strides = [1]} : vector<16xi32> to vector<1xi32>
          %squeeze3A_1044 = vector.extract %slice3A_1043[0] : i32 from vector<1xi32>
          %jit3A_1045 = arith.constant 8 : i32
          %div3A_1046 = arith.divsi %squeeze3A_1044, %jit3A_1045 : i32
          %sign3A_1047 = arith.constant 0 : i32
          %sign3A_1048 = arith.cmpi sgt, %squeeze3A_1044, %sign3A_1047 : i32
          %sign3A_1049 = arith.extui %sign3A_1048 : i1 to i32
          %sign3A_1050 = arith.constant 0 : i32
          %sign3A_1051 = arith.cmpi slt, %squeeze3A_1044, %sign3A_1050 : i32
          %sign3A_1052 = arith.extui %sign3A_1051 : i1 to i32
          %sign3A_1053 = arith.subi %sign3A_1049, %sign3A_1052 : i32
          %sign3A_1054 = arith.constant 0 : i32
          %sign3A_1055 = arith.cmpi sgt, %jit3A_1045, %sign3A_1054 : i32
          %sign3A_1056 = arith.extui %sign3A_1055 : i1 to i32
          %sign3A_1057 = arith.constant 0 : i32
          %sign3A_1058 = arith.cmpi slt, %jit3A_1045, %sign3A_1057 : i32
          %sign3A_1059 = arith.extui %sign3A_1058 : i1 to i32
          %sign3A_1060 = arith.subi %sign3A_1056, %sign3A_1059 : i32
          %ne3A_1061 = arith.cmpi ne, %sign3A_1053, %sign3A_1060 : i32
          %rem3A_1062 = arith.remsi %squeeze3A_1044, %jit3A_1045 : i32
          %ne3A_1063 = arith.constant 0 : i32
          %ne3A_1064 = arith.cmpi ne, %rem3A_1062, %ne3A_1063 : i32
          %and3A_1065 = arith.andi %ne3A_1061, %ne3A_1064 : i1
          %sub3A_1066 = arith.constant 1 : i32
          %sub3A_1067 = arith.subi %div3A_1046, %sub3A_1066 : i32
          %select_n3A_1068 = arith.select %and3A_1065, %sub3A_1067, %div3A_1046 : i32
          %jit3A_1069 = arith.constant 8 : i32
          %eq3A_1070 = arith.constant 0 : i32
          %eq3A_1071 = arith.cmpi eq, %jit3A_1069, %eq3A_1070 : i32
          %jit3A_1072 = arith.constant 1 : i32
          %select_n3A_1073 = arith.select %eq3A_1071, %jit3A_1072, %jit3A_1069 : i32
          %rem3A_1074 = arith.remsi %squeeze3A_1044, %select_n3A_1073 : i32
          %ne3A_1075 = arith.constant 0 : i32
          %ne3A_1076 = arith.cmpi ne, %rem3A_1074, %ne3A_1075 : i32
          %lt3A_1077 = arith.constant 0 : i32
          %lt3A_1078 = arith.cmpi slt, %rem3A_1074, %lt3A_1077 : i32
          %lt3A_1079 = arith.constant 0 : i32
          %lt3A_1080 = arith.cmpi slt, %select_n3A_1073, %lt3A_1079 : i32
          %ne3A_1081 = arith.xori %lt3A_1078, %lt3A_1080 : i1
          %and3A_1082 = arith.andi %ne3A_1081, %ne3A_1076 : i1
          %add3A_1083 = arith.addi %rem3A_1074, %select_n3A_1073 : i32
          %select_n3A_1084 = arith.select %and3A_1082, %add3A_1083, %rem3A_1074 : i32
          %mul3A_1085 = arith.constant 16 : i32
          %mul3A_1086 = arith.muli %select_n3A_1084, %mul3A_1085 : i32
          %swap3A_1087 = arith.index_cast %select_n3A_1068 : i32 to index
          %swap3A_1088 = arith.index_cast %mul3A_1086 : i32 to index
          %swap3A_1089 = tpu.vector_load %arg10[%swap3A_1087, %swap3A_1088] {strides = array<i32>} : memref<64x128xf32, #tpu.memory_space<vmem>>, vector<1x16xf32>,
          %swap3A_1090 = vector.shape_cast %swap3A_1089 : vector<1x16xf32> to vector<16xf32>
          %swap3A_1091 = vector.shape_cast %broadcast_in_dim3A_3 : vector<16xf32> to vector<1x16xf32>
          tpu.vector_store %arg10[%swap3A_1087, %swap3A_1088], %swap3A_1091 {add = true, strides = array<i32>} : memref<64x128xf32, #tpu.memory_space<vmem>>, vector<1x16xf32>,
        }
        %scan3A_270 = arith.constant 25 : i32
      } else {
      }
      %mul3A_141 = arith.constant 2 : i32
      %mul3A_142 = arith.muli %mul3A_141, %scan3A_134 : i32
      %add3A_143 = arith.constant 1 : i32
      %add3A_144 = arith.addi %mul3A_142, %add3A_143 : i32
      %lt3A_145 = arith.cmpi slt, %add3A_144, %select_n3A : i32
      %convert_element_type3A_146 = arith.extui %lt3A_145 : i1 to i32
      %cond3A_147 = arith.constant 0 : i32
      %cond3A_148 = arith.cmpi ne, %convert_element_type3A_146, %cond3A_147 : i32
      scf.if %cond3A_148 {
        %dma_wait3A_149 = arith.constant 0 : i32
        %dma_wait3A_150 = arith.constant 0 : i32
        %dma_wait3A_151 = tpu.memref_slice %arg2[%dma_wait3A_149, %dma_wait3A_150] : memref<100000x128xf32, #tpu.memory_space<hbm>> -> memref<400x128xf32, #tpu.memory_space<hbm>>
        %dma_wait3A_152 = arith.constant 0 : i32
        %dma_wait3A_153 = arith.constant 0 : i32
        %dma_wait3A_154 = tpu.memref_slice %arg2[%dma_wait3A_152, %dma_wait3A_153] : memref<100000x128xf32, #tpu.memory_space<hbm>> -> memref<400x128xf32, #tpu.memory_space<hbm>>
        tpu.wait_dma2 semaphore(%arg14 : memref<!tpu.dma_semaphore, #tpu.memory_space<semaphore_mem>>) src(%dma_wait3A_154 : memref<400x128xf32, #tpu.memory_space<hbm>>) dst(%arg7 : memref<400x128xf32, #tpu.memory_space<vmem>>)
        %dma_wait3A_155 = arith.constant 0 : i32
        %dma_wait3A_156 = arith.constant 0 : i32
        %dma_wait3A_157 = tpu.memref_slice %arg9[%dma_wait3A_155, %dma_wait3A_156] : memref<5x80xi32, #tpu.memory_space<vmem>> -> memref<1x80xi32, #tpu.memory_space<vmem>>
        %dma_wait3A_158 = tpu.memref_squeeze %dma_wait3A_157 : memref<1x80xi32, #tpu.memory_space<vmem>> -> memref<80xi32, #tpu.memory_space<vmem>>
        %dma_wait3A_159 = arith.constant 0 : i32
        %dma_wait3A_160 = tpu.memref_slice %arg3[%dma_wait3A_159] : memref<100000xi32, #tpu.memory_space<hbm>> -> memref<80xi32, #tpu.memory_space<hbm>>
        %dma_wait3A_161 = arith.constant 0 : i32
        %dma_wait3A_162 = tpu.memref_slice %arg9[%dma_wait3A_155, %dma_wait3A_161] : memref<5x80xi32, #tpu.memory_space<vmem>> -> memref<1x80xi32, #tpu.memory_space<vmem>>
        %dma_wait3A_163 = tpu.memref_squeeze %dma_wait3A_162 : memref<1x80xi32, #tpu.memory_space<vmem>> -> memref<80xi32, #tpu.memory_space<vmem>>
        %dma_wait3A_164 = arith.constant 0 : i32
        %dma_wait3A_165 = tpu.memref_slice %arg3[%dma_wait3A_164] : memref<100000xi32, #tpu.memory_space<hbm>> -> memref<80xi32, #tpu.memory_space<hbm>>
        tpu.wait_dma2 semaphore(%arg14 : memref<!tpu.dma_semaphore, #tpu.memory_space<semaphore_mem>>) src(%dma_wait3A_165 : memref<80xi32, #tpu.memory_space<hbm>>) dst(%dma_wait3A_163 : memref<80xi32, #tpu.memory_space<vmem>>)
        %dma_wait3A_166 = arith.constant 1 : i32
        %dma_wait3A_167 = arith.constant 0 : i32
        %dma_wait3A_168 = tpu.memref_slice %arg9[%dma_wait3A_166, %dma_wait3A_167] : memref<5x80xi32, #tpu.memory_space<vmem>> -> memref<1x80xi32, #tpu.memory_space<vmem>>
        %dma_wait3A_169 = tpu.memref_squeeze %dma_wait3A_168 : memref<1x80xi32, #tpu.memory_space<vmem>> -> memref<80xi32, #tpu.memory_space<vmem>>
        %dma_wait3A_170 = arith.constant 0 : i32
        %dma_wait3A_171 = tpu.memref_slice %arg3[%dma_wait3A_170] : memref<100000xi32, #tpu.memory_space<hbm>> -> memref<80xi32, #tpu.memory_space<hbm>>
        %dma_wait3A_172 = arith.constant 0 : i32
        %dma_wait3A_173 = tpu.memref_slice %arg9[%dma_wait3A_166, %dma_wait3A_172] : memref<5x80xi32, #tpu.memory_space<vmem>> -> memref<1x80xi32, #tpu.memory_space<vmem>>
        %dma_wait3A_174 = tpu.memref_squeeze %dma_wait3A_173 : memref<1x80xi32, #tpu.memory_space<vmem>> -> memref<80xi32, #tpu.memory_space<vmem>>
        %dma_wait3A_175 = arith.constant 0 : i32
        %dma_wait3A_176 = tpu.memref_slice %arg3[%dma_wait3A_175] : memref<100000xi32, #tpu.memory_space<hbm>> -> memref<80xi32, #tpu.memory_space<hbm>>
        tpu.wait_dma2 semaphore(%arg14 : memref<!tpu.dma_semaphore, #tpu.memory_space<semaphore_mem>>) src(%dma_wait3A_176 : memref<80xi32, #tpu.memory_space<hbm>>) dst(%dma_wait3A_174 : memref<80xi32, #tpu.memory_space<vmem>>)
        %dma_wait3A_177 = arith.constant 2 : i32
        %dma_wait3A_178 = arith.constant 0 : i32
        %dma_wait3A_179 = tpu.memref_slice %arg9[%dma_wait3A_177, %dma_wait3A_178] : memref<5x80xi32, #tpu.memory_space<vmem>> -> memref<1x80xi32, #tpu.memory_space<vmem>>
        %dma_wait3A_180 = tpu.memref_squeeze %dma_wait3A_179 : memref<1x80xi32, #tpu.memory_space<vmem>> -> memref<80xi32, #tpu.memory_space<vmem>>
        %dma_wait3A_181 = arith.constant 0 : i32
        %dma_wait3A_182 = tpu.memref_slice %arg3[%dma_wait3A_181] : memref<100000xi32, #tpu.memory_space<hbm>> -> memref<80xi32, #tpu.memory_space<hbm>>
        %dma_wait3A_183 = arith.constant 0 : i32
        %dma_wait3A_184 = tpu.memref_slice %arg9[%dma_wait3A_177, %dma_wait3A_183] : memref<5x80xi32, #tpu.memory_space<vmem>> -> memref<1x80xi32, #tpu.memory_space<vmem>>
        %dma_wait3A_185 = tpu.memref_squeeze %dma_wait3A_184 : memref<1x80xi32, #tpu.memory_space<vmem>> -> memref<80xi32, #tpu.memory_space<vmem>>
        %dma_wait3A_186 = arith.constant 0 : i32
        %dma_wait3A_187 = tpu.memref_slice %arg3[%dma_wait3A_186] : memref<100000xi32, #tpu.memory_space<hbm>> -> memref<80xi32, #tpu.memory_space<hbm>>
        tpu.wait_dma2 semaphore(%arg14 : memref<!tpu.dma_semaphore, #tpu.memory_space<semaphore_mem>>) src(%dma_wait3A_187 : memref<80xi32, #tpu.memory_space<hbm>>) dst(%dma_wait3A_185 : memref<80xi32, #tpu.memory_space<vmem>>)
        %dma_wait3A_188 = arith.constant 3 : i32
        %dma_wait3A_189 = arith.constant 0 : i32
        %dma_wait3A_190 = tpu.memref_slice %arg9[%dma_wait3A_188, %dma_wait3A_189] : memref<5x80xi32, #tpu.memory_space<vmem>> -> memref<1x80xi32, #tpu.memory_space<vmem>>
        %dma_wait3A_191 = tpu.memref_squeeze %dma_wait3A_190 : memref<1x80xi32, #tpu.memory_space<vmem>> -> memref<80xi32, #tpu.memory_space<vmem>>
        %dma_wait3A_192 = arith.constant 0 : i32
        %dma_wait3A_193 = tpu.memref_slice %arg3[%dma_wait3A_192] : memref<100000xi32, #tpu.memory_space<hbm>> -> memref<80xi32, #tpu.memory_space<hbm>>
        %dma_wait3A_194 = arith.constant 0 : i32
        %dma_wait3A_195 = tpu.memref_slice %arg9[%dma_wait3A_188, %dma_wait3A_194] : memref<5x80xi32, #tpu.memory_space<vmem>> -> memref<1x80xi32, #tpu.memory_space<vmem>>
        %dma_wait3A_196 = tpu.memref_squeeze %dma_wait3A_195 : memref<1x80xi32, #tpu.memory_space<vmem>> -> memref<80xi32, #tpu.memory_space<vmem>>
        %dma_wait3A_197 = arith.constant 0 : i32
        %dma_wait3A_198 = tpu.memref_slice %arg3[%dma_wait3A_197] : memref<100000xi32, #tpu.memory_space<hbm>> -> memref<80xi32, #tpu.memory_space<hbm>>
        tpu.wait_dma2 semaphore(%arg14 : memref<!tpu.dma_semaphore, #tpu.memory_space<semaphore_mem>>) src(%dma_wait3A_198 : memref<80xi32, #tpu.memory_space<hbm>>) dst(%dma_wait3A_196 : memref<80xi32, #tpu.memory_space<vmem>>)
        %dma_wait3A_199 = arith.constant 4 : i32
        %dma_wait3A_200 = arith.constant 0 : i32
        %dma_wait3A_201 = tpu.memref_slice %arg9[%dma_wait3A_199, %dma_wait3A_200] : memref<5x80xi32, #tpu.memory_space<vmem>> -> memref<1x80xi32, #tpu.memory_space<vmem>>
        %dma_wait3A_202 = tpu.memref_squeeze %dma_wait3A_201 : memref<1x80xi32, #tpu.memory_space<vmem>> -> memref<80xi32, #tpu.memory_space<vmem>>
        %dma_wait3A_203 = arith.constant 0 : i32
        %dma_wait3A_204 = tpu.memref_slice %arg3[%dma_wait3A_203] : memref<100000xi32, #tpu.memory_space<hbm>> -> memref<80xi32, #tpu.memory_space<hbm>>
        %dma_wait3A_205 = arith.constant 0 : i32
        %dma_wait3A_206 = tpu.memref_slice %arg9[%dma_wait3A_199, %dma_wait3A_205] : memref<5x80xi32, #tpu.memory_space<vmem>> -> memref<1x80xi32, #tpu.memory_space<vmem>>
        %dma_wait3A_207 = tpu.memref_squeeze %dma_wait3A_206 : memref<1x80xi32, #tpu.memory_space<vmem>> -> memref<80xi32, #tpu.memory_space<vmem>>
        %dma_wait3A_208 = arith.constant 0 : i32
        %dma_wait3A_209 = tpu.memref_slice %arg3[%dma_wait3A_208] : memref<100000xi32, #tpu.memory_space<hbm>> -> memref<80xi32, #tpu.memory_space<hbm>>
        tpu.wait_dma2 semaphore(%arg14 : memref<!tpu.dma_semaphore, #tpu.memory_space<semaphore_mem>>) src(%dma_wait3A_209 : memref<80xi32, #tpu.memory_space<hbm>>) dst(%dma_wait3A_207 : memref<80xi32, #tpu.memory_space<vmem>>)
        %add3A_210 = arith.constant 1 : i32
        %add3A_211 = arith.addi %add3A_144, %add3A_210 : i32
        %lt3A_212 = arith.cmpi slt, %add3A_211, %select_n3A : i32
        %convert_element_type3A_213 = arith.extui %lt3A_212 : i1 to i32
        %cond3A_214 = arith.constant 0 : i32
        %cond3A_215 = arith.cmpi ne, %convert_element_type3A_213, %cond3A_214 : i32
        scf.if %cond3A_215 {
          %ge3A = arith.constant 1 : i32
          %ge3A_271 = arith.cmpi sge, %add3A_144, %ge3A : i32
          %convert_element_type3A_272 = arith.extui %ge3A_271 : i1 to i32
          %cond3A_273 = arith.constant 0 : i32
          %cond3A_274 = arith.cmpi ne, %convert_element_type3A_272, %cond3A_273 : i32
          scf.if %cond3A_274 {
            %dma_wait3A_341 = arith.constant 0 : i32
            %dma_wait3A_342 = arith.constant 0 : i32
            %dma_wait3A_343 = arith.constant 0 : i32
            %dma_wait3A_344 = tpu.memref_slice %arg6[%dma_wait3A_342, %dma_wait3A_343] : memref<400x128xf32, #tpu.memory_space<vmem>> -> memref<80x128xf32, #tpu.memory_space<vmem>>
            %dma_wait3A_345 = arith.constant 0 : i32
            %dma_wait3A_346 = tpu.memref_slice %arg8[%dma_wait3A_341, %dma_wait3A_345] : memref<5x80xi32, #tpu.memory_space<vmem>> -> memref<1x80xi32, #tpu.memory_space<vmem>>
            %dma_wait3A_347 = tpu.memref_squeeze %dma_wait3A_346 : memref<1x80xi32, #tpu.memory_space<vmem>> -> memref<80xi32, #tpu.memory_space<vmem>>
            %dma_wait3A_348 = arith.constant 0 : i32
            %dma_wait3A_349 = arith.constant 0 : i32
            %dma_wait3A_350 = tpu.memref_slice %arg12[%dma_wait3A_348, %dma_wait3A_349] : memref<512x128xf32, #tpu.memory_space<vmem_shared>> -> memref<512x128xf32, #tpu.memory_space<vmem_shared>>
            tpu.wait_indirect_dma semaphore(%arg15 : memref<!tpu.dma_semaphore, #tpu.memory_space<semaphore_mem>>) src(%dma_wait3A_344 : memref<80x128xf32, #tpu.memory_space<vmem>>) dst(%dma_wait3A_350 : memref<512x128xf32, #tpu.memory_space<vmem_shared>>)
            %dma_wait3A_351 = arith.constant 1 : i32
            %dma_wait3A_352 = arith.constant 80 : i32
            %dma_wait3A_353 = arith.constant 0 : i32
            %dma_wait3A_354 = tpu.memref_slice %arg6[%dma_wait3A_352, %dma_wait3A_353] : memref<400x128xf32, #tpu.memory_space<vmem>> -> memref<80x128xf32, #tpu.memory_space<vmem>>
            %dma_wait3A_355 = arith.constant 0 : i32
            %dma_wait3A_356 = tpu.memref_slice %arg8[%dma_wait3A_351, %dma_wait3A_355] : memref<5x80xi32, #tpu.memory_space<vmem>> -> memref<1x80xi32, #tpu.memory_space<vmem>>
            %dma_wait3A_357 = tpu.memref_squeeze %dma_wait3A_356 : memref<1x80xi32, #tpu.memory_space<vmem>> -> memref<80xi32, #tpu.memory_space<vmem>>
            %dma_wait3A_358 = arith.constant 0 : i32
            %dma_wait3A_359 = arith.constant 0 : i32
            %dma_wait3A_360 = tpu.memref_slice %arg12[%dma_wait3A_358, %dma_wait3A_359] : memref<512x128xf32, #tpu.memory_space<vmem_shared>> -> memref<512x128xf32, #tpu.memory_space<vmem_shared>>
            tpu.wait_indirect_dma semaphore(%arg15 : memref<!tpu.dma_semaphore, #tpu.memory_space<semaphore_mem>>) src(%dma_wait3A_354 : memref<80x128xf32, #tpu.memory_space<vmem>>) dst(%dma_wait3A_360 : memref<512x128xf32, #tpu.memory_space<vmem_shared>>)
            %dma_wait3A_361 = arith.constant 2 : i32
            %dma_wait3A_362 = arith.constant 160 : i32
            %dma_wait3A_363 = arith.constant 0 : i32
            %dma_wait3A_364 = tpu.memref_slice %arg6[%dma_wait3A_362, %dma_wait3A_363] : memref<400x128xf32, #tpu.memory_space<vmem>> -> memref<80x128xf32, #tpu.memory_space<vmem>>
            %dma_wait3A_365 = arith.constant 0 : i32
            %dma_wait3A_366 = tpu.memref_slice %arg8[%dma_wait3A_361, %dma_wait3A_365] : memref<5x80xi32, #tpu.memory_space<vmem>> -> memref<1x80xi32, #tpu.memory_space<vmem>>
            %dma_wait3A_367 = tpu.memref_squeeze %dma_wait3A_366 : memref<1x80xi32, #tpu.memory_space<vmem>> -> memref<80xi32, #tpu.memory_space<vmem>>
            %dma_wait3A_368 = arith.constant 0 : i32
            %dma_wait3A_369 = arith.constant 0 : i32
            %dma_wait3A_370 = tpu.memref_slice %arg12[%dma_wait3A_368, %dma_wait3A_369] : memref<512x128xf32, #tpu.memory_space<vmem_shared>> -> memref<512x128xf32, #tpu.memory_space<vmem_shared>>
            tpu.wait_indirect_dma semaphore(%arg15 : memref<!tpu.dma_semaphore, #tpu.memory_space<semaphore_mem>>) src(%dma_wait3A_364 : memref<80x128xf32, #tpu.memory_space<vmem>>) dst(%dma_wait3A_370 : memref<512x128xf32, #tpu.memory_space<vmem_shared>>)
            %dma_wait3A_371 = arith.constant 3 : i32
            %dma_wait3A_372 = arith.constant 240 : i32
            %dma_wait3A_373 = arith.constant 0 : i32
            %dma_wait3A_374 = tpu.memref_slice %arg6[%dma_wait3A_372, %dma_wait3A_373] : memref<400x128xf32, #tpu.memory_space<vmem>> -> memref<80x128xf32, #tpu.memory_space<vmem>>
            %dma_wait3A_375 = arith.constant 0 : i32
            %dma_wait3A_376 = tpu.memref_slice %arg8[%dma_wait3A_371, %dma_wait3A_375] : memref<5x80xi32, #tpu.memory_space<vmem>> -> memref<1x80xi32, #tpu.memory_space<vmem>>
            %dma_wait3A_377 = tpu.memref_squeeze %dma_wait3A_376 : memref<1x80xi32, #tpu.memory_space<vmem>> -> memref<80xi32, #tpu.memory_space<vmem>>
            %dma_wait3A_378 = arith.constant 0 : i32
            %dma_wait3A_379 = arith.constant 0 : i32
            %dma_wait3A_380 = tpu.memref_slice %arg12[%dma_wait3A_378, %dma_wait3A_379] : memref<512x128xf32, #tpu.memory_space<vmem_shared>> -> memref<512x128xf32, #tpu.memory_space<vmem_shared>>
            tpu.wait_indirect_dma semaphore(%arg15 : memref<!tpu.dma_semaphore, #tpu.memory_space<semaphore_mem>>) src(%dma_wait3A_374 : memref<80x128xf32, #tpu.memory_space<vmem>>) dst(%dma_wait3A_380 : memref<512x128xf32, #tpu.memory_space<vmem_shared>>)
            %dma_wait3A_381 = arith.constant 4 : i32
            %dma_wait3A_382 = arith.constant 320 : i32
            %dma_wait3A_383 = arith.constant 0 : i32
            %dma_wait3A_384 = tpu.memref_slice %arg6[%dma_wait3A_382, %dma_wait3A_383] : memref<400x128xf32, #tpu.memory_space<vmem>> -> memref<80x128xf32, #tpu.memory_space<vmem>>
            %dma_wait3A_385 = arith.constant 0 : i32
            %dma_wait3A_386 = tpu.memref_slice %arg8[%dma_wait3A_381, %dma_wait3A_385] : memref<5x80xi32, #tpu.memory_space<vmem>> -> memref<1x80xi32, #tpu.memory_space<vmem>>
            %dma_wait3A_387 = tpu.memref_squeeze %dma_wait3A_386 : memref<1x80xi32, #tpu.memory_space<vmem>> -> memref<80xi32, #tpu.memory_space<vmem>>
            %dma_wait3A_388 = arith.constant 0 : i32
            %dma_wait3A_389 = arith.constant 0 : i32
            %dma_wait3A_390 = tpu.memref_slice %arg12[%dma_wait3A_388, %dma_wait3A_389] : memref<512x128xf32, #tpu.memory_space<vmem_shared>> -> memref<512x128xf32, #tpu.memory_space<vmem_shared>>
            tpu.wait_indirect_dma semaphore(%arg15 : memref<!tpu.dma_semaphore, #tpu.memory_space<semaphore_mem>>) src(%dma_wait3A_384 : memref<80x128xf32, #tpu.memory_space<vmem>>) dst(%dma_wait3A_390 : memref<512x128xf32, #tpu.memory_space<vmem_shared>>)
          } else {
          }
          %add3A_275 = arith.constant 1 : i32
          %add3A_276 = arith.addi %add3A_144, %add3A_275 : i32
          %mul3A_277 = arith.constant 32 : i32
          %mul3A_278 = arith.muli %mul3A_277, %add3A_276 : i32
          %add3A_279 = arith.addi %add3A, %mul3A_278 : i32
          %mul3A_280 = arith.constant 400 : i32
          %mul3A_281 = arith.muli %add3A_279, %mul3A_280 : i32
          %dma_start3A_282 = arith.constant 0 : i32
          %dma_start3A_283 = tpu.memref_slice %arg2[%mul3A_281, %dma_start3A_282] : memref<100000x128xf32, #tpu.memory_space<hbm>> -> memref<400x128xf32, #tpu.memory_space<hbm>>
          %dma_start3A_284 = arith.constant 0 : i32
          %dma_start3A_285 = tpu.memref_slice %arg2[%mul3A_281, %dma_start3A_284] : memref<100000x128xf32, #tpu.memory_space<hbm>> -> memref<400x128xf32, #tpu.memory_space<hbm>>
          tpu.enqueue_dma source(%dma_start3A_285 : memref<400x128xf32, #tpu.memory_space<hbm>>) target(%arg6 : memref<400x128xf32, #tpu.memory_space<vmem>>) target_semaphore(%arg13 : memref<!tpu.dma_semaphore, #tpu.memory_space<semaphore_mem>>)
          %add3A_286 = arith.constant 0 : i32
          %add3A_287 = arith.addi %mul3A_281, %add3A_286 : i32
          %dma_start3A_288 = arith.constant 0 : i32
          %dma_start3A_289 = arith.constant 0 : i32
          %dma_start3A_290 = tpu.memref_slice %arg8[%dma_start3A_288, %dma_start3A_289] : memref<5x80xi32, #tpu.memory_space<vmem>> -> memref<1x80xi32, #tpu.memory_space<vmem>>
          %dma_start3A_291 = tpu.memref_squeeze %dma_start3A_290 : memref<1x80xi32, #tpu.memory_space<vmem>> -> memref<80xi32, #tpu.memory_space<vmem>>
          %dma_start3A_292 = tpu.memref_slice %arg3[%add3A_287] : memref<100000xi32, #tpu.memory_space<hbm>> -> memref<80xi32, #tpu.memory_space<hbm>>
          %dma_start3A_293 = arith.constant 0 : i32
          %dma_start3A_294 = tpu.memref_slice %arg8[%dma_start3A_288, %dma_start3A_293] : memref<5x80xi32, #tpu.memory_space<vmem>> -> memref<1x80xi32, #tpu.memory_space<vmem>>
          %dma_start3A_295 = tpu.memref_squeeze %dma_start3A_294 : memref<1x80xi32, #tpu.memory_space<vmem>> -> memref<80xi32, #tpu.memory_space<vmem>>
          %dma_start3A_296 = tpu.memref_slice %arg3[%add3A_287] : memref<100000xi32, #tpu.memory_space<hbm>> -> memref<80xi32, #tpu.memory_space<hbm>>
          tpu.enqueue_dma source(%dma_start3A_296 : memref<80xi32, #tpu.memory_space<hbm>>) target(%dma_start3A_295 : memref<80xi32, #tpu.memory_space<vmem>>) target_semaphore(%arg13 : memref<!tpu.dma_semaphore, #tpu.memory_space<semaphore_mem>>)
          %add3A_297 = arith.constant 80 : i32
          %add3A_298 = arith.addi %mul3A_281, %add3A_297 : i32
          %dma_start3A_299 = arith.constant 1 : i32
          %dma_start3A_300 = arith.constant 0 : i32
          %dma_start3A_301 = tpu.memref_slice %arg8[%dma_start3A_299, %dma_start3A_300] : memref<5x80xi32, #tpu.memory_space<vmem>> -> memref<1x80xi32, #tpu.memory_space<vmem>>
          %dma_start3A_302 = tpu.memref_squeeze %dma_start3A_301 : memref<1x80xi32, #tpu.memory_space<vmem>> -> memref<80xi32, #tpu.memory_space<vmem>>
          %dma_start3A_303 = tpu.memref_slice %arg3[%add3A_298] : memref<100000xi32, #tpu.memory_space<hbm>> -> memref<80xi32, #tpu.memory_space<hbm>>
          %dma_start3A_304 = arith.constant 0 : i32
          %dma_start3A_305 = tpu.memref_slice %arg8[%dma_start3A_299, %dma_start3A_304] : memref<5x80xi32, #tpu.memory_space<vmem>> -> memref<1x80xi32, #tpu.memory_space<vmem>>
          %dma_start3A_306 = tpu.memref_squeeze %dma_start3A_305 : memref<1x80xi32, #tpu.memory_space<vmem>> -> memref<80xi32, #tpu.memory_space<vmem>>
          %dma_start3A_307 = tpu.memref_slice %arg3[%add3A_298] : memref<100000xi32, #tpu.memory_space<hbm>> -> memref<80xi32, #tpu.memory_space<hbm>>
          tpu.enqueue_dma source(%dma_start3A_307 : memref<80xi32, #tpu.memory_space<hbm>>) target(%dma_start3A_306 : memref<80xi32, #tpu.memory_space<vmem>>) target_semaphore(%arg13 : memref<!tpu.dma_semaphore, #tpu.memory_space<semaphore_mem>>)
          %add3A_308 = arith.constant 160 : i32
          %add3A_309 = arith.addi %mul3A_281, %add3A_308 : i32
          %dma_start3A_310 = arith.constant 2 : i32
          %dma_start3A_311 = arith.constant 0 : i32
          %dma_start3A_312 = tpu.memref_slice %arg8[%dma_start3A_310, %dma_start3A_311] : memref<5x80xi32, #tpu.memory_space<vmem>> -> memref<1x80xi32, #tpu.memory_space<vmem>>
          %dma_start3A_313 = tpu.memref_squeeze %dma_start3A_312 : memref<1x80xi32, #tpu.memory_space<vmem>> -> memref<80xi32, #tpu.memory_space<vmem>>
          %dma_start3A_314 = tpu.memref_slice %arg3[%add3A_309] : memref<100000xi32, #tpu.memory_space<hbm>> -> memref<80xi32, #tpu.memory_space<hbm>>
          %dma_start3A_315 = arith.constant 0 : i32
          %dma_start3A_316 = tpu.memref_slice %arg8[%dma_start3A_310, %dma_start3A_315] : memref<5x80xi32, #tpu.memory_space<vmem>> -> memref<1x80xi32, #tpu.memory_space<vmem>>
          %dma_start3A_317 = tpu.memref_squeeze %dma_start3A_316 : memref<1x80xi32, #tpu.memory_space<vmem>> -> memref<80xi32, #tpu.memory_space<vmem>>
          %dma_start3A_318 = tpu.memref_slice %arg3[%add3A_309] : memref<100000xi32, #tpu.memory_space<hbm>> -> memref<80xi32, #tpu.memory_space<hbm>>
          tpu.enqueue_dma source(%dma_start3A_318 : memref<80xi32, #tpu.memory_space<hbm>>) target(%dma_start3A_317 : memref<80xi32, #tpu.memory_space<vmem>>) target_semaphore(%arg13 : memref<!tpu.dma_semaphore, #tpu.memory_space<semaphore_mem>>)
          %add3A_319 = arith.constant 240 : i32
          %add3A_320 = arith.addi %mul3A_281, %add3A_319 : i32
          %dma_start3A_321 = arith.constant 3 : i32
          %dma_start3A_322 = arith.constant 0 : i32
          %dma_start3A_323 = tpu.memref_slice %arg8[%dma_start3A_321, %dma_start3A_322] : memref<5x80xi32, #tpu.memory_space<vmem>> -> memref<1x80xi32, #tpu.memory_space<vmem>>
          %dma_start3A_324 = tpu.memref_squeeze %dma_start3A_323 : memref<1x80xi32, #tpu.memory_space<vmem>> -> memref<80xi32, #tpu.memory_space<vmem>>
          %dma_start3A_325 = tpu.memref_slice %arg3[%add3A_320] : memref<100000xi32, #tpu.memory_space<hbm>> -> memref<80xi32, #tpu.memory_space<hbm>>
          %dma_start3A_326 = arith.constant 0 : i32
          %dma_start3A_327 = tpu.memref_slice %arg8[%dma_start3A_321, %dma_start3A_326] : memref<5x80xi32, #tpu.memory_space<vmem>> -> memref<1x80xi32, #tpu.memory_space<vmem>>
          %dma_start3A_328 = tpu.memref_squeeze %dma_start3A_327 : memref<1x80xi32, #tpu.memory_space<vmem>> -> memref<80xi32, #tpu.memory_space<vmem>>
          %dma_start3A_329 = tpu.memref_slice %arg3[%add3A_320] : memref<100000xi32, #tpu.memory_space<hbm>> -> memref<80xi32, #tpu.memory_space<hbm>>
          tpu.enqueue_dma source(%dma_start3A_329 : memref<80xi32, #tpu.memory_space<hbm>>) target(%dma_start3A_328 : memref<80xi32, #tpu.memory_space<vmem>>) target_semaphore(%arg13 : memref<!tpu.dma_semaphore, #tpu.memory_space<semaphore_mem>>)
          %add3A_330 = arith.constant 320 : i32
          %add3A_331 = arith.addi %mul3A_281, %add3A_330 : i32
          %dma_start3A_332 = arith.constant 4 : i32
          %dma_start3A_333 = arith.constant 0 : i32
          %dma_start3A_334 = tpu.memref_slice %arg8[%dma_start3A_332, %dma_start3A_333] : memref<5x80xi32, #tpu.memory_space<vmem>> -> memref<1x80xi32, #tpu.memory_space<vmem>>
          %dma_start3A_335 = tpu.memref_squeeze %dma_start3A_334 : memref<1x80xi32, #tpu.memory_space<vmem>> -> memref<80xi32, #tpu.memory_space<vmem>>
          %dma_start3A_336 = tpu.memref_slice %arg3[%add3A_331] : memref<100000xi32, #tpu.memory_space<hbm>> -> memref<80xi32, #tpu.memory_space<hbm>>
          %dma_start3A_337 = arith.constant 0 : i32
          %dma_start3A_338 = tpu.memref_slice %arg8[%dma_start3A_332, %dma_start3A_337] : memref<5x80xi32, #tpu.memory_space<vmem>> -> memref<1x80xi32, #tpu.memory_space<vmem>>
          %dma_start3A_339 = tpu.memref_squeeze %dma_start3A_338 : memref<1x80xi32, #tpu.memory_space<vmem>> -> memref<80xi32, #tpu.memory_space<vmem>>
          %dma_start3A_340 = tpu.memref_slice %arg3[%add3A_331] : memref<100000xi32, #tpu.memory_space<hbm>> -> memref<80xi32, #tpu.memory_space<hbm>>
          tpu.enqueue_dma source(%dma_start3A_340 : memref<80xi32, #tpu.memory_space<hbm>>) target(%dma_start3A_339 : memref<80xi32, #tpu.memory_space<vmem>>) target_semaphore(%arg13 : memref<!tpu.dma_semaphore, #tpu.memory_space<semaphore_mem>>)
        } else {
        }
        %dma_start3A = arith.constant 0 : i32
        %dma_start3A_216 = arith.constant 0 : i32
        %dma_start3A_217 = arith.constant 0 : i32
        %dma_start3A_218 = tpu.memref_slice %arg7[%dma_start3A_216, %dma_start3A_217] : memref<400x128xf32, #tpu.memory_space<vmem>> -> memref<80x128xf32, #tpu.memory_space<vmem>>
        %dma_start3A_219 = arith.constant 0 : i32
        %dma_start3A_220 = tpu.memref_slice %arg9[%dma_start3A, %dma_start3A_219] : memref<5x80xi32, #tpu.memory_space<vmem>> -> memref<1x80xi32, #tpu.memory_space<vmem>>
        %dma_start3A_221 = tpu.memref_squeeze %dma_start3A_220 : memref<1x80xi32, #tpu.memory_space<vmem>> -> memref<80xi32, #tpu.memory_space<vmem>>
        %dma_start3A_222 = arith.constant 0 : i32
        %dma_start3A_223 = arith.constant 0 : i32
        %dma_start3A_224 = tpu.memref_slice %arg12[%dma_start3A_222, %dma_start3A_223] : memref<512x128xf32, #tpu.memory_space<vmem_shared>> -> memref<512x128xf32, #tpu.memory_space<vmem_shared>>
        tpu.enqueue_indirect_dma source(%dma_start3A_218 : memref<80x128xf32, #tpu.memory_space<vmem>>) target(%dma_start3A_224 : memref<512x128xf32, #tpu.memory_space<vmem_shared>>) offsets(%dma_start3A_221 : memref<80xi32, #tpu.memory_space<vmem>>) semaphore(%arg16 : memref<!tpu.dma_semaphore, #tpu.memory_space<semaphore_mem>>) {add = true}
        %dma_start3A_225 = arith.constant 1 : i32
        %dma_start3A_226 = arith.constant 80 : i32
        %dma_start3A_227 = arith.constant 0 : i32
        %dma_start3A_228 = tpu.memref_slice %arg7[%dma_start3A_226, %dma_start3A_227] : memref<400x128xf32, #tpu.memory_space<vmem>> -> memref<80x128xf32, #tpu.memory_space<vmem>>
        %dma_start3A_229 = arith.constant 0 : i32
        %dma_start3A_230 = tpu.memref_slice %arg9[%dma_start3A_225, %dma_start3A_229] : memref<5x80xi32, #tpu.memory_space<vmem>> -> memref<1x80xi32, #tpu.memory_space<vmem>>
        %dma_start3A_231 = tpu.memref_squeeze %dma_start3A_230 : memref<1x80xi32, #tpu.memory_space<vmem>> -> memref<80xi32, #tpu.memory_space<vmem>>
        %dma_start3A_232 = arith.constant 0 : i32
        %dma_start3A_233 = arith.constant 0 : i32
        %dma_start3A_234 = tpu.memref_slice %arg12[%dma_start3A_232, %dma_start3A_233] : memref<512x128xf32, #tpu.memory_space<vmem_shared>> -> memref<512x128xf32, #tpu.memory_space<vmem_shared>>
        tpu.enqueue_indirect_dma source(%dma_start3A_228 : memref<80x128xf32, #tpu.memory_space<vmem>>) target(%dma_start3A_234 : memref<512x128xf32, #tpu.memory_space<vmem_shared>>) offsets(%dma_start3A_231 : memref<80xi32, #tpu.memory_space<vmem>>) semaphore(%arg16 : memref<!tpu.dma_semaphore, #tpu.memory_space<semaphore_mem>>) {add = true}
        %dma_start3A_235 = arith.constant 2 : i32
        %dma_start3A_236 = arith.constant 160 : i32
        %dma_start3A_237 = arith.constant 0 : i32
        %dma_start3A_238 = tpu.memref_slice %arg7[%dma_start3A_236, %dma_start3A_237] : memref<400x128xf32, #tpu.memory_space<vmem>> -> memref<80x128xf32, #tpu.memory_space<vmem>>
        %dma_start3A_239 = arith.constant 0 : i32
        %dma_start3A_240 = tpu.memref_slice %arg9[%dma_start3A_235, %dma_start3A_239] : memref<5x80xi32, #tpu.memory_space<vmem>> -> memref<1x80xi32, #tpu.memory_space<vmem>>
        %dma_start3A_241 = tpu.memref_squeeze %dma_start3A_240 : memref<1x80xi32, #tpu.memory_space<vmem>> -> memref<80xi32, #tpu.memory_space<vmem>>
        %dma_start3A_242 = arith.constant 0 : i32
        %dma_start3A_243 = arith.constant 0 : i32
        %dma_start3A_244 = tpu.memref_slice %arg12[%dma_start3A_242, %dma_start3A_243] : memref<512x128xf32, #tpu.memory_space<vmem_shared>> -> memref<512x128xf32, #tpu.memory_space<vmem_shared>>
        tpu.enqueue_indirect_dma source(%dma_start3A_238 : memref<80x128xf32, #tpu.memory_space<vmem>>) target(%dma_start3A_244 : memref<512x128xf32, #tpu.memory_space<vmem_shared>>) offsets(%dma_start3A_241 : memref<80xi32, #tpu.memory_space<vmem>>) semaphore(%arg16 : memref<!tpu.dma_semaphore, #tpu.memory_space<semaphore_mem>>) {add = true}
        %dma_start3A_245 = arith.constant 3 : i32
        %dma_start3A_246 = arith.constant 240 : i32
        %dma_start3A_247 = arith.constant 0 : i32
        %dma_start3A_248 = tpu.memref_slice %arg7[%dma_start3A_246, %dma_start3A_247] : memref<400x128xf32, #tpu.memory_space<vmem>> -> memref<80x128xf32, #tpu.memory_space<vmem>>
        %dma_start3A_249 = arith.constant 0 : i32
        %dma_start3A_250 = tpu.memref_slice %arg9[%dma_start3A_245, %dma_start3A_249] : memref<5x80xi32, #tpu.memory_space<vmem>> -> memref<1x80xi32, #tpu.memory_space<vmem>>
        %dma_start3A_251 = tpu.memref_squeeze %dma_start3A_250 : memref<1x80xi32, #tpu.memory_space<vmem>> -> memref<80xi32, #tpu.memory_space<vmem>>
        %dma_start3A_252 = arith.constant 0 : i32
        %dma_start3A_253 = arith.constant 0 : i32
        %dma_start3A_254 = tpu.memref_slice %arg12[%dma_start3A_252, %dma_start3A_253] : memref<512x128xf32, #tpu.memory_space<vmem_shared>> -> memref<512x128xf32, #tpu.memory_space<vmem_shared>>
        tpu.enqueue_indirect_dma source(%dma_start3A_248 : memref<80x128xf32, #tpu.memory_space<vmem>>) target(%dma_start3A_254 : memref<512x128xf32, #tpu.memory_space<vmem_shared>>) offsets(%dma_start3A_251 : memref<80xi32, #tpu.memory_space<vmem>>) semaphore(%arg16 : memref<!tpu.dma_semaphore, #tpu.memory_space<semaphore_mem>>) {add = true}
        %dma_start3A_255 = arith.constant 4 : i32
        %dma_start3A_256 = arith.constant 320 : i32
        %dma_start3A_257 = arith.constant 0 : i32
        %dma_start3A_258 = tpu.memref_slice %arg7[%dma_start3A_256, %dma_start3A_257] : memref<400x128xf32, #tpu.memory_space<vmem>> -> memref<80x128xf32, #tpu.memory_space<vmem>>
        %dma_start3A_259 = arith.constant 0 : i32
        %dma_start3A_260 = tpu.memref_slice %arg9[%dma_start3A_255, %dma_start3A_259] : memref<5x80xi32, #tpu.memory_space<vmem>> -> memref<1x80xi32, #tpu.memory_space<vmem>>
        %dma_start3A_261 = tpu.memref_squeeze %dma_start3A_260 : memref<1x80xi32, #tpu.memory_space<vmem>> -> memref<80xi32, #tpu.memory_space<vmem>>
        %dma_start3A_262 = arith.constant 0 : i32
        %dma_start3A_263 = arith.constant 0 : i32
        %dma_start3A_264 = tpu.memref_slice %arg12[%dma_start3A_262, %dma_start3A_263] : memref<512x128xf32, #tpu.memory_space<vmem_shared>> -> memref<512x128xf32, #tpu.memory_space<vmem_shared>>
        tpu.enqueue_indirect_dma source(%dma_start3A_258 : memref<80x128xf32, #tpu.memory_space<vmem>>) target(%dma_start3A_264 : memref<512x128xf32, #tpu.memory_space<vmem_shared>>) offsets(%dma_start3A_261 : memref<80xi32, #tpu.memory_space<vmem>>) semaphore(%arg16 : memref<!tpu.dma_semaphore, #tpu.memory_space<semaphore_mem>>) {add = true}
        %scan3A_265 = arith.constant 0 : i32
        %scan3A_266 = arith.constant 0 : i32
        %scan3A_267 = arith.constant 25 : i32
        %scan3A_268 = arith.addi %scan3A_266, %scan3A_267 : i32
        %scan3A_269 = arith.constant 1 : i32
        scf.for %scan3A_271 = %scan3A_266 to %scan3A_268 step %scan3A_269  : i32 {
          %jit3A_272 = arith.constant 5 : i32
          %div3A = arith.divsi %scan3A_271, %jit3A_272 : i32
          %sign3A = arith.constant 0 : i32
          %sign3A_273 = arith.cmpi sgt, %scan3A_271, %sign3A : i32
          %sign3A_274 = arith.extui %sign3A_273 : i1 to i32
          %sign3A_275 = arith.constant 0 : i32
          %sign3A_276 = arith.cmpi slt, %scan3A_271, %sign3A_275 : i32
          %sign3A_277 = arith.extui %sign3A_276 : i1 to i32
          %sign3A_278 = arith.subi %sign3A_274, %sign3A_277 : i32
          %sign3A_279 = arith.constant 0 : i32
          %sign3A_280 = arith.cmpi sgt, %jit3A_272, %sign3A_279 : i32
          %sign3A_281 = arith.extui %sign3A_280 : i1 to i32
          %sign3A_282 = arith.constant 0 : i32
          %sign3A_283 = arith.cmpi slt, %jit3A_272, %sign3A_282 : i32
          %sign3A_284 = arith.extui %sign3A_283 : i1 to i32
          %sign3A_285 = arith.subi %sign3A_281, %sign3A_284 : i32
          %ne3A = arith.cmpi ne, %sign3A_278, %sign3A_285 : i32
          %rem3A = arith.remsi %scan3A_271, %jit3A_272 : i32
          %ne3A_286 = arith.constant 0 : i32
          %ne3A_287 = arith.cmpi ne, %rem3A, %ne3A_286 : i32
          %and3A = arith.andi %ne3A, %ne3A_287 : i1
          %sub3A = arith.constant 1 : i32
          %sub3A_288 = arith.subi %div3A, %sub3A : i32
          %select_n3A_289 = arith.select %and3A, %sub3A_288, %div3A : i32
          %jit3A_290 = arith.constant 5 : i32
          %eq3A_291 = arith.constant 0 : i32
          %eq3A_292 = arith.cmpi eq, %jit3A_290, %eq3A_291 : i32
          %jit3A_293 = arith.constant 1 : i32
          %select_n3A_294 = arith.select %eq3A_292, %jit3A_293, %jit3A_290 : i32
          %rem3A_295 = arith.remsi %scan3A_271, %select_n3A_294 : i32
          %ne3A_296 = arith.constant 0 : i32
          %ne3A_297 = arith.cmpi ne, %rem3A_295, %ne3A_296 : i32
          %lt3A_298 = arith.constant 0 : i32
          %lt3A_299 = arith.cmpi slt, %rem3A_295, %lt3A_298 : i32
          %lt3A_300 = arith.constant 0 : i32
          %lt3A_301 = arith.cmpi slt, %select_n3A_294, %lt3A_300 : i32
          %ne3A_302 = arith.xori %lt3A_299, %lt3A_301 : i1
          %and3A_303 = arith.andi %ne3A_302, %ne3A_297 : i1
          %add3A_304 = arith.addi %rem3A_295, %select_n3A_294 : i32
          %select_n3A_305 = arith.select %and3A_303, %add3A_304, %rem3A_295 : i32
          %mul3A_306 = arith.constant 16 : i32
          %mul3A_307 = arith.muli %select_n3A_305, %mul3A_306 : i32
          %get3A = arith.index_cast %select_n3A_289 : i32 to index
          %get3A_308 = arith.index_cast %mul3A_307 : i32 to index
          %get3A_309 = tpu.vector_load %arg9[%get3A, %get3A_308] {strides = array<i32>} : memref<5x80xi32, #tpu.memory_space<vmem>>, vector<1x16xi32>,
          %get3A_310 = vector.shape_cast %get3A_309 : vector<1x16xi32> to vector<16xi32>
          %slice3A = vector.extract_strided_slice %get3A_310 {offsets = [0], sizes = [1], strides = [1]} : vector<16xi32> to vector<1xi32>
          %squeeze3A = vector.extract %slice3A[0] : i32 from vector<1xi32>
          %jit3A_311 = arith.constant 8 : i32
          %div3A_312 = arith.divsi %squeeze3A, %jit3A_311 : i32
          %sign3A_313 = arith.constant 0 : i32
          %sign3A_314 = arith.cmpi sgt, %squeeze3A, %sign3A_313 : i32
          %sign3A_315 = arith.extui %sign3A_314 : i1 to i32
          %sign3A_316 = arith.constant 0 : i32
          %sign3A_317 = arith.cmpi slt, %squeeze3A, %sign3A_316 : i32
          %sign3A_318 = arith.extui %sign3A_317 : i1 to i32
          %sign3A_319 = arith.subi %sign3A_315, %sign3A_318 : i32
          %sign3A_320 = arith.constant 0 : i32
          %sign3A_321 = arith.cmpi sgt, %jit3A_311, %sign3A_320 : i32
          %sign3A_322 = arith.extui %sign3A_321 : i1 to i32
          %sign3A_323 = arith.constant 0 : i32
          %sign3A_324 = arith.cmpi slt, %jit3A_311, %sign3A_323 : i32
          %sign3A_325 = arith.extui %sign3A_324 : i1 to i32
          %sign3A_326 = arith.subi %sign3A_322, %sign3A_325 : i32
          %ne3A_327 = arith.cmpi ne, %sign3A_319, %sign3A_326 : i32
          %rem3A_328 = arith.remsi %squeeze3A, %jit3A_311 : i32
          %ne3A_329 = arith.constant 0 : i32
          %ne3A_330 = arith.cmpi ne, %rem3A_328, %ne3A_329 : i32
          %and3A_331 = arith.andi %ne3A_327, %ne3A_330 : i1
          %sub3A_332 = arith.constant 1 : i32
          %sub3A_333 = arith.subi %div3A_312, %sub3A_332 : i32
          %select_n3A_334 = arith.select %and3A_331, %sub3A_333, %div3A_312 : i32
          %jit3A_335 = arith.constant 8 : i32
          %eq3A_336 = arith.constant 0 : i32
          %eq3A_337 = arith.cmpi eq, %jit3A_335, %eq3A_336 : i32
          %jit3A_338 = arith.constant 1 : i32
          %select_n3A_339 = arith.select %eq3A_337, %jit3A_338, %jit3A_335 : i32
          %rem3A_340 = arith.remsi %squeeze3A, %select_n3A_339 : i32
          %ne3A_341 = arith.constant 0 : i32
          %ne3A_342 = arith.cmpi ne, %rem3A_340, %ne3A_341 : i32
          %lt3A_343 = arith.constant 0 : i32
          %lt3A_344 = arith.cmpi slt, %rem3A_340, %lt3A_343 : i32
          %lt3A_345 = arith.constant 0 : i32
          %lt3A_346 = arith.cmpi slt, %select_n3A_339, %lt3A_345 : i32
          %ne3A_347 = arith.xori %lt3A_344, %lt3A_346 : i1
          %and3A_348 = arith.andi %ne3A_347, %ne3A_342 : i1
          %add3A_349 = arith.addi %rem3A_340, %select_n3A_339 : i32
          %select_n3A_350 = arith.select %and3A_348, %add3A_349, %rem3A_340 : i32
          %mul3A_351 = arith.constant 16 : i32
          %mul3A_352 = arith.muli %select_n3A_350, %mul3A_351 : i32
          %swap3A = arith.index_cast %select_n3A_334 : i32 to index
          %swap3A_353 = arith.index_cast %mul3A_352 : i32 to index
          %swap3A_354 = tpu.vector_load %arg10[%swap3A, %swap3A_353] {strides = array<i32>} : memref<64x128xf32, #tpu.memory_space<vmem>>, vector<1x16xf32>,
          %swap3A_355 = vector.shape_cast %swap3A_354 : vector<1x16xf32> to vector<16xf32>
          %swap3A_356 = vector.shape_cast %broadcast_in_dim3A_3 : vector<16xf32> to vector<1x16xf32>
          tpu.vector_store %arg10[%swap3A, %swap3A_353], %swap3A_356 {add = true, strides = array<i32>} : memref<64x128xf32, #tpu.memory_space<vmem>>, vector<1x16xf32>,
          %slice3A_357 = vector.extract_strided_slice %get3A_310 {offsets = [1], sizes = [1], strides = [1]} : vector<16xi32> to vector<1xi32>
          %squeeze3A_358 = vector.extract %slice3A_357[0] : i32 from vector<1xi32>
          %jit3A_359 = arith.constant 8 : i32
          %div3A_360 = arith.divsi %squeeze3A_358, %jit3A_359 : i32
          %sign3A_361 = arith.constant 0 : i32
          %sign3A_362 = arith.cmpi sgt, %squeeze3A_358, %sign3A_361 : i32
          %sign3A_363 = arith.extui %sign3A_362 : i1 to i32
          %sign3A_364 = arith.constant 0 : i32
          %sign3A_365 = arith.cmpi slt, %squeeze3A_358, %sign3A_364 : i32
          %sign3A_366 = arith.extui %sign3A_365 : i1 to i32
          %sign3A_367 = arith.subi %sign3A_363, %sign3A_366 : i32
          %sign3A_368 = arith.constant 0 : i32
          %sign3A_369 = arith.cmpi sgt, %jit3A_359, %sign3A_368 : i32
          %sign3A_370 = arith.extui %sign3A_369 : i1 to i32
          %sign3A_371 = arith.constant 0 : i32
          %sign3A_372 = arith.cmpi slt, %jit3A_359, %sign3A_371 : i32
          %sign3A_373 = arith.extui %sign3A_372 : i1 to i32
          %sign3A_374 = arith.subi %sign3A_370, %sign3A_373 : i32
          %ne3A_375 = arith.cmpi ne, %sign3A_367, %sign3A_374 : i32
          %rem3A_376 = arith.remsi %squeeze3A_358, %jit3A_359 : i32
          %ne3A_377 = arith.constant 0 : i32
          %ne3A_378 = arith.cmpi ne, %rem3A_376, %ne3A_377 : i32
          %and3A_379 = arith.andi %ne3A_375, %ne3A_378 : i1
          %sub3A_380 = arith.constant 1 : i32
          %sub3A_381 = arith.subi %div3A_360, %sub3A_380 : i32
          %select_n3A_382 = arith.select %and3A_379, %sub3A_381, %div3A_360 : i32
          %jit3A_383 = arith.constant 8 : i32
          %eq3A_384 = arith.constant 0 : i32
          %eq3A_385 = arith.cmpi eq, %jit3A_383, %eq3A_384 : i32
          %jit3A_386 = arith.constant 1 : i32
          %select_n3A_387 = arith.select %eq3A_385, %jit3A_386, %jit3A_383 : i32
          %rem3A_388 = arith.remsi %squeeze3A_358, %select_n3A_387 : i32
          %ne3A_389 = arith.constant 0 : i32
          %ne3A_390 = arith.cmpi ne, %rem3A_388, %ne3A_389 : i32
          %lt3A_391 = arith.constant 0 : i32
          %lt3A_392 = arith.cmpi slt, %rem3A_388, %lt3A_391 : i32
          %lt3A_393 = arith.constant 0 : i32
          %lt3A_394 = arith.cmpi slt, %select_n3A_387, %lt3A_393 : i32
          %ne3A_395 = arith.xori %lt3A_392, %lt3A_394 : i1
          %and3A_396 = arith.andi %ne3A_395, %ne3A_390 : i1
          %add3A_397 = arith.addi %rem3A_388, %select_n3A_387 : i32
          %select_n3A_398 = arith.select %and3A_396, %add3A_397, %rem3A_388 : i32
          %mul3A_399 = arith.constant 16 : i32
          %mul3A_400 = arith.muli %select_n3A_398, %mul3A_399 : i32
          %swap3A_401 = arith.index_cast %select_n3A_382 : i32 to index
          %swap3A_402 = arith.index_cast %mul3A_400 : i32 to index
          %swap3A_403 = tpu.vector_load %arg10[%swap3A_401, %swap3A_402] {strides = array<i32>} : memref<64x128xf32, #tpu.memory_space<vmem>>, vector<1x16xf32>,
          %swap3A_404 = vector.shape_cast %swap3A_403 : vector<1x16xf32> to vector<16xf32>
          %swap3A_405 = vector.shape_cast %broadcast_in_dim3A_3 : vector<16xf32> to vector<1x16xf32>
          tpu.vector_store %arg10[%swap3A_401, %swap3A_402], %swap3A_405 {add = true, strides = array<i32>} : memref<64x128xf32, #tpu.memory_space<vmem>>, vector<1x16xf32>,
          %slice3A_406 = vector.extract_strided_slice %get3A_310 {offsets = [2], sizes = [1], strides = [1]} : vector<16xi32> to vector<1xi32>
          %squeeze3A_407 = vector.extract %slice3A_406[0] : i32 from vector<1xi32>
          %jit3A_408 = arith.constant 8 : i32
          %div3A_409 = arith.divsi %squeeze3A_407, %jit3A_408 : i32
          %sign3A_410 = arith.constant 0 : i32
          %sign3A_411 = arith.cmpi sgt, %squeeze3A_407, %sign3A_410 : i32
          %sign3A_412 = arith.extui %sign3A_411 : i1 to i32
          %sign3A_413 = arith.constant 0 : i32
          %sign3A_414 = arith.cmpi slt, %squeeze3A_407, %sign3A_413 : i32
          %sign3A_415 = arith.extui %sign3A_414 : i1 to i32
          %sign3A_416 = arith.subi %sign3A_412, %sign3A_415 : i32
          %sign3A_417 = arith.constant 0 : i32
          %sign3A_418 = arith.cmpi sgt, %jit3A_408, %sign3A_417 : i32
          %sign3A_419 = arith.extui %sign3A_418 : i1 to i32
          %sign3A_420 = arith.constant 0 : i32
          %sign3A_421 = arith.cmpi slt, %jit3A_408, %sign3A_420 : i32
          %sign3A_422 = arith.extui %sign3A_421 : i1 to i32
          %sign3A_423 = arith.subi %sign3A_419, %sign3A_422 : i32
          %ne3A_424 = arith.cmpi ne, %sign3A_416, %sign3A_423 : i32
          %rem3A_425 = arith.remsi %squeeze3A_407, %jit3A_408 : i32
          %ne3A_426 = arith.constant 0 : i32
          %ne3A_427 = arith.cmpi ne, %rem3A_425, %ne3A_426 : i32
          %and3A_428 = arith.andi %ne3A_424, %ne3A_427 : i1
          %sub3A_429 = arith.constant 1 : i32
          %sub3A_430 = arith.subi %div3A_409, %sub3A_429 : i32
          %select_n3A_431 = arith.select %and3A_428, %sub3A_430, %div3A_409 : i32
          %jit3A_432 = arith.constant 8 : i32
          %eq3A_433 = arith.constant 0 : i32
          %eq3A_434 = arith.cmpi eq, %jit3A_432, %eq3A_433 : i32
          %jit3A_435 = arith.constant 1 : i32
          %select_n3A_436 = arith.select %eq3A_434, %jit3A_435, %jit3A_432 : i32
          %rem3A_437 = arith.remsi %squeeze3A_407, %select_n3A_436 : i32
          %ne3A_438 = arith.constant 0 : i32
          %ne3A_439 = arith.cmpi ne, %rem3A_437, %ne3A_438 : i32
          %lt3A_440 = arith.constant 0 : i32
          %lt3A_441 = arith.cmpi slt, %rem3A_437, %lt3A_440 : i32
          %lt3A_442 = arith.constant 0 : i32
          %lt3A_443 = arith.cmpi slt, %select_n3A_436, %lt3A_442 : i32
          %ne3A_444 = arith.xori %lt3A_441, %lt3A_443 : i1
          %and3A_445 = arith.andi %ne3A_444, %ne3A_439 : i1
          %add3A_446 = arith.addi %rem3A_437, %select_n3A_436 : i32
          %select_n3A_447 = arith.select %and3A_445, %add3A_446, %rem3A_437 : i32
          %mul3A_448 = arith.constant 16 : i32
          %mul3A_449 = arith.muli %select_n3A_447, %mul3A_448 : i32
          %swap3A_450 = arith.index_cast %select_n3A_431 : i32 to index
          %swap3A_451 = arith.index_cast %mul3A_449 : i32 to index
          %swap3A_452 = tpu.vector_load %arg10[%swap3A_450, %swap3A_451] {strides = array<i32>} : memref<64x128xf32, #tpu.memory_space<vmem>>, vector<1x16xf32>,
          %swap3A_453 = vector.shape_cast %swap3A_452 : vector<1x16xf32> to vector<16xf32>
          %swap3A_454 = vector.shape_cast %broadcast_in_dim3A_3 : vector<16xf32> to vector<1x16xf32>
          tpu.vector_store %arg10[%swap3A_450, %swap3A_451], %swap3A_454 {add = true, strides = array<i32>} : memref<64x128xf32, #tpu.memory_space<vmem>>, vector<1x16xf32>,
          %slice3A_455 = vector.extract_strided_slice %get3A_310 {offsets = [3], sizes = [1], strides = [1]} : vector<16xi32> to vector<1xi32>
          %squeeze3A_456 = vector.extract %slice3A_455[0] : i32 from vector<1xi32>
          %jit3A_457 = arith.constant 8 : i32
          %div3A_458 = arith.divsi %squeeze3A_456, %jit3A_457 : i32
          %sign3A_459 = arith.constant 0 : i32
          %sign3A_460 = arith.cmpi sgt, %squeeze3A_456, %sign3A_459 : i32
          %sign3A_461 = arith.extui %sign3A_460 : i1 to i32
          %sign3A_462 = arith.constant 0 : i32
          %sign3A_463 = arith.cmpi slt, %squeeze3A_456, %sign3A_462 : i32
          %sign3A_464 = arith.extui %sign3A_463 : i1 to i32
          %sign3A_465 = arith.subi %sign3A_461, %sign3A_464 : i32
          %sign3A_466 = arith.constant 0 : i32
          %sign3A_467 = arith.cmpi sgt, %jit3A_457, %sign3A_466 : i32
          %sign3A_468 = arith.extui %sign3A_467 : i1 to i32
          %sign3A_469 = arith.constant 0 : i32
          %sign3A_470 = arith.cmpi slt, %jit3A_457, %sign3A_469 : i32
          %sign3A_471 = arith.extui %sign3A_470 : i1 to i32
          %sign3A_472 = arith.subi %sign3A_468, %sign3A_471 : i32
          %ne3A_473 = arith.cmpi ne, %sign3A_465, %sign3A_472 : i32
          %rem3A_474 = arith.remsi %squeeze3A_456, %jit3A_457 : i32
          %ne3A_475 = arith.constant 0 : i32
          %ne3A_476 = arith.cmpi ne, %rem3A_474, %ne3A_475 : i32
          %and3A_477 = arith.andi %ne3A_473, %ne3A_476 : i1
          %sub3A_478 = arith.constant 1 : i32
          %sub3A_479 = arith.subi %div3A_458, %sub3A_478 : i32
          %select_n3A_480 = arith.select %and3A_477, %sub3A_479, %div3A_458 : i32
          %jit3A_481 = arith.constant 8 : i32
          %eq3A_482 = arith.constant 0 : i32
          %eq3A_483 = arith.cmpi eq, %jit3A_481, %eq3A_482 : i32
          %jit3A_484 = arith.constant 1 : i32
          %select_n3A_485 = arith.select %eq3A_483, %jit3A_484, %jit3A_481 : i32
          %rem3A_486 = arith.remsi %squeeze3A_456, %select_n3A_485 : i32
          %ne3A_487 = arith.constant 0 : i32
          %ne3A_488 = arith.cmpi ne, %rem3A_486, %ne3A_487 : i32
          %lt3A_489 = arith.constant 0 : i32
          %lt3A_490 = arith.cmpi slt, %rem3A_486, %lt3A_489 : i32
          %lt3A_491 = arith.constant 0 : i32
          %lt3A_492 = arith.cmpi slt, %select_n3A_485, %lt3A_491 : i32
          %ne3A_493 = arith.xori %lt3A_490, %lt3A_492 : i1
          %and3A_494 = arith.andi %ne3A_493, %ne3A_488 : i1
          %add3A_495 = arith.addi %rem3A_486, %select_n3A_485 : i32
          %select_n3A_496 = arith.select %and3A_494, %add3A_495, %rem3A_486 : i32
          %mul3A_497 = arith.constant 16 : i32
          %mul3A_498 = arith.muli %select_n3A_496, %mul3A_497 : i32
          %swap3A_499 = arith.index_cast %select_n3A_480 : i32 to index
          %swap3A_500 = arith.index_cast %mul3A_498 : i32 to index
          %swap3A_501 = tpu.vector_load %arg10[%swap3A_499, %swap3A_500] {strides = array<i32>} : memref<64x128xf32, #tpu.memory_space<vmem>>, vector<1x16xf32>,
          %swap3A_502 = vector.shape_cast %swap3A_501 : vector<1x16xf32> to vector<16xf32>
          %swap3A_503 = vector.shape_cast %broadcast_in_dim3A_3 : vector<16xf32> to vector<1x16xf32>
          tpu.vector_store %arg10[%swap3A_499, %swap3A_500], %swap3A_503 {add = true, strides = array<i32>} : memref<64x128xf32, #tpu.memory_space<vmem>>, vector<1x16xf32>,
          %slice3A_504 = vector.extract_strided_slice %get3A_310 {offsets = [4], sizes = [1], strides = [1]} : vector<16xi32> to vector<1xi32>
          %squeeze3A_505 = vector.extract %slice3A_504[0] : i32 from vector<1xi32>
          %jit3A_506 = arith.constant 8 : i32
          %div3A_507 = arith.divsi %squeeze3A_505, %jit3A_506 : i32
          %sign3A_508 = arith.constant 0 : i32
          %sign3A_509 = arith.cmpi sgt, %squeeze3A_505, %sign3A_508 : i32
          %sign3A_510 = arith.extui %sign3A_509 : i1 to i32
          %sign3A_511 = arith.constant 0 : i32
          %sign3A_512 = arith.cmpi slt, %squeeze3A_505, %sign3A_511 : i32
          %sign3A_513 = arith.extui %sign3A_512 : i1 to i32
          %sign3A_514 = arith.subi %sign3A_510, %sign3A_513 : i32
          %sign3A_515 = arith.constant 0 : i32
          %sign3A_516 = arith.cmpi sgt, %jit3A_506, %sign3A_515 : i32
          %sign3A_517 = arith.extui %sign3A_516 : i1 to i32
          %sign3A_518 = arith.constant 0 : i32
          %sign3A_519 = arith.cmpi slt, %jit3A_506, %sign3A_518 : i32
          %sign3A_520 = arith.extui %sign3A_519 : i1 to i32
          %sign3A_521 = arith.subi %sign3A_517, %sign3A_520 : i32
          %ne3A_522 = arith.cmpi ne, %sign3A_514, %sign3A_521 : i32
          %rem3A_523 = arith.remsi %squeeze3A_505, %jit3A_506 : i32
          %ne3A_524 = arith.constant 0 : i32
          %ne3A_525 = arith.cmpi ne, %rem3A_523, %ne3A_524 : i32
          %and3A_526 = arith.andi %ne3A_522, %ne3A_525 : i1
          %sub3A_527 = arith.constant 1 : i32
          %sub3A_528 = arith.subi %div3A_507, %sub3A_527 : i32
          %select_n3A_529 = arith.select %and3A_526, %sub3A_528, %div3A_507 : i32
          %jit3A_530 = arith.constant 8 : i32
          %eq3A_531 = arith.constant 0 : i32
          %eq3A_532 = arith.cmpi eq, %jit3A_530, %eq3A_531 : i32
          %jit3A_533 = arith.constant 1 : i32
          %select_n3A_534 = arith.select %eq3A_532, %jit3A_533, %jit3A_530 : i32
          %rem3A_535 = arith.remsi %squeeze3A_505, %select_n3A_534 : i32
          %ne3A_536 = arith.constant 0 : i32
          %ne3A_537 = arith.cmpi ne, %rem3A_535, %ne3A_536 : i32
          %lt3A_538 = arith.constant 0 : i32
          %lt3A_539 = arith.cmpi slt, %rem3A_535, %lt3A_538 : i32
          %lt3A_540 = arith.constant 0 : i32
          %lt3A_541 = arith.cmpi slt, %select_n3A_534, %lt3A_540 : i32
          %ne3A_542 = arith.xori %lt3A_539, %lt3A_541 : i1
          %and3A_543 = arith.andi %ne3A_542, %ne3A_537 : i1
          %add3A_544 = arith.addi %rem3A_535, %select_n3A_534 : i32
          %select_n3A_545 = arith.select %and3A_543, %add3A_544, %rem3A_535 : i32
          %mul3A_546 = arith.constant 16 : i32
          %mul3A_547 = arith.muli %select_n3A_545, %mul3A_546 : i32
          %swap3A_548 = arith.index_cast %select_n3A_529 : i32 to index
          %swap3A_549 = arith.index_cast %mul3A_547 : i32 to index
          %swap3A_550 = tpu.vector_load %arg10[%swap3A_548, %swap3A_549] {strides = array<i32>} : memref<64x128xf32, #tpu.memory_space<vmem>>, vector<1x16xf32>,
          %swap3A_551 = vector.shape_cast %swap3A_550 : vector<1x16xf32> to vector<16xf32>
          %swap3A_552 = vector.shape_cast %broadcast_in_dim3A_3 : vector<16xf32> to vector<1x16xf32>
          tpu.vector_store %arg10[%swap3A_548, %swap3A_549], %swap3A_552 {add = true, strides = array<i32>} : memref<64x128xf32, #tpu.memory_space<vmem>>, vector<1x16xf32>,
          %slice3A_553 = vector.extract_strided_slice %get3A_310 {offsets = [5], sizes = [1], strides = [1]} : vector<16xi32> to vector<1xi32>
          %squeeze3A_554 = vector.extract %slice3A_553[0] : i32 from vector<1xi32>
          %jit3A_555 = arith.constant 8 : i32
          %div3A_556 = arith.divsi %squeeze3A_554, %jit3A_555 : i32
          %sign3A_557 = arith.constant 0 : i32
          %sign3A_558 = arith.cmpi sgt, %squeeze3A_554, %sign3A_557 : i32
          %sign3A_559 = arith.extui %sign3A_558 : i1 to i32
          %sign3A_560 = arith.constant 0 : i32
          %sign3A_561 = arith.cmpi slt, %squeeze3A_554, %sign3A_560 : i32
          %sign3A_562 = arith.extui %sign3A_561 : i1 to i32
          %sign3A_563 = arith.subi %sign3A_559, %sign3A_562 : i32
          %sign3A_564 = arith.constant 0 : i32
          %sign3A_565 = arith.cmpi sgt, %jit3A_555, %sign3A_564 : i32
          %sign3A_566 = arith.extui %sign3A_565 : i1 to i32
          %sign3A_567 = arith.constant 0 : i32
          %sign3A_568 = arith.cmpi slt, %jit3A_555, %sign3A_567 : i32
          %sign3A_569 = arith.extui %sign3A_568 : i1 to i32
          %sign3A_570 = arith.subi %sign3A_566, %sign3A_569 : i32
          %ne3A_571 = arith.cmpi ne, %sign3A_563, %sign3A_570 : i32
          %rem3A_572 = arith.remsi %squeeze3A_554, %jit3A_555 : i32
          %ne3A_573 = arith.constant 0 : i32
          %ne3A_574 = arith.cmpi ne, %rem3A_572, %ne3A_573 : i32
          %and3A_575 = arith.andi %ne3A_571, %ne3A_574 : i1
          %sub3A_576 = arith.constant 1 : i32
          %sub3A_577 = arith.subi %div3A_556, %sub3A_576 : i32
          %select_n3A_578 = arith.select %and3A_575, %sub3A_577, %div3A_556 : i32
          %jit3A_579 = arith.constant 8 : i32
          %eq3A_580 = arith.constant 0 : i32
          %eq3A_581 = arith.cmpi eq, %jit3A_579, %eq3A_580 : i32
          %jit3A_582 = arith.constant 1 : i32
          %select_n3A_583 = arith.select %eq3A_581, %jit3A_582, %jit3A_579 : i32
          %rem3A_584 = arith.remsi %squeeze3A_554, %select_n3A_583 : i32
          %ne3A_585 = arith.constant 0 : i32
          %ne3A_586 = arith.cmpi ne, %rem3A_584, %ne3A_585 : i32
          %lt3A_587 = arith.constant 0 : i32
          %lt3A_588 = arith.cmpi slt, %rem3A_584, %lt3A_587 : i32
          %lt3A_589 = arith.constant 0 : i32
          %lt3A_590 = arith.cmpi slt, %select_n3A_583, %lt3A_589 : i32
          %ne3A_591 = arith.xori %lt3A_588, %lt3A_590 : i1
          %and3A_592 = arith.andi %ne3A_591, %ne3A_586 : i1
          %add3A_593 = arith.addi %rem3A_584, %select_n3A_583 : i32
          %select_n3A_594 = arith.select %and3A_592, %add3A_593, %rem3A_584 : i32
          %mul3A_595 = arith.constant 16 : i32
          %mul3A_596 = arith.muli %select_n3A_594, %mul3A_595 : i32
          %swap3A_597 = arith.index_cast %select_n3A_578 : i32 to index
          %swap3A_598 = arith.index_cast %mul3A_596 : i32 to index
          %swap3A_599 = tpu.vector_load %arg10[%swap3A_597, %swap3A_598] {strides = array<i32>} : memref<64x128xf32, #tpu.memory_space<vmem>>, vector<1x16xf32>,
          %swap3A_600 = vector.shape_cast %swap3A_599 : vector<1x16xf32> to vector<16xf32>
          %swap3A_601 = vector.shape_cast %broadcast_in_dim3A_3 : vector<16xf32> to vector<1x16xf32>
          tpu.vector_store %arg10[%swap3A_597, %swap3A_598], %swap3A_601 {add = true, strides = array<i32>} : memref<64x128xf32, #tpu.memory_space<vmem>>, vector<1x16xf32>,
          %slice3A_602 = vector.extract_strided_slice %get3A_310 {offsets = [6], sizes = [1], strides = [1]} : vector<16xi32> to vector<1xi32>
          %squeeze3A_603 = vector.extract %slice3A_602[0] : i32 from vector<1xi32>
          %jit3A_604 = arith.constant 8 : i32
          %div3A_605 = arith.divsi %squeeze3A_603, %jit3A_604 : i32
          %sign3A_606 = arith.constant 0 : i32
          %sign3A_607 = arith.cmpi sgt, %squeeze3A_603, %sign3A_606 : i32
          %sign3A_608 = arith.extui %sign3A_607 : i1 to i32
          %sign3A_609 = arith.constant 0 : i32
          %sign3A_610 = arith.cmpi slt, %squeeze3A_603, %sign3A_609 : i32
          %sign3A_611 = arith.extui %sign3A_610 : i1 to i32
          %sign3A_612 = arith.subi %sign3A_608, %sign3A_611 : i32
          %sign3A_613 = arith.constant 0 : i32
          %sign3A_614 = arith.cmpi sgt, %jit3A_604, %sign3A_613 : i32
          %sign3A_615 = arith.extui %sign3A_614 : i1 to i32
          %sign3A_616 = arith.constant 0 : i32
          %sign3A_617 = arith.cmpi slt, %jit3A_604, %sign3A_616 : i32
          %sign3A_618 = arith.extui %sign3A_617 : i1 to i32
          %sign3A_619 = arith.subi %sign3A_615, %sign3A_618 : i32
          %ne3A_620 = arith.cmpi ne, %sign3A_612, %sign3A_619 : i32
          %rem3A_621 = arith.remsi %squeeze3A_603, %jit3A_604 : i32
          %ne3A_622 = arith.constant 0 : i32
          %ne3A_623 = arith.cmpi ne, %rem3A_621, %ne3A_622 : i32
          %and3A_624 = arith.andi %ne3A_620, %ne3A_623 : i1
          %sub3A_625 = arith.constant 1 : i32
          %sub3A_626 = arith.subi %div3A_605, %sub3A_625 : i32
          %select_n3A_627 = arith.select %and3A_624, %sub3A_626, %div3A_605 : i32
          %jit3A_628 = arith.constant 8 : i32
          %eq3A_629 = arith.constant 0 : i32
          %eq3A_630 = arith.cmpi eq, %jit3A_628, %eq3A_629 : i32
          %jit3A_631 = arith.constant 1 : i32
          %select_n3A_632 = arith.select %eq3A_630, %jit3A_631, %jit3A_628 : i32
          %rem3A_633 = arith.remsi %squeeze3A_603, %select_n3A_632 : i32
          %ne3A_634 = arith.constant 0 : i32
          %ne3A_635 = arith.cmpi ne, %rem3A_633, %ne3A_634 : i32
          %lt3A_636 = arith.constant 0 : i32
          %lt3A_637 = arith.cmpi slt, %rem3A_633, %lt3A_636 : i32
          %lt3A_638 = arith.constant 0 : i32
          %lt3A_639 = arith.cmpi slt, %select_n3A_632, %lt3A_638 : i32
          %ne3A_640 = arith.xori %lt3A_637, %lt3A_639 : i1
          %and3A_641 = arith.andi %ne3A_640, %ne3A_635 : i1
          %add3A_642 = arith.addi %rem3A_633, %select_n3A_632 : i32
          %select_n3A_643 = arith.select %and3A_641, %add3A_642, %rem3A_633 : i32
          %mul3A_644 = arith.constant 16 : i32
          %mul3A_645 = arith.muli %select_n3A_643, %mul3A_644 : i32
          %swap3A_646 = arith.index_cast %select_n3A_627 : i32 to index
          %swap3A_647 = arith.index_cast %mul3A_645 : i32 to index
          %swap3A_648 = tpu.vector_load %arg10[%swap3A_646, %swap3A_647] {strides = array<i32>} : memref<64x128xf32, #tpu.memory_space<vmem>>, vector<1x16xf32>,
          %swap3A_649 = vector.shape_cast %swap3A_648 : vector<1x16xf32> to vector<16xf32>
          %swap3A_650 = vector.shape_cast %broadcast_in_dim3A_3 : vector<16xf32> to vector<1x16xf32>
          tpu.vector_store %arg10[%swap3A_646, %swap3A_647], %swap3A_650 {add = true, strides = array<i32>} : memref<64x128xf32, #tpu.memory_space<vmem>>, vector<1x16xf32>,
          %slice3A_651 = vector.extract_strided_slice %get3A_310 {offsets = [7], sizes = [1], strides = [1]} : vector<16xi32> to vector<1xi32>
          %squeeze3A_652 = vector.extract %slice3A_651[0] : i32 from vector<1xi32>
          %jit3A_653 = arith.constant 8 : i32
          %div3A_654 = arith.divsi %squeeze3A_652, %jit3A_653 : i32
          %sign3A_655 = arith.constant 0 : i32
          %sign3A_656 = arith.cmpi sgt, %squeeze3A_652, %sign3A_655 : i32
          %sign3A_657 = arith.extui %sign3A_656 : i1 to i32
          %sign3A_658 = arith.constant 0 : i32
          %sign3A_659 = arith.cmpi slt, %squeeze3A_652, %sign3A_658 : i32
          %sign3A_660 = arith.extui %sign3A_659 : i1 to i32
          %sign3A_661 = arith.subi %sign3A_657, %sign3A_660 : i32
          %sign3A_662 = arith.constant 0 : i32
          %sign3A_663 = arith.cmpi sgt, %jit3A_653, %sign3A_662 : i32
          %sign3A_664 = arith.extui %sign3A_663 : i1 to i32
          %sign3A_665 = arith.constant 0 : i32
          %sign3A_666 = arith.cmpi slt, %jit3A_653, %sign3A_665 : i32
          %sign3A_667 = arith.extui %sign3A_666 : i1 to i32
          %sign3A_668 = arith.subi %sign3A_664, %sign3A_667 : i32
          %ne3A_669 = arith.cmpi ne, %sign3A_661, %sign3A_668 : i32
          %rem3A_670 = arith.remsi %squeeze3A_652, %jit3A_653 : i32
          %ne3A_671 = arith.constant 0 : i32
          %ne3A_672 = arith.cmpi ne, %rem3A_670, %ne3A_671 : i32
          %and3A_673 = arith.andi %ne3A_669, %ne3A_672 : i1
          %sub3A_674 = arith.constant 1 : i32
          %sub3A_675 = arith.subi %div3A_654, %sub3A_674 : i32
          %select_n3A_676 = arith.select %and3A_673, %sub3A_675, %div3A_654 : i32
          %jit3A_677 = arith.constant 8 : i32
          %eq3A_678 = arith.constant 0 : i32
          %eq3A_679 = arith.cmpi eq, %jit3A_677, %eq3A_678 : i32
          %jit3A_680 = arith.constant 1 : i32
          %select_n3A_681 = arith.select %eq3A_679, %jit3A_680, %jit3A_677 : i32
          %rem3A_682 = arith.remsi %squeeze3A_652, %select_n3A_681 : i32
          %ne3A_683 = arith.constant 0 : i32
          %ne3A_684 = arith.cmpi ne, %rem3A_682, %ne3A_683 : i32
          %lt3A_685 = arith.constant 0 : i32
          %lt3A_686 = arith.cmpi slt, %rem3A_682, %lt3A_685 : i32
          %lt3A_687 = arith.constant 0 : i32
          %lt3A_688 = arith.cmpi slt, %select_n3A_681, %lt3A_687 : i32
          %ne3A_689 = arith.xori %lt3A_686, %lt3A_688 : i1
          %and3A_690 = arith.andi %ne3A_689, %ne3A_684 : i1
          %add3A_691 = arith.addi %rem3A_682, %select_n3A_681 : i32
          %select_n3A_692 = arith.select %and3A_690, %add3A_691, %rem3A_682 : i32
          %mul3A_693 = arith.constant 16 : i32
          %mul3A_694 = arith.muli %select_n3A_692, %mul3A_693 : i32
          %swap3A_695 = arith.index_cast %select_n3A_676 : i32 to index
          %swap3A_696 = arith.index_cast %mul3A_694 : i32 to index
          %swap3A_697 = tpu.vector_load %arg10[%swap3A_695, %swap3A_696] {strides = array<i32>} : memref<64x128xf32, #tpu.memory_space<vmem>>, vector<1x16xf32>,
          %swap3A_698 = vector.shape_cast %swap3A_697 : vector<1x16xf32> to vector<16xf32>
          %swap3A_699 = vector.shape_cast %broadcast_in_dim3A_3 : vector<16xf32> to vector<1x16xf32>
          tpu.vector_store %arg10[%swap3A_695, %swap3A_696], %swap3A_699 {add = true, strides = array<i32>} : memref<64x128xf32, #tpu.memory_space<vmem>>, vector<1x16xf32>,
          %slice3A_700 = vector.extract_strided_slice %get3A_310 {offsets = [8], sizes = [1], strides = [1]} : vector<16xi32> to vector<1xi32>
          %squeeze3A_701 = vector.extract %slice3A_700[0] : i32 from vector<1xi32>
          %jit3A_702 = arith.constant 8 : i32
          %div3A_703 = arith.divsi %squeeze3A_701, %jit3A_702 : i32
          %sign3A_704 = arith.constant 0 : i32
          %sign3A_705 = arith.cmpi sgt, %squeeze3A_701, %sign3A_704 : i32
          %sign3A_706 = arith.extui %sign3A_705 : i1 to i32
          %sign3A_707 = arith.constant 0 : i32
          %sign3A_708 = arith.cmpi slt, %squeeze3A_701, %sign3A_707 : i32
          %sign3A_709 = arith.extui %sign3A_708 : i1 to i32
          %sign3A_710 = arith.subi %sign3A_706, %sign3A_709 : i32
          %sign3A_711 = arith.constant 0 : i32
          %sign3A_712 = arith.cmpi sgt, %jit3A_702, %sign3A_711 : i32
          %sign3A_713 = arith.extui %sign3A_712 : i1 to i32
          %sign3A_714 = arith.constant 0 : i32
          %sign3A_715 = arith.cmpi slt, %jit3A_702, %sign3A_714 : i32
          %sign3A_716 = arith.extui %sign3A_715 : i1 to i32
          %sign3A_717 = arith.subi %sign3A_713, %sign3A_716 : i32
          %ne3A_718 = arith.cmpi ne, %sign3A_710, %sign3A_717 : i32
          %rem3A_719 = arith.remsi %squeeze3A_701, %jit3A_702 : i32
          %ne3A_720 = arith.constant 0 : i32
          %ne3A_721 = arith.cmpi ne, %rem3A_719, %ne3A_720 : i32
          %and3A_722 = arith.andi %ne3A_718, %ne3A_721 : i1
          %sub3A_723 = arith.constant 1 : i32
          %sub3A_724 = arith.subi %div3A_703, %sub3A_723 : i32
          %select_n3A_725 = arith.select %and3A_722, %sub3A_724, %div3A_703 : i32
          %jit3A_726 = arith.constant 8 : i32
          %eq3A_727 = arith.constant 0 : i32
          %eq3A_728 = arith.cmpi eq, %jit3A_726, %eq3A_727 : i32
          %jit3A_729 = arith.constant 1 : i32
          %select_n3A_730 = arith.select %eq3A_728, %jit3A_729, %jit3A_726 : i32
          %rem3A_731 = arith.remsi %squeeze3A_701, %select_n3A_730 : i32
          %ne3A_732 = arith.constant 0 : i32
          %ne3A_733 = arith.cmpi ne, %rem3A_731, %ne3A_732 : i32
          %lt3A_734 = arith.constant 0 : i32
          %lt3A_735 = arith.cmpi slt, %rem3A_731, %lt3A_734 : i32
          %lt3A_736 = arith.constant 0 : i32
          %lt3A_737 = arith.cmpi slt, %select_n3A_730, %lt3A_736 : i32
          %ne3A_738 = arith.xori %lt3A_735, %lt3A_737 : i1
          %and3A_739 = arith.andi %ne3A_738, %ne3A_733 : i1
          %add3A_740 = arith.addi %rem3A_731, %select_n3A_730 : i32
          %select_n3A_741 = arith.select %and3A_739, %add3A_740, %rem3A_731 : i32
          %mul3A_742 = arith.constant 16 : i32
          %mul3A_743 = arith.muli %select_n3A_741, %mul3A_742 : i32
          %swap3A_744 = arith.index_cast %select_n3A_725 : i32 to index
          %swap3A_745 = arith.index_cast %mul3A_743 : i32 to index
          %swap3A_746 = tpu.vector_load %arg10[%swap3A_744, %swap3A_745] {strides = array<i32>} : memref<64x128xf32, #tpu.memory_space<vmem>>, vector<1x16xf32>,
          %swap3A_747 = vector.shape_cast %swap3A_746 : vector<1x16xf32> to vector<16xf32>
          %swap3A_748 = vector.shape_cast %broadcast_in_dim3A_3 : vector<16xf32> to vector<1x16xf32>
          tpu.vector_store %arg10[%swap3A_744, %swap3A_745], %swap3A_748 {add = true, strides = array<i32>} : memref<64x128xf32, #tpu.memory_space<vmem>>, vector<1x16xf32>,
          %slice3A_749 = vector.extract_strided_slice %get3A_310 {offsets = [9], sizes = [1], strides = [1]} : vector<16xi32> to vector<1xi32>
          %squeeze3A_750 = vector.extract %slice3A_749[0] : i32 from vector<1xi32>
          %jit3A_751 = arith.constant 8 : i32
          %div3A_752 = arith.divsi %squeeze3A_750, %jit3A_751 : i32
          %sign3A_753 = arith.constant 0 : i32
          %sign3A_754 = arith.cmpi sgt, %squeeze3A_750, %sign3A_753 : i32
          %sign3A_755 = arith.extui %sign3A_754 : i1 to i32
          %sign3A_756 = arith.constant 0 : i32
          %sign3A_757 = arith.cmpi slt, %squeeze3A_750, %sign3A_756 : i32
          %sign3A_758 = arith.extui %sign3A_757 : i1 to i32
          %sign3A_759 = arith.subi %sign3A_755, %sign3A_758 : i32
          %sign3A_760 = arith.constant 0 : i32
          %sign3A_761 = arith.cmpi sgt, %jit3A_751, %sign3A_760 : i32
          %sign3A_762 = arith.extui %sign3A_761 : i1 to i32
          %sign3A_763 = arith.constant 0 : i32
          %sign3A_764 = arith.cmpi slt, %jit3A_751, %sign3A_763 : i32
          %sign3A_765 = arith.extui %sign3A_764 : i1 to i32
          %sign3A_766 = arith.subi %sign3A_762, %sign3A_765 : i32
          %ne3A_767 = arith.cmpi ne, %sign3A_759, %sign3A_766 : i32
          %rem3A_768 = arith.remsi %squeeze3A_750, %jit3A_751 : i32
          %ne3A_769 = arith.constant 0 : i32
          %ne3A_770 = arith.cmpi ne, %rem3A_768, %ne3A_769 : i32
          %and3A_771 = arith.andi %ne3A_767, %ne3A_770 : i1
          %sub3A_772 = arith.constant 1 : i32
          %sub3A_773 = arith.subi %div3A_752, %sub3A_772 : i32
          %select_n3A_774 = arith.select %and3A_771, %sub3A_773, %div3A_752 : i32
          %jit3A_775 = arith.constant 8 : i32
          %eq3A_776 = arith.constant 0 : i32
          %eq3A_777 = arith.cmpi eq, %jit3A_775, %eq3A_776 : i32
          %jit3A_778 = arith.constant 1 : i32
          %select_n3A_779 = arith.select %eq3A_777, %jit3A_778, %jit3A_775 : i32
          %rem3A_780 = arith.remsi %squeeze3A_750, %select_n3A_779 : i32
          %ne3A_781 = arith.constant 0 : i32
          %ne3A_782 = arith.cmpi ne, %rem3A_780, %ne3A_781 : i32
          %lt3A_783 = arith.constant 0 : i32
          %lt3A_784 = arith.cmpi slt, %rem3A_780, %lt3A_783 : i32
          %lt3A_785 = arith.constant 0 : i32
          %lt3A_786 = arith.cmpi slt, %select_n3A_779, %lt3A_785 : i32
          %ne3A_787 = arith.xori %lt3A_784, %lt3A_786 : i1
          %and3A_788 = arith.andi %ne3A_787, %ne3A_782 : i1
          %add3A_789 = arith.addi %rem3A_780, %select_n3A_779 : i32
          %select_n3A_790 = arith.select %and3A_788, %add3A_789, %rem3A_780 : i32
          %mul3A_791 = arith.constant 16 : i32
          %mul3A_792 = arith.muli %select_n3A_790, %mul3A_791 : i32
          %swap3A_793 = arith.index_cast %select_n3A_774 : i32 to index
          %swap3A_794 = arith.index_cast %mul3A_792 : i32 to index
          %swap3A_795 = tpu.vector_load %arg10[%swap3A_793, %swap3A_794] {strides = array<i32>} : memref<64x128xf32, #tpu.memory_space<vmem>>, vector<1x16xf32>,
          %swap3A_796 = vector.shape_cast %swap3A_795 : vector<1x16xf32> to vector<16xf32>
          %swap3A_797 = vector.shape_cast %broadcast_in_dim3A_3 : vector<16xf32> to vector<1x16xf32>
          tpu.vector_store %arg10[%swap3A_793, %swap3A_794], %swap3A_797 {add = true, strides = array<i32>} : memref<64x128xf32, #tpu.memory_space<vmem>>, vector<1x16xf32>,
          %slice3A_798 = vector.extract_strided_slice %get3A_310 {offsets = [10], sizes = [1], strides = [1]} : vector<16xi32> to vector<1xi32>
          %squeeze3A_799 = vector.extract %slice3A_798[0] : i32 from vector<1xi32>
          %jit3A_800 = arith.constant 8 : i32
          %div3A_801 = arith.divsi %squeeze3A_799, %jit3A_800 : i32
          %sign3A_802 = arith.constant 0 : i32
          %sign3A_803 = arith.cmpi sgt, %squeeze3A_799, %sign3A_802 : i32
          %sign3A_804 = arith.extui %sign3A_803 : i1 to i32
          %sign3A_805 = arith.constant 0 : i32
          %sign3A_806 = arith.cmpi slt, %squeeze3A_799, %sign3A_805 : i32
          %sign3A_807 = arith.extui %sign3A_806 : i1 to i32
          %sign3A_808 = arith.subi %sign3A_804, %sign3A_807 : i32
          %sign3A_809 = arith.constant 0 : i32
          %sign3A_810 = arith.cmpi sgt, %jit3A_800, %sign3A_809 : i32
          %sign3A_811 = arith.extui %sign3A_810 : i1 to i32
          %sign3A_812 = arith.constant 0 : i32
          %sign3A_813 = arith.cmpi slt, %jit3A_800, %sign3A_812 : i32
          %sign3A_814 = arith.extui %sign3A_813 : i1 to i32
          %sign3A_815 = arith.subi %sign3A_811, %sign3A_814 : i32
          %ne3A_816 = arith.cmpi ne, %sign3A_808, %sign3A_815 : i32
          %rem3A_817 = arith.remsi %squeeze3A_799, %jit3A_800 : i32
          %ne3A_818 = arith.constant 0 : i32
          %ne3A_819 = arith.cmpi ne, %rem3A_817, %ne3A_818 : i32
          %and3A_820 = arith.andi %ne3A_816, %ne3A_819 : i1
          %sub3A_821 = arith.constant 1 : i32
          %sub3A_822 = arith.subi %div3A_801, %sub3A_821 : i32
          %select_n3A_823 = arith.select %and3A_820, %sub3A_822, %div3A_801 : i32
          %jit3A_824 = arith.constant 8 : i32
          %eq3A_825 = arith.constant 0 : i32
          %eq3A_826 = arith.cmpi eq, %jit3A_824, %eq3A_825 : i32
          %jit3A_827 = arith.constant 1 : i32
          %select_n3A_828 = arith.select %eq3A_826, %jit3A_827, %jit3A_824 : i32
          %rem3A_829 = arith.remsi %squeeze3A_799, %select_n3A_828 : i32
          %ne3A_830 = arith.constant 0 : i32
          %ne3A_831 = arith.cmpi ne, %rem3A_829, %ne3A_830 : i32
          %lt3A_832 = arith.constant 0 : i32
          %lt3A_833 = arith.cmpi slt, %rem3A_829, %lt3A_832 : i32
          %lt3A_834 = arith.constant 0 : i32
          %lt3A_835 = arith.cmpi slt, %select_n3A_828, %lt3A_834 : i32
          %ne3A_836 = arith.xori %lt3A_833, %lt3A_835 : i1
          %and3A_837 = arith.andi %ne3A_836, %ne3A_831 : i1
          %add3A_838 = arith.addi %rem3A_829, %select_n3A_828 : i32
          %select_n3A_839 = arith.select %and3A_837, %add3A_838, %rem3A_829 : i32
          %mul3A_840 = arith.constant 16 : i32
          %mul3A_841 = arith.muli %select_n3A_839, %mul3A_840 : i32
          %swap3A_842 = arith.index_cast %select_n3A_823 : i32 to index
          %swap3A_843 = arith.index_cast %mul3A_841 : i32 to index
          %swap3A_844 = tpu.vector_load %arg10[%swap3A_842, %swap3A_843] {strides = array<i32>} : memref<64x128xf32, #tpu.memory_space<vmem>>, vector<1x16xf32>,
          %swap3A_845 = vector.shape_cast %swap3A_844 : vector<1x16xf32> to vector<16xf32>
          %swap3A_846 = vector.shape_cast %broadcast_in_dim3A_3 : vector<16xf32> to vector<1x16xf32>
          tpu.vector_store %arg10[%swap3A_842, %swap3A_843], %swap3A_846 {add = true, strides = array<i32>} : memref<64x128xf32, #tpu.memory_space<vmem>>, vector<1x16xf32>,
          %slice3A_847 = vector.extract_strided_slice %get3A_310 {offsets = [11], sizes = [1], strides = [1]} : vector<16xi32> to vector<1xi32>
          %squeeze3A_848 = vector.extract %slice3A_847[0] : i32 from vector<1xi32>
          %jit3A_849 = arith.constant 8 : i32
          %div3A_850 = arith.divsi %squeeze3A_848, %jit3A_849 : i32
          %sign3A_851 = arith.constant 0 : i32
          %sign3A_852 = arith.cmpi sgt, %squeeze3A_848, %sign3A_851 : i32
          %sign3A_853 = arith.extui %sign3A_852 : i1 to i32
          %sign3A_854 = arith.constant 0 : i32
          %sign3A_855 = arith.cmpi slt, %squeeze3A_848, %sign3A_854 : i32
          %sign3A_856 = arith.extui %sign3A_855 : i1 to i32
          %sign3A_857 = arith.subi %sign3A_853, %sign3A_856 : i32
          %sign3A_858 = arith.constant 0 : i32
          %sign3A_859 = arith.cmpi sgt, %jit3A_849, %sign3A_858 : i32
          %sign3A_860 = arith.extui %sign3A_859 : i1 to i32
          %sign3A_861 = arith.constant 0 : i32
          %sign3A_862 = arith.cmpi slt, %jit3A_849, %sign3A_861 : i32
          %sign3A_863 = arith.extui %sign3A_862 : i1 to i32
          %sign3A_864 = arith.subi %sign3A_860, %sign3A_863 : i32
          %ne3A_865 = arith.cmpi ne, %sign3A_857, %sign3A_864 : i32
          %rem3A_866 = arith.remsi %squeeze3A_848, %jit3A_849 : i32
          %ne3A_867 = arith.constant 0 : i32
          %ne3A_868 = arith.cmpi ne, %rem3A_866, %ne3A_867 : i32
          %and3A_869 = arith.andi %ne3A_865, %ne3A_868 : i1
          %sub3A_870 = arith.constant 1 : i32
          %sub3A_871 = arith.subi %div3A_850, %sub3A_870 : i32
          %select_n3A_872 = arith.select %and3A_869, %sub3A_871, %div3A_850 : i32
          %jit3A_873 = arith.constant 8 : i32
          %eq3A_874 = arith.constant 0 : i32
          %eq3A_875 = arith.cmpi eq, %jit3A_873, %eq3A_874 : i32
          %jit3A_876 = arith.constant 1 : i32
          %select_n3A_877 = arith.select %eq3A_875, %jit3A_876, %jit3A_873 : i32
          %rem3A_878 = arith.remsi %squeeze3A_848, %select_n3A_877 : i32
          %ne3A_879 = arith.constant 0 : i32
          %ne3A_880 = arith.cmpi ne, %rem3A_878, %ne3A_879 : i32
          %lt3A_881 = arith.constant 0 : i32
          %lt3A_882 = arith.cmpi slt, %rem3A_878, %lt3A_881 : i32
          %lt3A_883 = arith.constant 0 : i32
          %lt3A_884 = arith.cmpi slt, %select_n3A_877, %lt3A_883 : i32
          %ne3A_885 = arith.xori %lt3A_882, %lt3A_884 : i1
          %and3A_886 = arith.andi %ne3A_885, %ne3A_880 : i1
          %add3A_887 = arith.addi %rem3A_878, %select_n3A_877 : i32
          %select_n3A_888 = arith.select %and3A_886, %add3A_887, %rem3A_878 : i32
          %mul3A_889 = arith.constant 16 : i32
          %mul3A_890 = arith.muli %select_n3A_888, %mul3A_889 : i32
          %swap3A_891 = arith.index_cast %select_n3A_872 : i32 to index
          %swap3A_892 = arith.index_cast %mul3A_890 : i32 to index
          %swap3A_893 = tpu.vector_load %arg10[%swap3A_891, %swap3A_892] {strides = array<i32>} : memref<64x128xf32, #tpu.memory_space<vmem>>, vector<1x16xf32>,
          %swap3A_894 = vector.shape_cast %swap3A_893 : vector<1x16xf32> to vector<16xf32>
          %swap3A_895 = vector.shape_cast %broadcast_in_dim3A_3 : vector<16xf32> to vector<1x16xf32>
          tpu.vector_store %arg10[%swap3A_891, %swap3A_892], %swap3A_895 {add = true, strides = array<i32>} : memref<64x128xf32, #tpu.memory_space<vmem>>, vector<1x16xf32>,
          %slice3A_896 = vector.extract_strided_slice %get3A_310 {offsets = [12], sizes = [1], strides = [1]} : vector<16xi32> to vector<1xi32>
          %squeeze3A_897 = vector.extract %slice3A_896[0] : i32 from vector<1xi32>
          %jit3A_898 = arith.constant 8 : i32
          %div3A_899 = arith.divsi %squeeze3A_897, %jit3A_898 : i32
          %sign3A_900 = arith.constant 0 : i32
          %sign3A_901 = arith.cmpi sgt, %squeeze3A_897, %sign3A_900 : i32
          %sign3A_902 = arith.extui %sign3A_901 : i1 to i32
          %sign3A_903 = arith.constant 0 : i32
          %sign3A_904 = arith.cmpi slt, %squeeze3A_897, %sign3A_903 : i32
          %sign3A_905 = arith.extui %sign3A_904 : i1 to i32
          %sign3A_906 = arith.subi %sign3A_902, %sign3A_905 : i32
          %sign3A_907 = arith.constant 0 : i32
          %sign3A_908 = arith.cmpi sgt, %jit3A_898, %sign3A_907 : i32
          %sign3A_909 = arith.extui %sign3A_908 : i1 to i32
          %sign3A_910 = arith.constant 0 : i32
          %sign3A_911 = arith.cmpi slt, %jit3A_898, %sign3A_910 : i32
          %sign3A_912 = arith.extui %sign3A_911 : i1 to i32
          %sign3A_913 = arith.subi %sign3A_909, %sign3A_912 : i32
          %ne3A_914 = arith.cmpi ne, %sign3A_906, %sign3A_913 : i32
          %rem3A_915 = arith.remsi %squeeze3A_897, %jit3A_898 : i32
          %ne3A_916 = arith.constant 0 : i32
          %ne3A_917 = arith.cmpi ne, %rem3A_915, %ne3A_916 : i32
          %and3A_918 = arith.andi %ne3A_914, %ne3A_917 : i1
          %sub3A_919 = arith.constant 1 : i32
          %sub3A_920 = arith.subi %div3A_899, %sub3A_919 : i32
          %select_n3A_921 = arith.select %and3A_918, %sub3A_920, %div3A_899 : i32
          %jit3A_922 = arith.constant 8 : i32
          %eq3A_923 = arith.constant 0 : i32
          %eq3A_924 = arith.cmpi eq, %jit3A_922, %eq3A_923 : i32
          %jit3A_925 = arith.constant 1 : i32
          %select_n3A_926 = arith.select %eq3A_924, %jit3A_925, %jit3A_922 : i32
          %rem3A_927 = arith.remsi %squeeze3A_897, %select_n3A_926 : i32
          %ne3A_928 = arith.constant 0 : i32
          %ne3A_929 = arith.cmpi ne, %rem3A_927, %ne3A_928 : i32
          %lt3A_930 = arith.constant 0 : i32
          %lt3A_931 = arith.cmpi slt, %rem3A_927, %lt3A_930 : i32
          %lt3A_932 = arith.constant 0 : i32
          %lt3A_933 = arith.cmpi slt, %select_n3A_926, %lt3A_932 : i32
          %ne3A_934 = arith.xori %lt3A_931, %lt3A_933 : i1
          %and3A_935 = arith.andi %ne3A_934, %ne3A_929 : i1
          %add3A_936 = arith.addi %rem3A_927, %select_n3A_926 : i32
          %select_n3A_937 = arith.select %and3A_935, %add3A_936, %rem3A_927 : i32
          %mul3A_938 = arith.constant 16 : i32
          %mul3A_939 = arith.muli %select_n3A_937, %mul3A_938 : i32
          %swap3A_940 = arith.index_cast %select_n3A_921 : i32 to index
          %swap3A_941 = arith.index_cast %mul3A_939 : i32 to index
          %swap3A_942 = tpu.vector_load %arg10[%swap3A_940, %swap3A_941] {strides = array<i32>} : memref<64x128xf32, #tpu.memory_space<vmem>>, vector<1x16xf32>,
          %swap3A_943 = vector.shape_cast %swap3A_942 : vector<1x16xf32> to vector<16xf32>
          %swap3A_944 = vector.shape_cast %broadcast_in_dim3A_3 : vector<16xf32> to vector<1x16xf32>
          tpu.vector_store %arg10[%swap3A_940, %swap3A_941], %swap3A_944 {add = true, strides = array<i32>} : memref<64x128xf32, #tpu.memory_space<vmem>>, vector<1x16xf32>,
          %slice3A_945 = vector.extract_strided_slice %get3A_310 {offsets = [13], sizes = [1], strides = [1]} : vector<16xi32> to vector<1xi32>
          %squeeze3A_946 = vector.extract %slice3A_945[0] : i32 from vector<1xi32>
          %jit3A_947 = arith.constant 8 : i32
          %div3A_948 = arith.divsi %squeeze3A_946, %jit3A_947 : i32
          %sign3A_949 = arith.constant 0 : i32
          %sign3A_950 = arith.cmpi sgt, %squeeze3A_946, %sign3A_949 : i32
          %sign3A_951 = arith.extui %sign3A_950 : i1 to i32
          %sign3A_952 = arith.constant 0 : i32
          %sign3A_953 = arith.cmpi slt, %squeeze3A_946, %sign3A_952 : i32
          %sign3A_954 = arith.extui %sign3A_953 : i1 to i32
          %sign3A_955 = arith.subi %sign3A_951, %sign3A_954 : i32
          %sign3A_956 = arith.constant 0 : i32
          %sign3A_957 = arith.cmpi sgt, %jit3A_947, %sign3A_956 : i32
          %sign3A_958 = arith.extui %sign3A_957 : i1 to i32
          %sign3A_959 = arith.constant 0 : i32
          %sign3A_960 = arith.cmpi slt, %jit3A_947, %sign3A_959 : i32
          %sign3A_961 = arith.extui %sign3A_960 : i1 to i32
          %sign3A_962 = arith.subi %sign3A_958, %sign3A_961 : i32
          %ne3A_963 = arith.cmpi ne, %sign3A_955, %sign3A_962 : i32
          %rem3A_964 = arith.remsi %squeeze3A_946, %jit3A_947 : i32
          %ne3A_965 = arith.constant 0 : i32
          %ne3A_966 = arith.cmpi ne, %rem3A_964, %ne3A_965 : i32
          %and3A_967 = arith.andi %ne3A_963, %ne3A_966 : i1
          %sub3A_968 = arith.constant 1 : i32
          %sub3A_969 = arith.subi %div3A_948, %sub3A_968 : i32
          %select_n3A_970 = arith.select %and3A_967, %sub3A_969, %div3A_948 : i32
          %jit3A_971 = arith.constant 8 : i32
          %eq3A_972 = arith.constant 0 : i32
          %eq3A_973 = arith.cmpi eq, %jit3A_971, %eq3A_972 : i32
          %jit3A_974 = arith.constant 1 : i32
          %select_n3A_975 = arith.select %eq3A_973, %jit3A_974, %jit3A_971 : i32
          %rem3A_976 = arith.remsi %squeeze3A_946, %select_n3A_975 : i32
          %ne3A_977 = arith.constant 0 : i32
          %ne3A_978 = arith.cmpi ne, %rem3A_976, %ne3A_977 : i32
          %lt3A_979 = arith.constant 0 : i32
          %lt3A_980 = arith.cmpi slt, %rem3A_976, %lt3A_979 : i32
          %lt3A_981 = arith.constant 0 : i32
          %lt3A_982 = arith.cmpi slt, %select_n3A_975, %lt3A_981 : i32
          %ne3A_983 = arith.xori %lt3A_980, %lt3A_982 : i1
          %and3A_984 = arith.andi %ne3A_983, %ne3A_978 : i1
          %add3A_985 = arith.addi %rem3A_976, %select_n3A_975 : i32
          %select_n3A_986 = arith.select %and3A_984, %add3A_985, %rem3A_976 : i32
          %mul3A_987 = arith.constant 16 : i32
          %mul3A_988 = arith.muli %select_n3A_986, %mul3A_987 : i32
          %swap3A_989 = arith.index_cast %select_n3A_970 : i32 to index
          %swap3A_990 = arith.index_cast %mul3A_988 : i32 to index
          %swap3A_991 = tpu.vector_load %arg10[%swap3A_989, %swap3A_990] {strides = array<i32>} : memref<64x128xf32, #tpu.memory_space<vmem>>, vector<1x16xf32>,
          %swap3A_992 = vector.shape_cast %swap3A_991 : vector<1x16xf32> to vector<16xf32>
          %swap3A_993 = vector.shape_cast %broadcast_in_dim3A_3 : vector<16xf32> to vector<1x16xf32>
          tpu.vector_store %arg10[%swap3A_989, %swap3A_990], %swap3A_993 {add = true, strides = array<i32>} : memref<64x128xf32, #tpu.memory_space<vmem>>, vector<1x16xf32>,
          %slice3A_994 = vector.extract_strided_slice %get3A_310 {offsets = [14], sizes = [1], strides = [1]} : vector<16xi32> to vector<1xi32>
          %squeeze3A_995 = vector.extract %slice3A_994[0] : i32 from vector<1xi32>
          %jit3A_996 = arith.constant 8 : i32
          %div3A_997 = arith.divsi %squeeze3A_995, %jit3A_996 : i32
          %sign3A_998 = arith.constant 0 : i32
          %sign3A_999 = arith.cmpi sgt, %squeeze3A_995, %sign3A_998 : i32
          %sign3A_1000 = arith.extui %sign3A_999 : i1 to i32
          %sign3A_1001 = arith.constant 0 : i32
          %sign3A_1002 = arith.cmpi slt, %squeeze3A_995, %sign3A_1001 : i32
          %sign3A_1003 = arith.extui %sign3A_1002 : i1 to i32
          %sign3A_1004 = arith.subi %sign3A_1000, %sign3A_1003 : i32
          %sign3A_1005 = arith.constant 0 : i32
          %sign3A_1006 = arith.cmpi sgt, %jit3A_996, %sign3A_1005 : i32
          %sign3A_1007 = arith.extui %sign3A_1006 : i1 to i32
          %sign3A_1008 = arith.constant 0 : i32
          %sign3A_1009 = arith.cmpi slt, %jit3A_996, %sign3A_1008 : i32
          %sign3A_1010 = arith.extui %sign3A_1009 : i1 to i32
          %sign3A_1011 = arith.subi %sign3A_1007, %sign3A_1010 : i32
          %ne3A_1012 = arith.cmpi ne, %sign3A_1004, %sign3A_1011 : i32
          %rem3A_1013 = arith.remsi %squeeze3A_995, %jit3A_996 : i32
          %ne3A_1014 = arith.constant 0 : i32
          %ne3A_1015 = arith.cmpi ne, %rem3A_1013, %ne3A_1014 : i32
          %and3A_1016 = arith.andi %ne3A_1012, %ne3A_1015 : i1
          %sub3A_1017 = arith.constant 1 : i32
          %sub3A_1018 = arith.subi %div3A_997, %sub3A_1017 : i32
          %select_n3A_1019 = arith.select %and3A_1016, %sub3A_1018, %div3A_997 : i32
          %jit3A_1020 = arith.constant 8 : i32
          %eq3A_1021 = arith.constant 0 : i32
          %eq3A_1022 = arith.cmpi eq, %jit3A_1020, %eq3A_1021 : i32
          %jit3A_1023 = arith.constant 1 : i32
          %select_n3A_1024 = arith.select %eq3A_1022, %jit3A_1023, %jit3A_1020 : i32
          %rem3A_1025 = arith.remsi %squeeze3A_995, %select_n3A_1024 : i32
          %ne3A_1026 = arith.constant 0 : i32
          %ne3A_1027 = arith.cmpi ne, %rem3A_1025, %ne3A_1026 : i32
          %lt3A_1028 = arith.constant 0 : i32
          %lt3A_1029 = arith.cmpi slt, %rem3A_1025, %lt3A_1028 : i32
          %lt3A_1030 = arith.constant 0 : i32
          %lt3A_1031 = arith.cmpi slt, %select_n3A_1024, %lt3A_1030 : i32
          %ne3A_1032 = arith.xori %lt3A_1029, %lt3A_1031 : i1
          %and3A_1033 = arith.andi %ne3A_1032, %ne3A_1027 : i1
          %add3A_1034 = arith.addi %rem3A_1025, %select_n3A_1024 : i32
          %select_n3A_1035 = arith.select %and3A_1033, %add3A_1034, %rem3A_1025 : i32
          %mul3A_1036 = arith.constant 16 : i32
          %mul3A_1037 = arith.muli %select_n3A_1035, %mul3A_1036 : i32
          %swap3A_1038 = arith.index_cast %select_n3A_1019 : i32 to index
          %swap3A_1039 = arith.index_cast %mul3A_1037 : i32 to index
          %swap3A_1040 = tpu.vector_load %arg10[%swap3A_1038, %swap3A_1039] {strides = array<i32>} : memref<64x128xf32, #tpu.memory_space<vmem>>, vector<1x16xf32>,
          %swap3A_1041 = vector.shape_cast %swap3A_1040 : vector<1x16xf32> to vector<16xf32>
          %swap3A_1042 = vector.shape_cast %broadcast_in_dim3A_3 : vector<16xf32> to vector<1x16xf32>
          tpu.vector_store %arg10[%swap3A_1038, %swap3A_1039], %swap3A_1042 {add = true, strides = array<i32>} : memref<64x128xf32, #tpu.memory_space<vmem>>, vector<1x16xf32>,
          %slice3A_1043 = vector.extract_strided_slice %get3A_310 {offsets = [15], sizes = [1], strides = [1]} : vector<16xi32> to vector<1xi32>
          %squeeze3A_1044 = vector.extract %slice3A_1043[0] : i32 from vector<1xi32>
          %jit3A_1045 = arith.constant 8 : i32
          %div3A_1046 = arith.divsi %squeeze3A_1044, %jit3A_1045 : i32
          %sign3A_1047 = arith.constant 0 : i32
          %sign3A_1048 = arith.cmpi sgt, %squeeze3A_1044, %sign3A_1047 : i32
          %sign3A_1049 = arith.extui %sign3A_1048 : i1 to i32
          %sign3A_1050 = arith.constant 0 : i32
          %sign3A_1051 = arith.cmpi slt, %squeeze3A_1044, %sign3A_1050 : i32
          %sign3A_1052 = arith.extui %sign3A_1051 : i1 to i32
          %sign3A_1053 = arith.subi %sign3A_1049, %sign3A_1052 : i32
          %sign3A_1054 = arith.constant 0 : i32
          %sign3A_1055 = arith.cmpi sgt, %jit3A_1045, %sign3A_1054 : i32
          %sign3A_1056 = arith.extui %sign3A_1055 : i1 to i32
          %sign3A_1057 = arith.constant 0 : i32
          %sign3A_1058 = arith.cmpi slt, %jit3A_1045, %sign3A_1057 : i32
          %sign3A_1059 = arith.extui %sign3A_1058 : i1 to i32
          %sign3A_1060 = arith.subi %sign3A_1056, %sign3A_1059 : i32
          %ne3A_1061 = arith.cmpi ne, %sign3A_1053, %sign3A_1060 : i32
          %rem3A_1062 = arith.remsi %squeeze3A_1044, %jit3A_1045 : i32
          %ne3A_1063 = arith.constant 0 : i32
          %ne3A_1064 = arith.cmpi ne, %rem3A_1062, %ne3A_1063 : i32
          %and3A_1065 = arith.andi %ne3A_1061, %ne3A_1064 : i1
          %sub3A_1066 = arith.constant 1 : i32
          %sub3A_1067 = arith.subi %div3A_1046, %sub3A_1066 : i32
          %select_n3A_1068 = arith.select %and3A_1065, %sub3A_1067, %div3A_1046 : i32
          %jit3A_1069 = arith.constant 8 : i32
          %eq3A_1070 = arith.constant 0 : i32
          %eq3A_1071 = arith.cmpi eq, %jit3A_1069, %eq3A_1070 : i32
          %jit3A_1072 = arith.constant 1 : i32
          %select_n3A_1073 = arith.select %eq3A_1071, %jit3A_1072, %jit3A_1069 : i32
          %rem3A_1074 = arith.remsi %squeeze3A_1044, %select_n3A_1073 : i32
          %ne3A_1075 = arith.constant 0 : i32
          %ne3A_1076 = arith.cmpi ne, %rem3A_1074, %ne3A_1075 : i32
          %lt3A_1077 = arith.constant 0 : i32
          %lt3A_1078 = arith.cmpi slt, %rem3A_1074, %lt3A_1077 : i32
          %lt3A_1079 = arith.constant 0 : i32
          %lt3A_1080 = arith.cmpi slt, %select_n3A_1073, %lt3A_1079 : i32
          %ne3A_1081 = arith.xori %lt3A_1078, %lt3A_1080 : i1
          %and3A_1082 = arith.andi %ne3A_1081, %ne3A_1076 : i1
          %add3A_1083 = arith.addi %rem3A_1074, %select_n3A_1073 : i32
          %select_n3A_1084 = arith.select %and3A_1082, %add3A_1083, %rem3A_1074 : i32
          %mul3A_1085 = arith.constant 16 : i32
          %mul3A_1086 = arith.muli %select_n3A_1084, %mul3A_1085 : i32
          %swap3A_1087 = arith.index_cast %select_n3A_1068 : i32 to index
          %swap3A_1088 = arith.index_cast %mul3A_1086 : i32 to index
          %swap3A_1089 = tpu.vector_load %arg10[%swap3A_1087, %swap3A_1088] {strides = array<i32>} : memref<64x128xf32, #tpu.memory_space<vmem>>, vector<1x16xf32>,
          %swap3A_1090 = vector.shape_cast %swap3A_1089 : vector<1x16xf32> to vector<16xf32>
          %swap3A_1091 = vector.shape_cast %broadcast_in_dim3A_3 : vector<16xf32> to vector<1x16xf32>
          tpu.vector_store %arg10[%swap3A_1087, %swap3A_1088], %swap3A_1091 {add = true, strides = array<i32>} : memref<64x128xf32, #tpu.memory_space<vmem>>, vector<1x16xf32>,
        }
        %scan3A_270 = arith.constant 25 : i32
      } else {
      }
    }
    %scan3A_28 = arith.constant 4 : i32
    %dma_wait3A = arith.constant 0 : i32
    %dma_wait3A_29 = arith.constant 0 : i32
    %dma_wait3A_30 = arith.constant 0 : i32
    %dma_wait3A_31 = tpu.memref_slice %arg6[%dma_wait3A_29, %dma_wait3A_30] : memref<400x128xf32, #tpu.memory_space<vmem>> -> memref<80x128xf32, #tpu.memory_space<vmem>>
    %dma_wait3A_32 = arith.constant 0 : i32
    %dma_wait3A_33 = tpu.memref_slice %arg8[%dma_wait3A, %dma_wait3A_32] : memref<5x80xi32, #tpu.memory_space<vmem>> -> memref<1x80xi32, #tpu.memory_space<vmem>>
    %dma_wait3A_34 = tpu.memref_squeeze %dma_wait3A_33 : memref<1x80xi32, #tpu.memory_space<vmem>> -> memref<80xi32, #tpu.memory_space<vmem>>
    %dma_wait3A_35 = arith.constant 0 : i32
    %dma_wait3A_36 = arith.constant 0 : i32
    %dma_wait3A_37 = tpu.memref_slice %arg12[%dma_wait3A_35, %dma_wait3A_36] : memref<512x128xf32, #tpu.memory_space<vmem_shared>> -> memref<512x128xf32, #tpu.memory_space<vmem_shared>>
    tpu.wait_indirect_dma semaphore(%arg15 : memref<!tpu.dma_semaphore, #tpu.memory_space<semaphore_mem>>) src(%dma_wait3A_31 : memref<80x128xf32, #tpu.memory_space<vmem>>) dst(%dma_wait3A_37 : memref<512x128xf32, #tpu.memory_space<vmem_shared>>)
    %dma_wait3A_38 = arith.constant 1 : i32
    %dma_wait3A_39 = arith.constant 80 : i32
    %dma_wait3A_40 = arith.constant 0 : i32
    %dma_wait3A_41 = tpu.memref_slice %arg6[%dma_wait3A_39, %dma_wait3A_40] : memref<400x128xf32, #tpu.memory_space<vmem>> -> memref<80x128xf32, #tpu.memory_space<vmem>>
    %dma_wait3A_42 = arith.constant 0 : i32
    %dma_wait3A_43 = tpu.memref_slice %arg8[%dma_wait3A_38, %dma_wait3A_42] : memref<5x80xi32, #tpu.memory_space<vmem>> -> memref<1x80xi32, #tpu.memory_space<vmem>>
    %dma_wait3A_44 = tpu.memref_squeeze %dma_wait3A_43 : memref<1x80xi32, #tpu.memory_space<vmem>> -> memref<80xi32, #tpu.memory_space<vmem>>
    %dma_wait3A_45 = arith.constant 0 : i32
    %dma_wait3A_46 = arith.constant 0 : i32
    %dma_wait3A_47 = tpu.memref_slice %arg12[%dma_wait3A_45, %dma_wait3A_46] : memref<512x128xf32, #tpu.memory_space<vmem_shared>> -> memref<512x128xf32, #tpu.memory_space<vmem_shared>>
    tpu.wait_indirect_dma semaphore(%arg15 : memref<!tpu.dma_semaphore, #tpu.memory_space<semaphore_mem>>) src(%dma_wait3A_41 : memref<80x128xf32, #tpu.memory_space<vmem>>) dst(%dma_wait3A_47 : memref<512x128xf32, #tpu.memory_space<vmem_shared>>)
    %dma_wait3A_48 = arith.constant 2 : i32
    %dma_wait3A_49 = arith.constant 160 : i32
    %dma_wait3A_50 = arith.constant 0 : i32
    %dma_wait3A_51 = tpu.memref_slice %arg6[%dma_wait3A_49, %dma_wait3A_50] : memref<400x128xf32, #tpu.memory_space<vmem>> -> memref<80x128xf32, #tpu.memory_space<vmem>>
    %dma_wait3A_52 = arith.constant 0 : i32
    %dma_wait3A_53 = tpu.memref_slice %arg8[%dma_wait3A_48, %dma_wait3A_52] : memref<5x80xi32, #tpu.memory_space<vmem>> -> memref<1x80xi32, #tpu.memory_space<vmem>>
    %dma_wait3A_54 = tpu.memref_squeeze %dma_wait3A_53 : memref<1x80xi32, #tpu.memory_space<vmem>> -> memref<80xi32, #tpu.memory_space<vmem>>
    %dma_wait3A_55 = arith.constant 0 : i32
    %dma_wait3A_56 = arith.constant 0 : i32
    %dma_wait3A_57 = tpu.memref_slice %arg12[%dma_wait3A_55, %dma_wait3A_56] : memref<512x128xf32, #tpu.memory_space<vmem_shared>> -> memref<512x128xf32, #tpu.memory_space<vmem_shared>>
    tpu.wait_indirect_dma semaphore(%arg15 : memref<!tpu.dma_semaphore, #tpu.memory_space<semaphore_mem>>) src(%dma_wait3A_51 : memref<80x128xf32, #tpu.memory_space<vmem>>) dst(%dma_wait3A_57 : memref<512x128xf32, #tpu.memory_space<vmem_shared>>)
    %dma_wait3A_58 = arith.constant 3 : i32
    %dma_wait3A_59 = arith.constant 240 : i32
    %dma_wait3A_60 = arith.constant 0 : i32
    %dma_wait3A_61 = tpu.memref_slice %arg6[%dma_wait3A_59, %dma_wait3A_60] : memref<400x128xf32, #tpu.memory_space<vmem>> -> memref<80x128xf32, #tpu.memory_space<vmem>>
    %dma_wait3A_62 = arith.constant 0 : i32
    %dma_wait3A_63 = tpu.memref_slice %arg8[%dma_wait3A_58, %dma_wait3A_62] : memref<5x80xi32, #tpu.memory_space<vmem>> -> memref<1x80xi32, #tpu.memory_space<vmem>>
    %dma_wait3A_64 = tpu.memref_squeeze %dma_wait3A_63 : memref<1x80xi32, #tpu.memory_space<vmem>> -> memref<80xi32, #tpu.memory_space<vmem>>
    %dma_wait3A_65 = arith.constant 0 : i32
    %dma_wait3A_66 = arith.constant 0 : i32
    %dma_wait3A_67 = tpu.memref_slice %arg12[%dma_wait3A_65, %dma_wait3A_66] : memref<512x128xf32, #tpu.memory_space<vmem_shared>> -> memref<512x128xf32, #tpu.memory_space<vmem_shared>>
    tpu.wait_indirect_dma semaphore(%arg15 : memref<!tpu.dma_semaphore, #tpu.memory_space<semaphore_mem>>) src(%dma_wait3A_61 : memref<80x128xf32, #tpu.memory_space<vmem>>) dst(%dma_wait3A_67 : memref<512x128xf32, #tpu.memory_space<vmem_shared>>)
    %dma_wait3A_68 = arith.constant 4 : i32
    %dma_wait3A_69 = arith.constant 320 : i32
    %dma_wait3A_70 = arith.constant 0 : i32
    %dma_wait3A_71 = tpu.memref_slice %arg6[%dma_wait3A_69, %dma_wait3A_70] : memref<400x128xf32, #tpu.memory_space<vmem>> -> memref<80x128xf32, #tpu.memory_space<vmem>>
    %dma_wait3A_72 = arith.constant 0 : i32
    %dma_wait3A_73 = tpu.memref_slice %arg8[%dma_wait3A_68, %dma_wait3A_72] : memref<5x80xi32, #tpu.memory_space<vmem>> -> memref<1x80xi32, #tpu.memory_space<vmem>>
    %dma_wait3A_74 = tpu.memref_squeeze %dma_wait3A_73 : memref<1x80xi32, #tpu.memory_space<vmem>> -> memref<80xi32, #tpu.memory_space<vmem>>
    %dma_wait3A_75 = arith.constant 0 : i32
    %dma_wait3A_76 = arith.constant 0 : i32
    %dma_wait3A_77 = tpu.memref_slice %arg12[%dma_wait3A_75, %dma_wait3A_76] : memref<512x128xf32, #tpu.memory_space<vmem_shared>> -> memref<512x128xf32, #tpu.memory_space<vmem_shared>>
    tpu.wait_indirect_dma semaphore(%arg15 : memref<!tpu.dma_semaphore, #tpu.memory_space<semaphore_mem>>) src(%dma_wait3A_71 : memref<80x128xf32, #tpu.memory_space<vmem>>) dst(%dma_wait3A_77 : memref<512x128xf32, #tpu.memory_space<vmem_shared>>)
    %dma_wait3A_78 = arith.constant 0 : i32
    %dma_wait3A_79 = arith.constant 0 : i32
    %dma_wait3A_80 = arith.constant 0 : i32
    %dma_wait3A_81 = tpu.memref_slice %arg7[%dma_wait3A_79, %dma_wait3A_80] : memref<400x128xf32, #tpu.memory_space<vmem>> -> memref<80x128xf32, #tpu.memory_space<vmem>>
    %dma_wait3A_82 = arith.constant 0 : i32
    %dma_wait3A_83 = tpu.memref_slice %arg9[%dma_wait3A_78, %dma_wait3A_82] : memref<5x80xi32, #tpu.memory_space<vmem>> -> memref<1x80xi32, #tpu.memory_space<vmem>>
    %dma_wait3A_84 = tpu.memref_squeeze %dma_wait3A_83 : memref<1x80xi32, #tpu.memory_space<vmem>> -> memref<80xi32, #tpu.memory_space<vmem>>
    %dma_wait3A_85 = arith.constant 0 : i32
    %dma_wait3A_86 = arith.constant 0 : i32
    %dma_wait3A_87 = tpu.memref_slice %arg12[%dma_wait3A_85, %dma_wait3A_86] : memref<512x128xf32, #tpu.memory_space<vmem_shared>> -> memref<512x128xf32, #tpu.memory_space<vmem_shared>>
    tpu.wait_indirect_dma semaphore(%arg16 : memref<!tpu.dma_semaphore, #tpu.memory_space<semaphore_mem>>) src(%dma_wait3A_81 : memref<80x128xf32, #tpu.memory_space<vmem>>) dst(%dma_wait3A_87 : memref<512x128xf32, #tpu.memory_space<vmem_shared>>)
    %dma_wait3A_88 = arith.constant 1 : i32
    %dma_wait3A_89 = arith.constant 80 : i32
    %dma_wait3A_90 = arith.constant 0 : i32
    %dma_wait3A_91 = tpu.memref_slice %arg7[%dma_wait3A_89, %dma_wait3A_90] : memref<400x128xf32, #tpu.memory_space<vmem>> -> memref<80x128xf32, #tpu.memory_space<vmem>>
    %dma_wait3A_92 = arith.constant 0 : i32
    %dma_wait3A_93 = tpu.memref_slice %arg9[%dma_wait3A_88, %dma_wait3A_92] : memref<5x80xi32, #tpu.memory_space<vmem>> -> memref<1x80xi32, #tpu.memory_space<vmem>>
    %dma_wait3A_94 = tpu.memref_squeeze %dma_wait3A_93 : memref<1x80xi32, #tpu.memory_space<vmem>> -> memref<80xi32, #tpu.memory_space<vmem>>
    %dma_wait3A_95 = arith.constant 0 : i32
    %dma_wait3A_96 = arith.constant 0 : i32
    %dma_wait3A_97 = tpu.memref_slice %arg12[%dma_wait3A_95, %dma_wait3A_96] : memref<512x128xf32, #tpu.memory_space<vmem_shared>> -> memref<512x128xf32, #tpu.memory_space<vmem_shared>>
    tpu.wait_indirect_dma semaphore(%arg16 : memref<!tpu.dma_semaphore, #tpu.memory_space<semaphore_mem>>) src(%dma_wait3A_91 : memref<80x128xf32, #tpu.memory_space<vmem>>) dst(%dma_wait3A_97 : memref<512x128xf32, #tpu.memory_space<vmem_shared>>)
    %dma_wait3A_98 = arith.constant 2 : i32
    %dma_wait3A_99 = arith.constant 160 : i32
    %dma_wait3A_100 = arith.constant 0 : i32
    %dma_wait3A_101 = tpu.memref_slice %arg7[%dma_wait3A_99, %dma_wait3A_100] : memref<400x128xf32, #tpu.memory_space<vmem>> -> memref<80x128xf32, #tpu.memory_space<vmem>>
    %dma_wait3A_102 = arith.constant 0 : i32
    %dma_wait3A_103 = tpu.memref_slice %arg9[%dma_wait3A_98, %dma_wait3A_102] : memref<5x80xi32, #tpu.memory_space<vmem>> -> memref<1x80xi32, #tpu.memory_space<vmem>>
    %dma_wait3A_104 = tpu.memref_squeeze %dma_wait3A_103 : memref<1x80xi32, #tpu.memory_space<vmem>> -> memref<80xi32, #tpu.memory_space<vmem>>
    %dma_wait3A_105 = arith.constant 0 : i32
    %dma_wait3A_106 = arith.constant 0 : i32
    %dma_wait3A_107 = tpu.memref_slice %arg12[%dma_wait3A_105, %dma_wait3A_106] : memref<512x128xf32, #tpu.memory_space<vmem_shared>> -> memref<512x128xf32, #tpu.memory_space<vmem_shared>>
    tpu.wait_indirect_dma semaphore(%arg16 : memref<!tpu.dma_semaphore, #tpu.memory_space<semaphore_mem>>) src(%dma_wait3A_101 : memref<80x128xf32, #tpu.memory_space<vmem>>) dst(%dma_wait3A_107 : memref<512x128xf32, #tpu.memory_space<vmem_shared>>)
    %dma_wait3A_108 = arith.constant 3 : i32
    %dma_wait3A_109 = arith.constant 240 : i32
    %dma_wait3A_110 = arith.constant 0 : i32
    %dma_wait3A_111 = tpu.memref_slice %arg7[%dma_wait3A_109, %dma_wait3A_110] : memref<400x128xf32, #tpu.memory_space<vmem>> -> memref<80x128xf32, #tpu.memory_space<vmem>>
    %dma_wait3A_112 = arith.constant 0 : i32
    %dma_wait3A_113 = tpu.memref_slice %arg9[%dma_wait3A_108, %dma_wait3A_112] : memref<5x80xi32, #tpu.memory_space<vmem>> -> memref<1x80xi32, #tpu.memory_space<vmem>>
    %dma_wait3A_114 = tpu.memref_squeeze %dma_wait3A_113 : memref<1x80xi32, #tpu.memory_space<vmem>> -> memref<80xi32, #tpu.memory_space<vmem>>
    %dma_wait3A_115 = arith.constant 0 : i32
    %dma_wait3A_116 = arith.constant 0 : i32
    %dma_wait3A_117 = tpu.memref_slice %arg12[%dma_wait3A_115, %dma_wait3A_116] : memref<512x128xf32, #tpu.memory_space<vmem_shared>> -> memref<512x128xf32, #tpu.memory_space<vmem_shared>>
    tpu.wait_indirect_dma semaphore(%arg16 : memref<!tpu.dma_semaphore, #tpu.memory_space<semaphore_mem>>) src(%dma_wait3A_111 : memref<80x128xf32, #tpu.memory_space<vmem>>) dst(%dma_wait3A_117 : memref<512x128xf32, #tpu.memory_space<vmem_shared>>)
    %dma_wait3A_118 = arith.constant 4 : i32
    %dma_wait3A_119 = arith.constant 320 : i32
    %dma_wait3A_120 = arith.constant 0 : i32
    %dma_wait3A_121 = tpu.memref_slice %arg7[%dma_wait3A_119, %dma_wait3A_120] : memref<400x128xf32, #tpu.memory_space<vmem>> -> memref<80x128xf32, #tpu.memory_space<vmem>>
    %dma_wait3A_122 = arith.constant 0 : i32
    %dma_wait3A_123 = tpu.memref_slice %arg9[%dma_wait3A_118, %dma_wait3A_122] : memref<5x80xi32, #tpu.memory_space<vmem>> -> memref<1x80xi32, #tpu.memory_space<vmem>>
    %dma_wait3A_124 = tpu.memref_squeeze %dma_wait3A_123 : memref<1x80xi32, #tpu.memory_space<vmem>> -> memref<80xi32, #tpu.memory_space<vmem>>
    %dma_wait3A_125 = arith.constant 0 : i32
    %dma_wait3A_126 = arith.constant 0 : i32
    %dma_wait3A_127 = tpu.memref_slice %arg12[%dma_wait3A_125, %dma_wait3A_126] : memref<512x128xf32, #tpu.memory_space<vmem_shared>> -> memref<512x128xf32, #tpu.memory_space<vmem_shared>>
    tpu.wait_indirect_dma semaphore(%arg16 : memref<!tpu.dma_semaphore, #tpu.memory_space<semaphore_mem>>) src(%dma_wait3A_121 : memref<80x128xf32, #tpu.memory_space<vmem>>) dst(%dma_wait3A_127 : memref<512x128xf32, #tpu.memory_space<vmem_shared>>)
    %barrier3A_128 = arith.constant 0 : index
    tpu.barrier barrier_id(%barrier3A_128)
    %eq3A_129 = arith.constant 0 : i32
    %eq3A_130 = arith.cmpi eq, %arg1, %eq3A_129 : i32
    %convert_element_type3A_131 = arith.extui %eq3A_130 : i1 to i32
    %cond3A_132 = arith.constant 0 : i32
    %cond3A_133 = arith.cmpi ne, %convert_element_type3A_131, %cond3A_132 : i32
    scf.if %cond3A_133 {
      "tpu.region"() ({
        %run_scoped3A = tpu.sem_alloc : memref<!tpu.dma_semaphore, #tpu.memory_space<semaphore_mem>>
        %dma_start3A = arith.constant 0 : i32
        %dma_start3A_134 = arith.constant 0 : i32
        %dma_start3A_135 = tpu.memref_slice %arg4[%arg0, %dma_start3A, %dma_start3A_134] : memref<2x512x128xf32, #tpu.memory_space<hbm>> -> memref<1x512x128xf32, #tpu.memory_space<hbm>>
        %dma_start3A_136 = tpu.memref_squeeze %dma_start3A_135 : memref<1x512x128xf32, #tpu.memory_space<hbm>> -> memref<512x128xf32, #tpu.memory_space<hbm>>
        tpu.enqueue_dma source(%arg12 : memref<512x128xf32, #tpu.memory_space<vmem_shared>>) target(%dma_start3A_136 : memref<512x128xf32, #tpu.memory_space<hbm>>) target_semaphore(%run_scoped3A : memref<!tpu.dma_semaphore, #tpu.memory_space<semaphore_mem>>)
        %dma_wait3A_137 = arith.constant 0 : i32
        %dma_wait3A_138 = arith.constant 0 : i32
        %dma_wait3A_139 = tpu.memref_slice %arg4[%arg0, %dma_wait3A_137, %dma_wait3A_138] : memref<2x512x128xf32, #tpu.memory_space<hbm>> -> memref<1x512x128xf32, #tpu.memory_space<hbm>>
        %dma_wait3A_140 = tpu.memref_squeeze %dma_wait3A_139 : memref<1x512x128xf32, #tpu.memory_space<hbm>> -> memref<512x128xf32, #tpu.memory_space<hbm>>
        tpu.wait_dma2 semaphore(%run_scoped3A : memref<!tpu.dma_semaphore, #tpu.memory_space<semaphore_mem>>) src(%arg12 : memref<512x128xf32, #tpu.memory_space<vmem_shared>>) dst(%dma_wait3A_140 : memref<512x128xf32, #tpu.memory_space<hbm>>)
        tpu.yield
      }) : () -> ()
    } else {
    }
    "tpu.region"() ({
      %run_scoped3A = tpu.sem_alloc : memref<!tpu.dma_semaphore, #tpu.memory_space<semaphore_mem>>
      %dma_start3A = arith.constant 0 : i32
      %dma_start3A_134 = arith.constant 0 : i32
      %dma_start3A_135 = tpu.memref_slice %arg5[%add3A, %dma_start3A, %dma_start3A_134] : memref<32x64x128xf32, #tpu.memory_space<hbm>> -> memref<1x64x128xf32, #tpu.memory_space<hbm>>
      %dma_start3A_136 = tpu.memref_squeeze %dma_start3A_135 : memref<1x64x128xf32, #tpu.memory_space<hbm>> -> memref<64x128xf32, #tpu.memory_space<hbm>>
      %dma_start3A_137 = arith.constant 0 : i32
      %dma_start3A_138 = arith.constant 0 : i32
      %dma_start3A_139 = tpu.memref_slice %arg5[%add3A, %dma_start3A_137, %dma_start3A_138] : memref<32x64x128xf32, #tpu.memory_space<hbm>> -> memref<1x64x128xf32, #tpu.memory_space<hbm>>
      %dma_start3A_140 = tpu.memref_squeeze %dma_start3A_139 : memref<1x64x128xf32, #tpu.memory_space<hbm>> -> memref<64x128xf32, #tpu.memory_space<hbm>>
      tpu.enqueue_dma source(%arg10 : memref<64x128xf32, #tpu.memory_space<vmem>>) target(%dma_start3A_140 : memref<64x128xf32, #tpu.memory_space<hbm>>) target_semaphore(%run_scoped3A : memref<!tpu.dma_semaphore, #tpu.memory_space<semaphore_mem>>)
      %dma_wait3A_141 = arith.constant 0 : i32
      %dma_wait3A_142 = arith.constant 0 : i32
      %dma_wait3A_143 = tpu.memref_slice %arg5[%add3A, %dma_wait3A_141, %dma_wait3A_142] : memref<32x64x128xf32, #tpu.memory_space<hbm>> -> memref<1x64x128xf32, #tpu.memory_space<hbm>>
      %dma_wait3A_144 = tpu.memref_squeeze %dma_wait3A_143 : memref<1x64x128xf32, #tpu.memory_space<hbm>> -> memref<64x128xf32, #tpu.memory_space<hbm>>
      %dma_wait3A_145 = arith.constant 0 : i32
      %dma_wait3A_146 = arith.constant 0 : i32
      %dma_wait3A_147 = tpu.memref_slice %arg5[%add3A, %dma_wait3A_145, %dma_wait3A_146] : memref<32x64x128xf32, #tpu.memory_space<hbm>> -> memref<1x64x128xf32, #tpu.memory_space<hbm>>
      %dma_wait3A_148 = tpu.memref_squeeze %dma_wait3A_147 : memref<1x64x128xf32, #tpu.memory_space<hbm>> -> memref<64x128xf32, #tpu.memory_space<hbm>>
      tpu.wait_dma2 semaphore(%run_scoped3A : memref<!tpu.dma_semaphore, #tpu.memory_space<semaphore_mem>>) src(%arg10 : memref<64x128xf32, #tpu.memory_space<vmem>>) dst(%dma_wait3A_148 : memref<64x128xf32, #tpu.memory_space<hbm>>)
      tpu.yield
    }) : () -> ()
    return
  }
}

module attributes {stable_mosaic.version = 14 : i64} {
  func.func @_final_body(%arg0: i32, %arg1: memref<2x512x128xf32, #tpu.memory_space<vmem>>, %arg2: memref<32x64x128xf32, #tpu.memory_space<vmem>>, %arg3: memref<10x128xf32, #tpu.memory_space<vmem>>, %arg4: memref<1x10xf32, #tpu.memory_space<vmem>>, %arg5: memref<512x10xf32, #tpu.memory_space<vmem>>) attributes {dimension_semantics = [#tpu.dimension_semantics<arbitrary>], iteration_bounds = array<i64: 1>, scalar_prefetch = 0 : i64, scratch_operands = 0 : i64, tpu.core_type = #tpu.core_type<tc>, window_params = [{pipeline_mode = #tpu.pipeline_mode<synchronous>, transform_indices = @transform_0, window_bounds = array<i64: 2, 512, 128>}, {pipeline_mode = #tpu.pipeline_mode<synchronous>, transform_indices = @transform_1, window_bounds = array<i64: 32, 64, 128>}, {pipeline_mode = #tpu.pipeline_mode<synchronous>, transform_indices = @transform_2, window_bounds = array<i64: 10, 128>}, {pipeline_mode = #tpu.pipeline_mode<synchronous>, transform_indices = @transform_3, window_bounds = array<i64: 1, 10>}, {pipeline_mode = #tpu.pipeline_mode<synchronous>, transform_indices = @transform_4, window_bounds = array<i64: 512, 10>}]} {
    %get3A = arith.constant 0 : index
    %get3A_0 = arith.constant 0 : index
    %get3A_1 = arith.constant 0 : index
    %get3A_2 = vector.load %arg1[%get3A, %get3A_0, %get3A_1] : memref<2x512x128xf32, #tpu.memory_space<vmem>>, vector<2x512x128xf32>
    %reduce_sum3A = arith.constant dense<0.000000e+00> : vector<512x128xf32>
    %reduce_sum3A_3 = vector.multi_reduction <add>, %get3A_2, %reduce_sum3A [0] : vector<2x512x128xf32> to vector<512x128xf32>
    %get3A_4 = arith.constant 0 : index
    %get3A_5 = arith.constant 0 : index
    %get3A_6 = arith.constant 0 : index
    %get3A_7 = vector.load %arg2[%get3A_4, %get3A_5, %get3A_6] : memref<32x64x128xf32, #tpu.memory_space<vmem>>, vector<32x64x128xf32>
    %reduce_sum3A_8 = arith.constant dense<0.000000e+00> : vector<64x128xf32>
    %reduce_sum3A_9 = vector.multi_reduction <add>, %get3A_7, %reduce_sum3A_8 [0] : vector<32x64x128xf32> to vector<64x128xf32>
    %iota3A = tpu.iota {dimensions = array<i32: 0>} : vector<512x64xi32>
    %iota3A_10 = tpu.iota {dimensions = array<i32: 1>} : vector<512x64xi32>
    %jit3A = arith.constant 8 : i32
    %div3A = vector.broadcast %jit3A : i32 to vector<512x64xi32>
    %div3A_11 = arith.divsi %iota3A, %div3A : vector<512x64xi32>
    %sign3A = arith.constant 0 : i32
    %sign3A_12 = vector.broadcast %sign3A : i32 to vector<512x64xi32>
    %sign3A_13 = arith.cmpi sgt, %iota3A, %sign3A_12 : vector<512x64xi32>
    %sign3A_14 = arith.extui %sign3A_13 : vector<512x64xi1> to vector<512x64xi32>
    %sign3A_15 = arith.constant 0 : i32
    %sign3A_16 = vector.broadcast %sign3A_15 : i32 to vector<512x64xi32>
    %sign3A_17 = arith.cmpi slt, %iota3A, %sign3A_16 : vector<512x64xi32>
    %sign3A_18 = arith.extui %sign3A_17 : vector<512x64xi1> to vector<512x64xi32>
    %sign3A_19 = arith.subi %sign3A_14, %sign3A_18 : vector<512x64xi32>
    %sign3A_20 = arith.constant 0 : i32
    %sign3A_21 = arith.cmpi sgt, %jit3A, %sign3A_20 : i32
    %sign3A_22 = arith.extui %sign3A_21 : i1 to i32
    %sign3A_23 = arith.constant 0 : i32
    %sign3A_24 = arith.cmpi slt, %jit3A, %sign3A_23 : i32
    %sign3A_25 = arith.extui %sign3A_24 : i1 to i32
    %sign3A_26 = arith.subi %sign3A_22, %sign3A_25 : i32
    %ne3A = vector.broadcast %sign3A_26 : i32 to vector<512x64xi32>
    %ne3A_27 = arith.cmpi ne, %sign3A_19, %ne3A : vector<512x64xi32>
    %rem3A = vector.broadcast %jit3A : i32 to vector<512x64xi32>
    %rem3A_28 = arith.remsi %iota3A, %rem3A : vector<512x64xi32>
    %ne3A_29 = arith.constant 0 : i32
    %ne3A_30 = vector.broadcast %ne3A_29 : i32 to vector<512x64xi32>
    %ne3A_31 = arith.cmpi ne, %rem3A_28, %ne3A_30 : vector<512x64xi32>
    %and3A = arith.andi %ne3A_27, %ne3A_31 : vector<512x64xi1>
    %sub3A = arith.constant 1 : i32
    %sub3A_32 = vector.broadcast %sub3A : i32 to vector<512x64xi32>
    %sub3A_33 = arith.subi %div3A_11, %sub3A_32 : vector<512x64xi32>
    %select_n3A = arith.select %and3A, %sub3A_33, %div3A_11 : vector<512x64xi1>, vector<512x64xi32>
    %eq3A = arith.cmpi eq, %iota3A_10, %select_n3A : vector<512x64xi32>
    %jit3A_34 = arith.constant 1.000000e+00 : f32
    %jit3A_35 = arith.constant 0.000000e+00 : f32
    %broadcast_in_dim3A = vector.broadcast %jit3A_34 : f32 to vector<512x64xf32>
    %broadcast_in_dim3A_36 = vector.broadcast %jit3A_35 : f32 to vector<512x64xf32>
    %select_n3A_37 = arith.select %eq3A, %broadcast_in_dim3A, %broadcast_in_dim3A_36 : vector<512x64xi1>, vector<512x64xf32>
    %dot_general3A = arith.constant dense<0.000000e+00> : vector<512x128xf32>
    %dot_general3A_38 = tpu.matmul %select_n3A_37, %reduce_sum3A_9, %dot_general3A {dimension_numbers = #tpu.dot_dimension_numbers<[1], [0], [0], [1], [0, 0, 1, 1], [], []>, transpose_lhs_hint = false} : vector<512x64xf32>, vector<64x128xf32>, vector<512x128xf32> -> vector<512x128xf32>
    %iota3A_39 = tpu.iota {dimensions = array<i32: 1>} : vector<512x128xi32>
    %iota3A_40 = tpu.iota {dimensions = array<i32: 0>} : vector<512x128xi32>
    %jit3A_41 = arith.constant 16 : i32
    %div3A_42 = vector.broadcast %jit3A_41 : i32 to vector<512x128xi32>
    %div3A_43 = arith.divsi %iota3A_39, %div3A_42 : vector<512x128xi32>
    %sign3A_44 = arith.constant 0 : i32
    %sign3A_45 = vector.broadcast %sign3A_44 : i32 to vector<512x128xi32>
    %sign3A_46 = arith.cmpi sgt, %iota3A_39, %sign3A_45 : vector<512x128xi32>
    %sign3A_47 = arith.extui %sign3A_46 : vector<512x128xi1> to vector<512x128xi32>
    %sign3A_48 = arith.constant 0 : i32
    %sign3A_49 = vector.broadcast %sign3A_48 : i32 to vector<512x128xi32>
    %sign3A_50 = arith.cmpi slt, %iota3A_39, %sign3A_49 : vector<512x128xi32>
    %sign3A_51 = arith.extui %sign3A_50 : vector<512x128xi1> to vector<512x128xi32>
    %sign3A_52 = arith.subi %sign3A_47, %sign3A_51 : vector<512x128xi32>
    %sign3A_53 = arith.constant 0 : i32
    %sign3A_54 = arith.cmpi sgt, %jit3A_41, %sign3A_53 : i32
    %sign3A_55 = arith.extui %sign3A_54 : i1 to i32
    %sign3A_56 = arith.constant 0 : i32
    %sign3A_57 = arith.cmpi slt, %jit3A_41, %sign3A_56 : i32
    %sign3A_58 = arith.extui %sign3A_57 : i1 to i32
    %sign3A_59 = arith.subi %sign3A_55, %sign3A_58 : i32
    %ne3A_60 = vector.broadcast %sign3A_59 : i32 to vector<512x128xi32>
    %ne3A_61 = arith.cmpi ne, %sign3A_52, %ne3A_60 : vector<512x128xi32>
    %rem3A_62 = vector.broadcast %jit3A_41 : i32 to vector<512x128xi32>
    %rem3A_63 = arith.remsi %iota3A_39, %rem3A_62 : vector<512x128xi32>
    %ne3A_64 = arith.constant 0 : i32
    %ne3A_65 = vector.broadcast %ne3A_64 : i32 to vector<512x128xi32>
    %ne3A_66 = arith.cmpi ne, %rem3A_63, %ne3A_65 : vector<512x128xi32>
    %and3A_67 = arith.andi %ne3A_61, %ne3A_66 : vector<512x128xi1>
    %sub3A_68 = arith.constant 1 : i32
    %sub3A_69 = vector.broadcast %sub3A_68 : i32 to vector<512x128xi32>
    %sub3A_70 = arith.subi %div3A_43, %sub3A_69 : vector<512x128xi32>
    %select_n3A_71 = arith.select %and3A_67, %sub3A_70, %div3A_43 : vector<512x128xi1>, vector<512x128xi32>
    %jit3A_72 = arith.constant 8 : i32
    %eq3A_73 = arith.constant 0 : i32
    %eq3A_74 = arith.cmpi eq, %jit3A_72, %eq3A_73 : i32
    %jit3A_75 = arith.constant 1 : i32
    %select_n3A_76 = arith.select %eq3A_74, %jit3A_75, %jit3A_72 : i32
    %rem3A_77 = vector.broadcast %select_n3A_76 : i32 to vector<512x128xi32>
    %rem3A_78 = arith.remsi %iota3A_40, %rem3A_77 : vector<512x128xi32>
    %ne3A_79 = arith.constant 0 : i32
    %ne3A_80 = vector.broadcast %ne3A_79 : i32 to vector<512x128xi32>
    %ne3A_81 = arith.cmpi ne, %rem3A_78, %ne3A_80 : vector<512x128xi32>
    %lt3A = arith.constant 0 : i32
    %lt3A_82 = vector.broadcast %lt3A : i32 to vector<512x128xi32>
    %lt3A_83 = arith.cmpi slt, %rem3A_78, %lt3A_82 : vector<512x128xi32>
    %lt3A_84 = arith.constant 0 : i32
    %lt3A_85 = arith.cmpi slt, %select_n3A_76, %lt3A_84 : i32
    %ne3A_86 = vector.broadcast %lt3A_85 : i1 to vector<512x128xi1>
    %ne3A_87 = vector.broadcast %ne3A_86 : vector<512x128xi1> to vector<512x128xi1>
    %ne3A_88 = arith.xori %lt3A_83, %ne3A_87 : vector<512x128xi1>
    %and3A_89 = arith.andi %ne3A_88, %ne3A_81 : vector<512x128xi1>
    %add3A = vector.broadcast %select_n3A_76 : i32 to vector<512x128xi32>
    %add3A_90 = arith.addi %rem3A_78, %add3A : vector<512x128xi32>
    %select_n3A_91 = arith.select %and3A_89, %add3A_90, %rem3A_78 : vector<512x128xi1>, vector<512x128xi32>
    %eq3A_92 = arith.cmpi eq, %select_n3A_71, %select_n3A_91 : vector<512x128xi32>
    %jit3A_93 = arith.constant 1.000000e+00 : f32
    %jit3A_94 = arith.constant 0.000000e+00 : f32
    %broadcast_in_dim3A_95 = vector.broadcast %jit3A_93 : f32 to vector<512x128xf32>
    %broadcast_in_dim3A_96 = vector.broadcast %jit3A_94 : f32 to vector<512x128xf32>
    %select_n3A_97 = arith.select %eq3A_92, %broadcast_in_dim3A_95, %broadcast_in_dim3A_96 : vector<512x128xi1>, vector<512x128xf32>
    %mul3A = arith.mulf %dot_general3A_38, %select_n3A_97 : vector<512x128xf32>
    %reduce_sum3A_98 = arith.constant dense<0.000000e+00> : vector<512xf32>
    %reduce_sum3A_99 = vector.multi_reduction <add>, %mul3A, %reduce_sum3A_98 [1] : vector<512x128xf32> to vector<512xf32>
    %broadcast_in_dim3A_100 = vector.shape_cast %reduce_sum3A_99 : vector<512xf32> to vector<512x1xf32>
    %div3A_101 = arith.constant 1.600000e+01 : f32
    %div3A_102 = vector.broadcast %div3A_101 : f32 to vector<512x1xf32>
    %div3A_103 = arith.divf %broadcast_in_dim3A_100, %div3A_102 : vector<512x1xf32>
    %max3A = arith.constant 1.000000e+00 : f32
    %max3A_104 = vector.broadcast %max3A : f32 to vector<512x1xf32>
    %max3A_105 = arith.maximumf %div3A_103, %max3A_104 : vector<512x1xf32>
    %div3A_106 = vector.broadcast %max3A_105 : vector<512x1xf32> to vector<512x128xf32>
    %div3A_107 = arith.divf %reduce_sum3A_3, %div3A_106 : vector<512x128xf32>
    %get3A_108 = arith.constant 0 : index
    %get3A_109 = arith.constant 0 : index
    %get3A_110 = vector.load %arg3[%get3A_108, %get3A_109] : memref<10x128xf32, #tpu.memory_space<vmem>>, vector<10x128xf32>
    %dot_general3A_111 = arith.constant dense<0.000000e+00> : vector<512x10xf32>
    %dot_general3A_112 = tpu.matmul %div3A_107, %get3A_110, %dot_general3A_111 {dimension_numbers = #tpu.dot_dimension_numbers<[1], [1], [0], [0], [0, 0, 1, 0], [], []>, transpose_lhs_hint = false} : vector<512x128xf32>, vector<10x128xf32>, vector<512x10xf32> -> vector<512x10xf32>
    %get3A_113 = arith.constant 0 : index
    %get3A_114 = arith.constant 0 : index
    %get3A_115 = vector.load %arg4[%get3A_113, %get3A_114] : memref<1x10xf32, #tpu.memory_space<vmem>>, vector<1x10xf32>
    %add3A_116 = vector.broadcast %get3A_115 : vector<1x10xf32> to vector<512x10xf32>
    %add3A_117 = arith.addf %dot_general3A_112, %add3A_116 : vector<512x10xf32>
    %swap3A = arith.constant 0 : index
    %swap3A_118 = arith.constant 0 : index
    %swap3A_119 = vector.load %arg5[%swap3A, %swap3A_118] : memref<512x10xf32, #tpu.memory_space<vmem>>, vector<512x10xf32>
    tpu.vector_store %arg5[%swap3A, %swap3A_118], %add3A_117 {strides = array<i32>} : memref<512x10xf32, #tpu.memory_space<vmem>>, vector<512x10xf32>,
    return
  }
  func.func @transform_0(%arg0: i32) -> (i32, i32, i32) {
    %c0_i32 = arith.constant 0 : i32
    %c0_i32_0 = arith.constant 0 : i32
    %c0_i32_1 = arith.constant 0 : i32
    %c0_i32_2 = arith.constant 0 : i32
    return %c0_i32, %c0_i32_0, %c0_i32_1 : i32, i32, i32
  }
  func.func @transform_1(%arg0: i32) -> (i32, i32, i32) {
    %c0_i32 = arith.constant 0 : i32
    %c0_i32_0 = arith.constant 0 : i32
    %c0_i32_1 = arith.constant 0 : i32
    %c0_i32_2 = arith.constant 0 : i32
    return %c0_i32, %c0_i32_0, %c0_i32_1 : i32, i32, i32
  }
  func.func @transform_2(%arg0: i32) -> (i32, i32) {
    %c0_i32 = arith.constant 0 : i32
    %c0_i32_0 = arith.constant 0 : i32
    %c0_i32_1 = arith.constant 0 : i32
    return %c0_i32, %c0_i32_0 : i32, i32
  }
  func.func @transform_3(%arg0: i32) -> (i32, i32) {
    %c0_i32 = arith.constant 0 : i32
    %c0_i32_0 = arith.constant 0 : i32
    %c0_i32_1 = arith.constant 0 : i32
    return %c0_i32, %c0_i32_0 : i32, i32
  }
  func.func @transform_4(%arg0: i32) -> (i32, i32) {
    %c0_i32 = arith.constant 0 : i32
    %c0_i32_0 = arith.constant 0 : i32
    %c0_i32_1 = arith.constant 0 : i32
    return %c0_i32, %c0_i32_0 : i32, i32
  }
}

</mosaic_0001>

<sc_bundles>
// kernel: kernel.4.cloned.1.call-start
scs
__scs_entry_jumppad:
0x0: {  	(pc) =	sbr.rel $0x88, $3  }
0x1: {  	(tag) =	ssettag $0x0;
	lr =	simm.s32 $0x1  }
0x2: {  	[smem:$0x3F9D] =	sst lr;
	_ =	strace $0xD0000000  }
0x3: {  	_ = 	snop  }
0x4: {  	_ = 	snop  }
0x5: {  	_ = 	snop  }
0x6: {  	_ = 	snop  }
0x7: {  	_ = 	snop  }
__scs_overlays_trampoline_lowered:
0x8: {  	[smem:$0x3FAC] =	sst s0  }
0x9: {  	[smem:$0x3FAD] =	sst s1  }
0xa: {  	[smem:$0x3FAE] =	sst s2  }
0xb: {  	[smem:$0x3FAF] =	sst s3  }
0xc: {  	[smem:$0x3FB0] =	sst s4  }
0xd: {  	[smem:$0x3FB1] =	sst s5  }
0xe: {  	[smem:$0x3FB2] =	sst s6  }
0xf: {  	[smem:$0x3FB3] =	sst s7  }
0x10: {  	[smem:$0x3FB4] =	sst s8  }
0x11: {  	[smem:$0x3FB5] =	sst s9;
	s0 =	simm.s32 @!p0 $0x0  }
0x12: {  	s1 =	sld [smem:$0x3F9B];
	s0 =	simm.s32 @p0 $0x1  }
0x13: {  	[smem:$0x3FB6] =	sst s0;
	s0 =	simm.s32 @!p1 $0x0  }
0x14: {  	s2 =	sld [smem:$0x3F9A];
	s0 =	simm.s32 @p1 $0x1  }
0x15: {  	[smem:$0x3FB7] =	sst s0;
	s0 =	simm.s32 @!p2 $0x0  }
0x16: {  	s3 =	sld [smem:$0x3FDB];
	s0 =	simm.s32 @p2 $0x1  }
0x17: {  	s4 =	simm.s32 $0x1BF5;
	[smem:$0x3FB9] =	sst s0  }
0x18: {  	s0 =	sld [smem:$0x3F9C];
	_ =	swait.ge [sflag:s4], $0x0  }
0x19: {  	s7 =	sld [smem:$0x3F9D]  }
0x1a: {  	s8 =	sadd.s32 $0xFFFFE003, lr  }
0x1b: {  	s9 =	sadd.s32 $0xFFFFFEF7, lr;
	s5 =	simm.s32 $0xFFFFFFFF;
	p2 =	slt.u32 s8, $0xFFFFF086  }
0x1c: {  	p1 =	slt.u32 s9, $0xF7A;
	s5 =	simm.s32 @!p2 $0x0  }
0x1d: {  	s5 =	simm.s32 @p1 $0x1;
	p0 =	seq.s32 s7, s2  }
0x1e: {  	s7 =	smul.u32 @!p0 $0xF7A, s2;
	p2 =	seq.s32 @!p0 s5, $0x0  }
0x1f: {  	s9 =	smul.u32 $0xF7A, s1;
	s8 =	simm.s32 @!p0 $0x1BF5;
	p2 =	por !p2, p0  }
0x20: {  	[sflag:s8] =	ssyncset.s32 @!p0 $0xFFFFF086;
	s6 =	sadd.s32 @!p0 s3, s7;
	s7 =	simm.s32 @!p0 $0x108  }
0x21: {  	s3 =	sadd.s32 s3, s9;
	s6 =	sadd.s32 @!p0 $0x88, s6;
	s7 =	simm.s32 @p2 $0x1082  }
0x22: {  	[simem:s7], [sflag:s8] =	dma.local @!p0 [hbm:s6], $0xF7A  }
0x23: {  	s9 =	sor.u32 $0xD0000000, s2;
	s6 =	simm.s32 $0x108;
	_ =	swait.ge @!p0 [sflag:s8], $0x0  }
0x24: {  	s3 =	sadd.s32 $0x88, s3;
	s6 =	simm.s32 @!p1 $0x1082;
	[sflag:s4] =	ssyncset.s32 $0xFFFFF086  }
0x25: {  	[simem:s6], [sflag:s4] =	dma.local [hbm:s3], $0xF7A  }
0x26: {  	[smem:$0x3F9D] =	sst s1;
	(tag) =	ssettag s2;
	_ =	strace s9  }
0x27: {  	s1 =	sld [smem:$0x3FAD]  }
0x28: {  	s2 =	sld [smem:$0x3FAE]  }
0x29: {  	s4 =	sld [smem:$0x3FB0]  }
0x2a: {  	p0 =	seq.s32 s5, $0x0;
	s5 =	sld [smem:$0x3FB1]  }
0x2b: {  	s6 =	sld [smem:$0x3FB2]  }
0x2c: {  	s7 =	sld [smem:$0x3FB3]  }
0x2d: {  	s3 =	simm.s32 $0x108;
	s8 =	sld [smem:$0x3FB4]  }
0x2e: {  	s3 =	simm.s32 @!p0 $0x1082;
	s9 =	sld [smem:$0x3FB5]  }
0x2f: {  	lr =	sadd.s32 s0, s3;
	s0 =	sld [smem:$0x3FAC]  }
0x30: {  	s3 =	sld [smem:$0x3FAF]  }
0x31: {  	[smem:$0x3FB8] =	sst s10  }
0x32: {  	s10 =	sld [smem:$0x3FB6];
	_ =	sdelay $0x3  }
0x33: {  	p0 =	seq.s32 s10, $0x1;
	s10 =	sld [smem:$0x3FB8];
	_ =	sdelay $0x3  }
0x34: {  	[smem:$0x3FB8] =	sst s10  }
0x35: {  	s10 =	sld [smem:$0x3FB7];
	_ =	sdelay $0x3  }
0x36: {  	p1 =	seq.s32 s10, $0x1;
	s10 =	sld [smem:$0x3FB8];
	_ =	sdelay $0x3  }
0x37: {  	[smem:$0x3FB8] =	sst s10  }
0x38: {  	s10 =	sld [smem:$0x3FB9]  }
0x39: {  	_ = 	snop;
	(pc) =	sbr.ind lr, $3  }
0x3a: {  	_ = 	snop  }
0x3b: {  	_ = 	snop  }
0x3c: {  	p2 =	seq.s32 s10, $0x1;
	s10 =	sld [smem:$0x3FB8]  }
0x3d: {  	_ =	shalt  }
0x3e: {  	_ =	shalt  }
0x3f: {  	_ =	shalt  }
0x40: {  	_ =	shalt  }
0x41: {  	_ =	shalt  }
0x42: {  	_ =	shalt  }
0x43: {  	_ =	shalt  }
0x44: {  	_ =	shalt  }
0x45: {  	_ =	shalt  }
0x46: {  	_ =	shalt  }
0x47: {  	_ =	shalt  }
0x48: {  	_ =	shalt  }
0x49: {  	_ =	shalt  }
0x4a: {  	_ =	shalt  }
0x4b: {  	_ =	shalt  }
0x4c: {  	_ =	shalt  }
0x4d: {  	_ =	shalt  }
0x4e: {  	_ =	shalt  }
0x4f: {  	_ =	shalt  }
0x50: {  	_ =	shalt  }
0x51: {  	_ =	shalt  }
0x52: {  	_ =	shalt  }
0x53: {  	_ =	shalt  }
0x54: {  	_ =	shalt  }
0x55: {  	_ =	shalt  }
0x56: {  	_ =	shalt  }
0x57: {  	_ =	shalt  }
0x58: {  	_ =	shalt  }
0x59: {  	_ =	shalt  }
0x5a: {  	_ =	shalt  }
0x5b: {  	_ =	shalt  }
0x5c: {  	_ =	shalt  }
0x5d: {  	_ =	shalt  }
0x5e: {  	_ =	shalt  }
0x5f: {  	_ =	shalt  }
0x60: {  	_ =	shalt  }
0x61: {  	_ =	shalt  }
0x62: {  	_ =	shalt  }
0x63: {  	_ =	shalt  }
0x64: {  	_ =	shalt  }
0x65: {  	_ =	shalt  }
0x66: {  	_ =	shalt  }
0x67: {  	_ =	shalt  }
0x68: {  	_ =	shalt  }
0x69: {  	_ =	shalt  }
0x6a: {  	_ =	shalt  }
0x6b: {  	_ =	shalt  }
0x6c: {  	_ =	shalt  }
0x6d: {  	_ =	shalt  }
0x6e: {  	_ =	shalt  }
0x6f: {  	_ =	shalt  }
0x70: {  	_ =	shalt  }
0x71: {  	_ =	shalt  }
0x72: {  	_ =	shalt  }
0x73: {  	_ =	shalt  }
0x74: {  	_ =	shalt  }
0x75: {  	_ =	shalt  }
0x76: {  	_ =	shalt  }
0x77: {  	_ =	shalt  }
0x78: {  	_ =	shalt  }
0x79: {  	_ =	shalt  }
0x7a: {  	_ =	shalt  }
0x7b: {  	_ =	shalt  }
0x7c: {  	_ =	shalt  }
0x7d: {  	_ =	shalt  }
0x7e: {  	_ =	shalt  }
0x7f: {  	_ =	shalt  }
0x80: {  	_ =	shalt  }
0x81: {  	_ =	shalt  }
0x82: {  	_ =	shalt  }
0x83: {  	_ =	shalt  }
0x84: {  	_ =	shalt  }
0x85: {  	_ =	shalt  }
0x86: {  	_ =	shalt  }
0x87: {  	_ =	shalt  }
.Lfunc_end0:
.L_simem_size_0:
called_computation_lowered:
.L_overlay_start_0:
0x88: {  	s2 =	sld [smem:$0x3FD9]  }
0x89: {  	s3 =	sld [smem:$0x3FFE];
	_ =	sdelay $0x1  }
0x8a: {  	s1 =	srdreg.scid  }
0x8b: {  	s0 =	sand.u32 $0x1, s1  }
0x8c: {  	s17 =	sshll.u32 s0, $0xA;
	s2 =	sadd.s32 s3, s2  }
0x8d: {  	s2 =	sadd.s32 s2, s17  }
0x8e: {  	[smem:$0x3FC4] =	sst s2  }
0x8f: {  	_ = 	snop  }
0x90: {  	s2 =	sld [smem:$0x3FC9]  }
0x91: {  	s18 =	sld [smem:$0x3FC8];
	(tm) =	ssettm $0x1  }
0x92: {  	s4 =	sld [smem:$0x3FFB];
	_ =	sdelay $0x3  }
0x93: {  	_ =	strace s4  }
0x94: {  	s4 =	sld [smem:$0x3FFC];
	_ =	sdelay $0x3  }
0x95: {  	_ =	strace s4  }
0x96: {  	s4 =	sld [smem:$0x3FFD];
	_ =	sdelay $0x3  }
0x97: {  	_ =	strace s4  }
0x98: {  	_ =	strace $0x8FFFFFFF  }
0x99: {  	s19 =	sld [smem:$0x3FDB];
	_ =	sdelay $0x1  }
0x9a: {  	s5 =	simm.s32 $_scs_section_size  }
0x9b: {  	s6 =	simm.s32 $_size__tile_overlayer_lowered;
	s7 =	simm.s32 $_tile_overlayer_lowered  }
0x9c: {  	s22 =	simm.s32 $0x1BFF;
	s21 =	sshll.u32 s7, $0x1;
	s4 =	sadd.s32 s5, s19  }
0x9d: {  	s8 =	simm.s32 $0x0;
	s20 =	sshll.u32 s6, $0x1;
	s6 =	sadd.s32 s21, s4  }
0x9e: {  	[timem:s8], [sflag:s22] =	dma.local [hbm:s6], s20  }
0x9f: {  	_ =	swait.ge [sflag:s22], s20  }
0xa0: {  	s5 =	ssub.s32 $0x0, s20;
	[sflag:s22] =	ssyncset.done $0x0  }
0xa1: {  	[sflag:s22] =	ssyncadd.s32 s5;
	_ =	sdelay $0x1  }
0xa2: {  	s23 =	simm.s32 $0x1B8B  }
0xa3: {  	_ =	swait.ge [sflag:s23], $0x1  }
0xa4: {  	[sflag:s23] =	ssyncset.done $0x0  }
0xa5: {  	s25 =	simm.s32 $0x1B8E;
	s24 =	sld [smem:$0x3FFE];
	[sflag:s23] =	ssyncadd.s32 $0xFFFFFFFF  }
0xa6: {  	s26 =	simm.s32 $execute0_lowered;
	[smem:$0x3FD2] =	sst s25  }
0xa7: {  	s6 =	sshll.u32 s26, $0x1;
	_ =	strace $0x80000046;
	[dreg:$0x1] =	wrdreg $0xFFFFFFFF  }
0xa8: {  	s28 =	simm.s32 $_size_execute0_lowered;
	s4 =	sadd.s32 s4, s6;
	[dreg:$0x0] =	wrdreg $0x0  }
0xa9: {  	s6 =	sshll.u32 s28, $0x1;
	[dreg:$0x2] =	wrdreg s4  }
0xaa: {  	[dreg:$0x3] =	wrdreg s6  }
0xab: {  	[dreg:$0x4] =	wrdreg $0xC0  }
0xac: {  	_ =	task [dreg:s8], $0x5FFFF  }
0xad: {  	[dreg:$0x1] =	wrdreg $0xFFFFFFFF  }
0xae: {  	[dreg:$0x0] =	wrdreg $0x60  }
0xaf: {  	[dreg:$0x2] =	wrdreg s2  }
0xb0: {  	[dreg:$0x3] =	wrdreg s18  }
0xb1: {  	[dreg:$0x4] =	wrdreg s24  }
0xb2: {  	[dreg:$0x5] =	wrdreg $0x1D8000  }
0xb3: {  	[dreg:$0x6] =	wrdreg $0x9  }
0xb4: {  	_ =	task.clear_ibuf [dreg:s8], $0x7FFFF;
	_ =	strace $0x90000046  }
0xb5: {  	s29 =	simm.s32 $0x9;
	_ =	strace $0x80000048  }
0xb6: {  	_ =	swait.ge [sflag:s29], $0x1  }
0xb7: {  	[sflag:s29] =	ssyncadd.s32 $0xFFFFFFFF  }
0xb8: {  	_ =	strace $0x90000048  }
0xb9: {  	_ =	sfence  }
0xba: {  	s30 =	sld [smem:$0x0];
	_ =	sdelay $0x2  }
0xbb: {  	s31 =	sshll.u32 s1, $0xD;
	s1 =	sshrl.u32 s1, $0x2  }
0xbc: {  	s3 =	sand.u32 $0x4000, s31;
	s1 =	sadd.s32 s1, s30  }
0xbd: {  	s0 =	sor.u32 s3, s0;
	s1 =	sshll.u32 s1, $0x11  }
0xbe: {  	s0 =	sor.u32 s1, s0  }
0xbf: {  	s0 =	sadd.s32 $0x8F2B, s0  }
0xc0: {  	[sflag:s0] =	ssyncadd.remote.s32 $0x1  }
0xc1: {  	_ =	sfence.sel $0xFFFF  }
0xc2: {  	[dreg:$0x0] =	wrdreg $0xFFFFFFFF;
	(pc) =	sbr.abs _section_cstart, $3  }
0xc3: {  	[dreg:$0x1] =	wrdreg $0xFFFFFFFF  }
0xc4: {  	_ =	task.clear_ibuf [dreg:s8], $0x2FFFF;
	_ =	strace $0x9FFFFFFF  }
0xc5: {  	(tm) =	ssettm $0x7FFFFFFF  }
tec
execute0_lowered:
.L_overlay_start_1:
0x0: {  	(tag) =	ssettag $0x1  }
0x1: {  	s1 =	rddreg [dreg:$0x0]  }
0x2: {  	s2 =	rddreg [dreg:$0x1]  }
0x3: {  	s0 =	rddreg [dreg:$0x2]  }
0x4: {  	s3 =	rddreg [dreg:$0x3]  }
0x5: {  	s4 =	srdreg.scid;
	s5 =	simm.s32 $0x0;
	s6 =	stileid.u32  }
0x6: {  	s13 =	simm.s32 $0x8;
	[smem:$0x7FF] =	sst s5;
	s16 =	sadd.s32 $0x2000, s3  }
0x7: {  	s17 =	sadd.s32 $0x4000, s3;
	_ =	strace $0x80000047;
	[dreg:$0x5] =	wrdreg s16  }
0x8: {  	s30 =	simm.s32 $0x1;
	s18 =	sadd.s32 $0x6000, s3;
	[dreg:$0x6] =	wrdreg s17  }
0x9: {  	s31 =	simm.s32 $0x50;
	s19 =	sadd.s32 $0x8000, s3;
	[dreg:$0x7] =	wrdreg s18  }
0xa: {  	s4 =	sand.u32 $0x1, s4;
	s20 =	sadd.s32 $0xA000, s3;
	[dreg:$0x8] =	wrdreg s19  }
0xb: {  	s22 =	sadd.s32 $0xC000, s3;
	s23 =	sadd.s32 $0xE000, s3;
	[dreg:$0x9] =	wrdreg s20  }
0xc: {  	s15 =	sshll.u32 s4, $0x4;
	s7 =	ssub.s32 $0x2, s4;
	[dreg:$0xa] =	wrdreg s22  }
0xd: {  	s4 =	sshll.u32 s4, $0xD;
	[dreg:$0xb] =	wrdreg s23;
	s5 =	sor.u32 s6, s15  }
0xe: {  	s9 =	sshrl.u32 s7, $0x1;
	s4 =	sadd.s32 s4, s0;
	s8 =	sshll.u32 s5, $0xA  }
0xf: {  	s7 =	ssub.s32 s7, s9;
	s24 =	smul.u32 $0x1900, s5;
	s4 =	sadd.s32 $0x9000, s4  }
0x10: {  	s21 =	smul.u32 $0x190, s5;
	[dreg:$0x12] =	wrdreg s4;
	s29 =	smax.u32 s7, $0x1  }
0x11: {  	s0 =	sadd.s32 s8, s0;
	s9 =	sadd.s32 s1, s24;
	[dreg:$0x14] =	wrdreg s29  }
0x12: {  	s8 =	sshrl.u32 s21, $0x3;
	s0 =	sadd.s32 $0x1000, s0;
	[dreg:$0xc] =	wrdreg s9  }
0x13: {  	p0 =	slt.u32 s5, $0x1A;
	s8 =	sadd.s32 s2, s8;
	[dreg:$0x13] =	wrdreg s0  }
.Ltmp0:
0x14: {  	s25 =	sadd.s32 $0xA, s8;
	[dreg:$0xd] =	wrdreg s8;
	(pc) =	sbr.rel .LBB2_1-.Ltmp0, $4  }
0x15: {  	s13 =	simm.s32 @!p0 $0x7;
	s26 =	sadd.s32 $0x14, s8;
	[dreg:$0xe] =	wrdreg s25  }
0x16: {  	p0 =	sne.s32 s6, $0x0;
	s28 =	sadd.s32 $0x1E, s8;
	[dreg:$0xf] =	wrdreg s26  }
0x17: {  	s6 =	simm.s32 $0x0;
	s8 =	sadd.s32 $0x28, s8;
	[dreg:$0x10] =	wrdreg s28  }
0x18: {  	v0 =	vimm.f32 $0.0e+00;
	v1 =	vimm.f32 $1.000000000e+00;
	s20 =	sadd.s32 $0xFFFFFFFF, s13;
	[dreg:$0x11] =	wrdreg s8;
	s8 =	simm.s32 $0x2  }
.LBB2_13:
0x19: {  	s0 =	simm.s32 $0x3  }
0x1a: {  	_ =	swait.ge [sflag:s0], $0x2800  }
0x1b: {  	[sflag:s0] =	ssyncset.done $0x0  }
0x1c: {  	[sflag:s0] =	ssyncadd.s32 $0xFFFFD800  }
0x1d: {  	_ =	swait.ge [sflag:s0], $0x2800  }
0x1e: {  	[sflag:s0] =	ssyncset.done $0x0  }
0x1f: {  	[sflag:s0] =	ssyncadd.s32 $0xFFFFD800  }
0x20: {  	_ =	swait.ge [sflag:s0], $0x2800  }
0x21: {  	[sflag:s0] =	ssyncset.done $0x0  }
0x22: {  	[sflag:s0] =	ssyncadd.s32 $0xFFFFD800  }
0x23: {  	_ =	swait.ge [sflag:s0], $0x2800  }
0x24: {  	[sflag:s0] =	ssyncset.done $0x0  }
0x25: {  	[sflag:s0] =	ssyncadd.s32 $0xFFFFD800  }
0x26: {  	_ =	swait.ge [sflag:s0], $0x2800  }
0x27: {  	[sflag:s0] =	ssyncset.done $0x0  }
0x28: {  	s22 =	simm.s32 $0x4;
	[sflag:s0] =	ssyncadd.s32 $0xFFFFD800  }
0x29: {  	_ =	swait.ge [sflag:s22], $0x2800  }
0x2a: {  	[sflag:s22] =	ssyncset.done $0x0  }
0x2b: {  	[sflag:s22] =	ssyncadd.s32 $0xFFFFD800  }
0x2c: {  	_ =	swait.ge [sflag:s22], $0x2800  }
0x2d: {  	[sflag:s22] =	ssyncset.done $0x0  }
0x2e: {  	[sflag:s22] =	ssyncadd.s32 $0xFFFFD800  }
0x2f: {  	_ =	swait.ge [sflag:s22], $0x2800  }
0x30: {  	[sflag:s22] =	ssyncset.done $0x0  }
0x31: {  	[sflag:s22] =	ssyncadd.s32 $0xFFFFD800  }
0x32: {  	_ =	swait.ge [sflag:s22], $0x2800  }
0x33: {  	[sflag:s22] =	ssyncset.done $0x0  }
0x34: {  	[sflag:s22] =	ssyncadd.s32 $0xFFFFD800  }
0x35: {  	_ =	swait.ge [sflag:s22], $0x2800  }
0x36: {  	[sflag:s22] =	ssyncset.done $0x0  }
0x37: {  	[sflag:s22] =	ssyncadd.s32 $0xFFFFD800  }
0x38: {  	[bflag:$0x0] =	sbarrier.arrive $0xFFFF  }
0x39: {  	s4 =	simm.s32 @!p0 $0x1C05;
	s0 =	sshrl.u32 @!p0 s3, $0x3;
	s6 =	rddreg [dreg:$0x12]  }
0x3a: {  	[hbm:s6], [sflag:s4] =	dma.local @!p0 [spmem:s0], $0x2000  }
0x3b: {  	s0 =	simm.s32 @!p0 $0x5  }
0x3c: {  	_ =	swait.ge @!p0 [sflag:s0], $0x2000  }
0x3d: {  	s23 =	simm.s32 $0x0;
	s25 =	simm.s32 $0x19800;
	[sflag:s0] =	ssyncset.done @!p0 $0x0  }
0x3e: {  	s26 =	simm.s32 $0x5;
	s24 =	rddreg [dreg:$0x13];
	[sflag:s0] =	ssyncadd.s32 @!p0 $0xFFFFE000  }
0x3f: {  	[hbm4b:s24+s23] =	stream.linear.scatter [tilespmem:s25], [sflag:$0x5], $0x2000, $0x38;
	[tilespmem:$0x1E800] =	vst v63  }
0x40: {  	_ =	swait.ge [sflag:s26], $0x2000  }
0x41: {  	s28 =	rddreg [dreg:$0x15]  }
0x42: {  	s29 =	rddreg [dreg:$0x14];
	s6 =	sadd.s32 $0x1, s28  }
0x43: {  	p1 =	sne.s32 s6, s29  }
.Ltmp1:
0x44: {  	_ = 	snop;
	(pc) =	sbr.rel @!p1 .LBB2_14-.Ltmp1, $3  }
0x45: {  	_ =	sdelay $0x1  }
0x46: {  	[sflag:s26] =	ssyncset.done $0x0  }
0x47: {  	[sflag:s26] =	ssyncadd.s32 $0xFFFFE000  }
.LBB2_1:
0x48: {  	s0 =	simm.s32 $0x0;
	s4 =	simm.s32 $0x200  }
.LBB2_2:
0x49: {  	p1 =	sne.s32 s4, $0x7E00;
	[tilespmem:s0+$0x19870] =	vst v0  }
0x4a: {  	[tilespmem:s0+$0x19800] =	vst v0  }
0x4b: {  	[tilespmem:s0+$0x19810] =	vst v0  }
.Ltmp2:
0x4c: {  	[tilespmem:s0+$0x19820] =	vst v0;
	(pc) =	sbr.rel @p1 .LBB2_2-.Ltmp2, $4  }
0x4d: {  	[tilespmem:s0+$0x19830] =	vst v0  }
0x4e: {  	[tilespmem:s0+$0x19840] =	vst v0  }
0x4f: {  	[tilespmem:s0+$0x19850] =	vst v0  }
0x50: {  	[tilespmem:s0+$0x19860] =	vst v0;
	s0 =	sshra.s32 s4, $0x2;
	s4 =	sadd.s32 $0x200, s4  }
0x51: {  	[tilespmem:s0+$0x19870] =	vst v0  }
0x52: {  	[tilespmem:s0+$0x19800] =	vst v0  }
0x53: {  	[tilespmem:s0+$0x19810] =	vst v0  }
0x54: {  	[tilespmem:s0+$0x19820] =	vst v0  }
0x55: {  	[tilespmem:s0+$0x19830] =	vst v0  }
0x56: {  	[tilespmem:s0+$0x19840] =	vst v0  }
0x57: {  	[tilespmem:s0+$0x19850] =	vst v0  }
0x58: {  	[dreg:$0x15] =	wrdreg s6;
	[tilespmem:s0+$0x19860] =	vst v0;
	s0 =	simm.s32 $0x0;
	s4 =	simm.s32 $0x200  }
.LBB2_4:
0x59: {  	p1 =	sne.s32 s4, $0x7E00;
	[tilespmem:s0+$0x1B870] =	vst v0  }
0x5a: {  	[tilespmem:s0+$0x1B800] =	vst v0  }
0x5b: {  	[tilespmem:s0+$0x1B810] =	vst v0  }
.Ltmp3:
0x5c: {  	[tilespmem:s0+$0x1B820] =	vst v0;
	(pc) =	sbr.rel @p1 .LBB2_4-.Ltmp3, $4  }
0x5d: {  	[tilespmem:s0+$0x1B830] =	vst v0  }
0x5e: {  	[tilespmem:s0+$0x1B840] =	vst v0  }
0x5f: {  	[tilespmem:s0+$0x1B850] =	vst v0  }
0x60: {  	[tilespmem:s0+$0x1B860] =	vst v0;
	s0 =	sshra.s32 s4, $0x2;
	s4 =	sadd.s32 $0x200, s4  }
0x61: {  	[tilespmem:s0+$0x1B870] =	vst v0  }
0x62: {  	[tilespmem:s0+$0x1B800] =	vst v0  }
0x63: {  	[tilespmem:s0+$0x1B810] =	vst v0  }
0x64: {  	[tilespmem:s0+$0x1B820] =	vst v0  }
0x65: {  	[tilespmem:s0+$0x1B830] =	vst v0  }
0x66: {  	[tilespmem:s0+$0x1B840] =	vst v0  }
0x67: {  	[tilespmem:s0+$0x1B850] =	vst v0  }
0x68: {  	[tilespmem:s0+$0x1B860] =	vst v0;
	s0 =	simm.s32 @!p0 $0x1B800;
	s4 =	simm.s32 @!p0 $0x5  }
0x69: {  	[spmem:s3] =	stream.linear.scatter @!p0 [tilespmem:s0], [sflag:$0x5], $0x2000, $0x38;
	[tilespmem:$0x1E800] =	vst v63  }
0x6a: {  	_ =	swait.ge @!p0 [sflag:s4], $0x2000  }
0x6b: {  	[sflag:s4] =	ssyncset.done @!p0 $0x0  }
0x6c: {  	s6 =	rddreg [dreg:$0x5];
	[sflag:s4] =	ssyncadd.s32 @!p0 $0xFFFFE000  }
0x6d: {  	[spmem:s6] =	stream.linear.scatter @!p0 [tilespmem:s0], [sflag:$0x5], $0x2000, $0x38;
	[tilespmem:$0x1E800] =	vst v63  }
0x6e: {  	_ =	swait.ge @!p0 [sflag:s4], $0x2000  }
0x6f: {  	[sflag:s4] =	ssyncset.done @!p0 $0x0  }
0x70: {  	s6 =	rddreg [dreg:$0x6];
	[sflag:s4] =	ssyncadd.s32 @!p0 $0xFFFFE000  }
0x71: {  	[spmem:s6] =	stream.linear.scatter @!p0 [tilespmem:s0], [sflag:$0x5], $0x2000, $0x38;
	[tilespmem:$0x1E800] =	vst v63  }
0x72: {  	_ =	swait.ge @!p0 [sflag:s4], $0x2000  }
0x73: {  	[sflag:s4] =	ssyncset.done @!p0 $0x0  }
0x74: {  	s6 =	rddreg [dreg:$0x7];
	[sflag:s4] =	ssyncadd.s32 @!p0 $0xFFFFE000  }
0x75: {  	[spmem:s6] =	stream.linear.scatter @!p0 [tilespmem:s0], [sflag:$0x5], $0x2000, $0x38;
	[tilespmem:$0x1E800] =	vst v63  }
0x76: {  	_ =	swait.ge @!p0 [sflag:s4], $0x2000  }
0x77: {  	[sflag:s4] =	ssyncset.done @!p0 $0x0  }
0x78: {  	s6 =	rddreg [dreg:$0x8];
	[sflag:s4] =	ssyncadd.s32 @!p0 $0xFFFFE000  }
0x79: {  	[spmem:s6] =	stream.linear.scatter @!p0 [tilespmem:s0], [sflag:$0x5], $0x2000, $0x38;
	[tilespmem:$0x1E800] =	vst v63  }
0x7a: {  	_ =	swait.ge @!p0 [sflag:s4], $0x2000  }
0x7b: {  	[sflag:s4] =	ssyncset.done @!p0 $0x0  }
0x7c: {  	s6 =	rddreg [dreg:$0x9];
	[sflag:s4] =	ssyncadd.s32 @!p0 $0xFFFFE000  }
0x7d: {  	[spmem:s6] =	stream.linear.scatter @!p0 [tilespmem:s0], [sflag:$0x5], $0x2000, $0x38;
	[tilespmem:$0x1E800] =	vst v63  }
0x7e: {  	_ =	swait.ge @!p0 [sflag:s4], $0x2000  }
0x7f: {  	[sflag:s4] =	ssyncset.done @!p0 $0x0  }
0x80: {  	s6 =	rddreg [dreg:$0xa];
	[sflag:s4] =	ssyncadd.s32 @!p0 $0xFFFFE000  }
0x81: {  	[spmem:s6] =	stream.linear.scatter @!p0 [tilespmem:s0], [sflag:$0x5], $0x2000, $0x38;
	[tilespmem:$0x1E800] =	vst v63  }
0x82: {  	_ =	swait.ge @!p0 [sflag:s4], $0x2000  }
0x83: {  	[sflag:s4] =	ssyncset.done @!p0 $0x0  }
0x84: {  	s6 =	rddreg [dreg:$0xb];
	[sflag:s4] =	ssyncadd.s32 @!p0 $0xFFFFE000  }
0x85: {  	[spmem:s6] =	stream.linear.scatter @!p0 [tilespmem:s0], [sflag:$0x5], $0x2000, $0x38;
	[tilespmem:$0x1E800] =	vst v63  }
0x86: {  	_ =	swait.ge @!p0 [sflag:s4], $0x2000  }
0x87: {  	[sflag:s4] =	ssyncset.done @!p0 $0x0  }
0x88: {  	[sflag:s4] =	ssyncadd.s32 @!p0 $0xFFFFE000  }
0x89: {  	[bflag:$0x0] =	sbarrier.arrive $0xFFFF  }
0x8a: {  	s15 =	simm.s32 $0x0;
	s17 =	rddreg [dreg:$0xc]  }
0x8b: {  	[tilespmem:s15], [sflag:$0x1] =	stream.linear.gather [hbm4b:s17+s15], $0xC800, $0x38;
	[tilespmem:$0x1E800] =	vst v63  }
0x8c: {  	s19 =	simm.s32 $0x19000;
	s18 =	rddreg [dreg:$0xd]  }
0x8d: {  	[tilespmem:s19], [sflag:$0x1] =	stream.linear.gather [hbm4b:s18+s15], $0x50, $0x38;
	[tilespmem:$0x1E800] =	vst v63  }
0x8e: {  	s22 =	simm.s32 $0x19080;
	s21 =	rddreg [dreg:$0xe]  }
0x8f: {  	[tilespmem:s22], [sflag:$0x1] =	stream.linear.gather [hbm4b:s21+s15], $0x50, $0x38;
	[tilespmem:$0x1E800] =	vst v63  }
0x90: {  	s24 =	simm.s32 $0x19100;
	s23 =	rddreg [dreg:$0xf]  }
0x91: {  	[tilespmem:s24], [sflag:$0x1] =	stream.linear.gather [hbm4b:s23+s15], $0x50, $0x38;
	[tilespmem:$0x1E800] =	vst v63  }
.Ltmp4:
0x92: {  	_ = 	snop;
	(pc) =	sbr.rel .LBB2_6-.Ltmp4, $4  }
0x93: {  	s26 =	simm.s32 $0x19180;
	s25 =	rddreg [dreg:$0x10]  }
0x94: {  	[tilespmem:s26], [sflag:$0x1] =	stream.linear.gather [hbm4b:s25+s15], $0x50, $0x38;
	[tilespmem:$0x1E800] =	vst v63  }
0x95: {  	s29 =	simm.s32 $0x19200;
	s28 =	rddreg [dreg:$0x11]  }
0x96: {  	[tilespmem:s29], [sflag:$0x1] =	stream.linear.gather [hbm4b:s28+s15], $0x50, $0x38;
	[tilespmem:$0x1E800] =	vst v63  }
.LBB2_12:
0x97: {  	s15 =	sadd.s32 $0x1, s15  }
0x98: {  	p1 =	sne.s32 s15, $0x4  }
.Ltmp5:
0x99: {  	_ = 	snop;
	(pc) =	sbr.rel @!p1 .LBB2_13-.Ltmp5, $1  }
0x9a: {  	_ =	sdelay $0x3  }
.LBB2_6:
0x9b: {  	s22 =	sshll.u32 s15, $0x1  }
0x9c: {  	p1 =	sge.u32 s22, s13  }
.Ltmp6:
0x9d: {  	_ = 	snop;
	(pc) =	sbr.rel @p1 .LBB2_9-.Ltmp6, $1  }
0x9e: {  	_ =	sdelay $0x3  }
0x9f: {  	_ =	swait.ge [sflag:s30], $0xC800  }
0xa0: {  	[sflag:s30] =	ssyncset.done $0x0  }
0xa1: {  	[sflag:s30] =	ssyncadd.s32 $0xFFFF3800  }
0xa2: {  	_ =	swait.ge [sflag:s30], $0x50  }
0xa3: {  	[sflag:s30] =	ssyncset.done $0x0  }
0xa4: {  	[sflag:s30] =	ssyncadd.s32 $0xFFFFFFB0  }
0xa5: {  	_ =	swait.ge [sflag:s30], $0x50  }
0xa6: {  	[sflag:s30] =	ssyncset.done $0x0  }
0xa7: {  	[sflag:s30] =	ssyncadd.s32 $0xFFFFFFB0  }
0xa8: {  	_ =	swait.ge [sflag:s30], $0x50  }
0xa9: {  	[sflag:s30] =	ssyncset.done $0x0  }
0xaa: {  	[sflag:s30] =	ssyncadd.s32 $0xFFFFFFB0  }
0xab: {  	_ =	swait.ge [sflag:s30], $0x50  }
0xac: {  	s0 =	sor.u32 $0x1, s22;
	[sflag:s30] =	ssyncset.done $0x0  }
0xad: {  	p1 =	sge.u32 s0, s13;
	[sflag:s30] =	ssyncadd.s32 $0xFFFFFFB0  }
0xae: {  	p2 =	seq.s32 @!p1 s15, $0x0;
	_ =	swait.ge [sflag:s30], $0x50  }
0xaf: {  	p2 =	por p2, p1;
	[sflag:s30] =	ssyncset.done $0x0  }
0xb0: {  	s4 =	simm.s32 @!p2 $0x4;
	[sflag:s30] =	ssyncadd.s32 $0xFFFFFFB0  }
0xb1: {  	_ =	swait.ge @!p2 [sflag:s4], $0x2800  }
0xb2: {  	[sflag:s4] =	ssyncset.done @!p2 $0x0  }
0xb3: {  	[sflag:s4] =	ssyncadd.s32 @!p2 $0xFFFFD800  }
0xb4: {  	_ =	swait.ge @!p2 [sflag:s4], $0x2800  }
0xb5: {  	[sflag:s4] =	ssyncset.done @!p2 $0x0  }
0xb6: {  	[sflag:s4] =	ssyncadd.s32 @!p2 $0xFFFFD800  }
0xb7: {  	_ =	swait.ge @!p2 [sflag:s4], $0x2800  }
0xb8: {  	[sflag:s4] =	ssyncset.done @!p2 $0x0  }
0xb9: {  	s0 =	sshll.u32 @!p1 s0, $0x5;
	[sflag:s4] =	ssyncadd.s32 @!p2 $0xFFFFD800  }
0xba: {  	s0 =	sor.u32 @!p1 s5, s0;
	_ =	swait.ge @!p2 [sflag:s4], $0x2800  }
0xbb: {  	s6 =	smul.u32 @!p1 $0x1900, s0;
	[sflag:s4] =	ssyncset.done @!p2 $0x0  }
0xbc: {  	s0 =	smul.u32 @!p1 $0x190, s0;
	[sflag:s4] =	ssyncadd.s32 @!p2 $0xFFFFD800  }
0xbd: {  	_ =	swait.ge @!p2 [sflag:s4], $0x2800  }
0xbe: {  	s7 =	simm.s32 @!p1 $0xC800;
	s0 =	sshrl.u32 @!p1 s0, $0x3;
	[sflag:s4] =	ssyncset.done @!p2 $0x0  }
0xbf: {  	[sflag:s4] =	ssyncadd.s32 @!p2 $0xFFFFD800;
	s4 =	sadd.s32 @!p1 s1, s6;
	s6 =	simm.s32 @!p1 $0x0  }
0xc0: {  	[tilespmem:s7], [sflag:$0x2] =	stream.linear.gather @!p1 [hbm4b:s4+s6], $0xC800, $0x38;
	[tilespmem:$0x1E800] =	vst v63  }
0xc1: {  	s0 =	sadd.s32 @!p1 s2, s0;
	s4 =	simm.s32 @!p1 $0x19400  }
0xc2: {  	[tilespmem:s4], [sflag:$0x2] =	stream.linear.gather @!p1 [hbm4b:s0+s6], $0x50, $0x38;
	[tilespmem:$0x1E800] =	vst v63  }
0xc3: {  	s7 =	simm.s32 @!p1 $0x19480;
	s4 =	sadd.s32 @!p1 $0xA, s0  }
0xc4: {  	[tilespmem:s7], [sflag:$0x2] =	stream.linear.gather @!p1 [hbm4b:s4+s6], $0x50, $0x38;
	[tilespmem:$0x1E800] =	vst v63  }
0xc5: {  	s4 =	sadd.s32 @!p1 $0x14, s0;
	s7 =	simm.s32 @!p1 $0x19500  }
0xc6: {  	[tilespmem:s7], [sflag:$0x2] =	stream.linear.gather @!p1 [hbm4b:s4+s6], $0x50, $0x38;
	[tilespmem:$0x1E800] =	vst v63  }
0xc7: {  	s4 =	sadd.s32 @!p1 $0x1E, s0;
	s7 =	simm.s32 @!p1 $0x19580  }
0xc8: {  	[tilespmem:s7], [sflag:$0x2] =	stream.linear.gather @!p1 [hbm4b:s4+s6], $0x50, $0x38;
	[tilespmem:$0x1E800] =	vst v63  }
0xc9: {  	s0 =	sadd.s32 @!p1 $0x28, s0;
	s4 =	simm.s32 @!p1 $0x19600  }
0xca: {  	[tilespmem:s4], [sflag:$0x2] =	stream.linear.gather @!p1 [hbm4b:s0+s6], $0x50, $0x38;
	[tilespmem:$0x1E800] =	vst v63  }
0xcb: {  	s23 =	simm.s32 $0x0;
	s17 =	simm.s32 $0x19000  }
0xcc: {  	[spmem:s3] =	stream.indirect.scatter.add.f32 [tilespmem:s23], [sflag:$0x3], $0x80, s17, s31, $0xb8;
	[tilespmem:$0x1E800] =	vst v63  }
0xcd: {  	s18 =	simm.s32 $0x19080;
	s19 =	simm.s32 $0x2800  }
0xce: {  	[spmem:s3] =	stream.indirect.scatter.add.f32 [tilespmem:s19], [sflag:$0x3], $0x80, s18, s31, $0xb8;
	[tilespmem:$0x1E800] =	vst v63  }
0xcf: {  	s21 =	simm.s32 $0x19100;
	s24 =	simm.s32 $0x5000  }
0xd0: {  	[spmem:s3] =	stream.indirect.scatter.add.f32 [tilespmem:s24], [sflag:$0x3], $0x80, s21, s31, $0xb8;
	[tilespmem:$0x1E800] =	vst v63  }
0xd1: {  	s25 =	simm.s32 $0x19180;
	s26 =	simm.s32 $0x7800  }
0xd2: {  	[spmem:s3] =	stream.indirect.scatter.add.f32 [tilespmem:s26], [sflag:$0x3], $0x80, s25, s31, $0xb8;
	[tilespmem:$0x1E800] =	vst v63  }
0xd3: {  	s28 =	simm.s32 $0x19200;
	s29 =	simm.s32 $0xA000  }
0xd4: {  	[spmem:s3] =	stream.indirect.scatter.add.f32 [tilespmem:s29], [sflag:$0x3], $0x80, s28, s31, $0xb8;
	[tilespmem:$0x1E800] =	vst v63  }
.LBB2_8:
0xd5: {  	s0 =	smul.u32 $0xCD, s23;
	_ =	sdelay $0x1  }
0xd6: {  	s4 =	sshrl.u32 s0, $0xA  }
0xd7: {  	s4 =	sand.u32 $0x3F, s4  }
0xd8: {  	s4 =	smul.u32 $0x5, s4;
	_ =	sdelay $0x1  }
0xd9: {  	s4 =	ssub.s32 s23, s4  }
0xda: {  	s0 =	sshrl.u32 s0, $0x3;
	s4 =	sand.u32 $0xFF, s4  }
0xdb: {  	s0 =	sand.u32 $0x1F80, s0;
	s4 =	sshll.u32 s4, $0x4  }
0xdc: {  	s0 =	sor.u32 s4, s0  }
0xdd: {  	v2 =	vld [tilespmem:s0+$0x19000];
	_ =	sdelay $0x4  }
0xde: {  	(v2sf) =	vpush v2, $0x0  }
0xdf: {  	(v2sf) =	vpush v2, $0x1  }
0xe0: {  	(v2sf) =	vpush v2, $0x2;
	_ =	sdelay $0x1  }
0xe1: {  	(v2sf) =	vpush v2, $0x3;
	_ =	sdelay $0x1  }
0xe2: {  	(v2sf) =	vpush v2, $0x4  }
0xe3: {  	(v2sf) =	vpush v2, $0x5  }
0xe4: {  	(v2sf) =	vpush v2, $0x6  }
0xe5: {  	(v2sf) =	vpush v2, $0x7  }
0xe6: {  	(v2sf) =	vpush v2, $0x8  }
0xe7: {  	(v2sf) =	vpush v2, $0x9;
	_ =	sdelay $0x2  }
0xe8: {  	(v2sf) =	vpush v2, $0xA  }
0xe9: {  	s16 =	simm.s32 $0x1;
	s28 =	spop (v2sf)  }
0xea: {  	s29 =	spop (v2sf);
	s9 =	sshra.s32 s28, $0x1F;
	p1 =	slt.s32 s28, $0x1  }
0xeb: {  	s0 =	sshll.u32 s28, $0x4;
	s6 =	spop (v2sf);
	s9 =	sshrl.u32 s9, $0x1D  }
0xec: {  	s19 =	sshra.s32 s29, $0x1F;
	s0 =	sadd.s32 $0x80, s0;
	p3 =	slt.s32 s29, $0x1  }
0xed: {  	s4 =	sshll.u32 s29, $0x4;
	s7 =	spop (v2sf);
	s9 =	sadd.s32 s9, s28  }
0xee: {  	s0 =	sand.u32 $0x70, s0;
	s24 =	sshra.s32 s6, $0x1F;
	s11 =	sand.u32 $0xFFFFFFF8, s9  }
0xef: {  	s4 =	sadd.s32 $0x80, s4;
	s10 =	spop (v2sf);
	p2 =	sne.s32 s28, s11  }
0xf0: {  	p5 =	slt.s32 s6, $0x1;
	s12 =	spop (v2sf);
	p1 =	por !p1, !p2  }
0xf1: {  	s9 =	sshrl.u32 s9, $0x3;
	s17 =	spop (v2sf);
	p1 =	por !p1, !p1  }
0xf2: {  	(v2sf) =	vpush v2, $0xB;
	s4 =	sand.u32 $0x70, s4;
	s18 =	spop (v2sf);
	s16 =	simm.s32 @!p1 $0x0  }
0xf3: {  	s14 =	spop (v2sf);
	s9 =	ssub.s32 s9, s16;
	s16 =	sshrl.u32 s19, $0x1D  }
0xf4: {  	s11 =	spop (v2sf);
	s9 =	sshll.u32 s9, $0x9;
	s16 =	sadd.s32 s16, s29  }
0xf5: {  	s9 =	sshra.s32 s9, $0x2;
	s19 =	sshrl.u32 s16, $0x3;
	s21 =	sand.u32 $0xFFFFFFF8, s16  }
0xf6: {  	s16 =	sshrl.u32 s24, $0x1D;
	s24 =	sshra.s32 s7, $0x1F;
	s0 =	sor.u32 s0, s9  }
0xf7: {  	p4 =	sne.s32 s29, s21;
	s9 =	spop (v2sf);
	s21 =	simm.s32 $0x1  }
0xf8: {  	s16 =	sadd.s32 s16, s6;
	s24 =	sshrl.u32 s24, $0x1D;
	p1 =	por !p3, !p4  }
0xf9: {  	s25 =	sand.u32 $0xFFFFFFF8, s16;
	s16 =	sshrl.u32 s16, $0x3;
	p3 =	slt.s32 s7, $0x1  }
0xfa: {  	[tilespmem:s0+$0x19800] =	vst.add.f32.msk $0xffff, v1;
	s0 =	simm.s32 $0x1;
	p1 =	por !p1, !p1;
	p6 =	sne.s32 s6, s25  }
0xfb: {  	s6 =	sshll.u32 s6, $0x4;
	s21 =	simm.s32 @!p1 $0x0;
	p1 =	por !p5, !p6  }
0xfc: {  	s6 =	sadd.s32 $0x80, s6;
	p5 =	slt.s32 s10, $0x1;
	s19 =	ssub.s32 s19, s21  }
0xfd: {  	p1 =	por !p1, !p1;
	s21 =	simm.s32 $0x1;
	s19 =	sshll.u32 s19, $0x9  }
0xfe: {  	s26 =	sand.u32 $0x70, s6;
	s21 =	simm.s32 @!p1 $0x0;
	s19 =	sshra.s32 s19, $0x2  }
0xff: {  	s16 =	ssub.s32 s16, s21;
	s21 =	sadd.s32 s24, s7;
	s24 =	simm.s32 $0x1  }
0x100: {  	s28 =	sshll.u32 s16, $0x9;
	s29 =	sand.u32 $0xFFFFFFF8, s21;
	s6 =	sor.u32 s4, s19  }
0x101: {  	s19 =	simm.s32 $0x1;
	s16 =	spop (v2sf);
	s25 =	sshra.s32 s28, $0x2  }
0x102: {  	p4 =	sne.s32 s7, s29;
	s7 =	sshll.u32 s7, $0x4;
	s28 =	sshra.s32 s10, $0x1F  }
0x103: {  	s4 =	sor.u32 s26, s25;
	p1 =	por !p3, !p4;
	s26 =	sshrl.u32 s21, $0x3  }
0x104: {  	s21 =	sshrl.u32 s28, $0x1D;
	s7 =	sadd.s32 $0x80, s7;
	p3 =	slt.s32 s12, $0x1  }
0x105: {  	p1 =	por !p1, !p1;
	s21 =	sadd.s32 s21, s10;
	s7 =	sand.u32 $0x70, s7  }
0x106: {  	(v2sf) =	vpush v2, $0xC;
	s19 =	simm.s32 @!p1 $0x0;
	s29 =	sand.u32 $0xFFFFFFF8, s21;
	s25 =	sshrl.u32 s21, $0x3  }
0x107: {  	s19 =	ssub.s32 s26, s19;
	p6 =	sne.s32 s10, s29;
	s26 =	sshra.s32 s12, $0x1F  }
0x108: {  	s10 =	sshll.u32 s10, $0x4;
	s29 =	sshra.s32 s17, $0x1F;
	s19 =	sshll.u32 s19, $0x9  }
0x109: {  	p1 =	por !p5, !p6;
	s21 =	sshrl.u32 s26, $0x1D;
	s10 =	sadd.s32 $0x80, s10  }
0x10a: {  	p5 =	slt.s32 s17, $0x1;
	s19 =	sshra.s32 s19, $0x2;
	p1 =	por !p1, !p1  }
0x10b: {  	s21 =	sadd.s32 s21, s12;
	s10 =	sand.u32 $0x70, s10;
	s7 =	sor.u32 s7, s19  }
0x10c: {  	s24 =	simm.s32 @!p1 $0x0;
	s28 =	sand.u32 $0xFFFFFFF8, s21;
	s21 =	sshrl.u32 s21, $0x3  }
0x10d: {  	[tilespmem:s6+$0x19800] =	vst.add.f32.msk $0xffff, v1;
	s19 =	ssub.s32 s25, s24;
	p4 =	sne.s32 s12, s28;
	s12 =	sshll.u32 s12, $0x4  }
0x10e: {  	[tilespmem:s4+$0x19800] =	vst.add.f32.msk $0xffff, v1;
	s24 =	sshrl.u32 s29, $0x1D;
	s28 =	sshra.s32 s18, $0x1F;
	s19 =	sshll.u32 s19, $0x9  }
0x10f: {  	[tilespmem:s7+$0x19800] =	vst.add.f32.msk $0xffff, v1;
	s7 =	simm.s32 $0x1;
	p1 =	por !p3, !p4;
	s19 =	sshra.s32 s19, $0x2  }
0x110: {  	p1 =	por !p1, !p1;
	s10 =	sor.u32 s10, s19;
	s19 =	simm.s32 $0x1  }
0x111: {  	s12 =	sadd.s32 $0x80, s12;
	p3 =	slt.s32 s18, $0x1;
	s19 =	simm.s32 @!p1 $0x0  }
0x112: {  	s12 =	sand.u32 $0x70, s12;
	s19 =	ssub.s32 s21, s19;
	s21 =	sadd.s32 s24, s17  }
0x113: {  	s24 =	simm.s32 $0x1;
	s19 =	sshll.u32 s19, $0x9;
	s26 =	sand.u32 $0xFFFFFFF8, s21  }
0x114: {  	s21 =	sshrl.u32 s21, $0x3;
	s25 =	sshra.s32 s19, $0x2;
	p6 =	sne.s32 s17, s26  }
0x115: {  	s19 =	spop (v2sf);
	(v2sf) =	vpush v2, $0xD;
	s17 =	sshll.u32 s17, $0x4;
	s12 =	sor.u32 s12, s25  }
0x116: {  	p1 =	por !p5, !p6;
	s25 =	sshrl.u32 s28, $0x1D;
	s17 =	sadd.s32 $0x80, s17  }
0x117: {  	s28 =	sshra.s32 s14, $0x1F;
	p5 =	slt.s32 s14, $0x1;
	p1 =	por !p1, !p1  }
0x118: {  	s29 =	sadd.s32 s25, s18;
	s17 =	sand.u32 $0x70, s17;
	s24 =	simm.s32 @!p1 $0x0  }
0x119: {  	s25 =	sand.u32 $0xFFFFFFF8, s29;
	s26 =	sshrl.u32 s29, $0x3;
	s21 =	ssub.s32 s21, s24  }
0x11a: {  	p4 =	sne.s32 s18, s25;
	s24 =	simm.s32 $0x1;
	s18 =	sshll.u32 s18, $0x4  }
0x11b: {  	s25 =	sshrl.u32 s28, $0x1D;
	s21 =	sshll.u32 s21, $0x9;
	p1 =	por !p3, !p4  }
0x11c: {  	s18 =	sadd.s32 $0x80, s18;
	s29 =	sadd.s32 s25, s14;
	p3 =	slt.s32 s11, $0x1  }
0x11d: {  	s21 =	sshra.s32 s21, $0x2;
	p1 =	por !p1, !p1;
	s18 =	sand.u32 $0x70, s18  }
0x11e: {  	s25 =	sand.u32 $0xFFFFFFF8, s29;
	s17 =	sor.u32 s17, s21;
	s24 =	simm.s32 @!p1 $0x0  }
0x11f: {  	p6 =	sne.s32 s14, s25;
	s14 =	sshll.u32 s14, $0x4;
	s25 =	simm.s32 $0x1  }
0x120: {  	s21 =	ssub.s32 s26, s24;
	s24 =	sshrl.u32 s29, $0x3;
	p1 =	por !p5, !p6  }
0x121: {  	s26 =	sshra.s32 s11, $0x1F;
	s14 =	sadd.s32 $0x80, s14;
	p5 =	slt.s32 s9, $0x1  }
0x122: {  	s21 =	sshll.u32 s21, $0x9;
	p1 =	por !p1, !p1;
	s26 =	sshrl.u32 s26, $0x1D  }
0x123: {  	s14 =	sand.u32 $0x70, s14;
	s21 =	sshra.s32 s21, $0x2;
	s25 =	simm.s32 @!p1 $0x0  }
0x124: {  	s26 =	sadd.s32 s26, s11;
	s18 =	sor.u32 s18, s21;
	s21 =	spop (v2sf);
	(v2sf) =	vpush v2, $0xE  }
0x125: {  	s24 =	ssub.s32 s24, s25;
	s28 =	sand.u32 $0xFFFFFFF8, s26;
	s29 =	sshrl.u32 s26, $0x3  }
0x126: {  	s26 =	simm.s32 $0x1;
	s24 =	sshll.u32 s24, $0x9;
	p4 =	sne.s32 s11, s28  }
0x127: {  	s28 =	sshra.s32 s9, $0x1F;
	s11 =	sshll.u32 s11, $0x4;
	p1 =	por !p3, !p4  }
0x128: {  	s24 =	sshra.s32 s24, $0x2;
	s28 =	sshrl.u32 s28, $0x1D;
	p1 =	por !p1, !p1  }
0x129: {  	s11 =	sadd.s32 $0x80, s11;
	p3 =	slt.s32 s16, $0x1;
	s26 =	simm.s32 @!p1 $0x0  }
0x12a: {  	s11 =	sand.u32 $0x70, s11;
	s25 =	ssub.s32 s29, s26;
	s29 =	sadd.s32 s28, s9  }
0x12b: {  	s14 =	sor.u32 s14, s24;
	s25 =	sshll.u32 s25, $0x9;
	s28 =	sand.u32 $0xFFFFFFF8, s29  }
0x12c: {  	s25 =	sshra.s32 s25, $0x2;
	p6 =	sne.s32 s9, s28;
	s28 =	sshrl.u32 s29, $0x3  }
0x12d: {  	s9 =	sshll.u32 s9, $0x4;
	s29 =	sshra.s32 s16, $0x1F;
	p1 =	por !p5, !p6  }
0x12e: {  	s11 =	sor.u32 s11, s25;
	s25 =	simm.s32 $0x1;
	p1 =	por !p1, !p1  }
0x12f: {  	s9 =	sadd.s32 $0x80, s9;
	p5 =	slt.s32 s19, $0x1;
	s25 =	simm.s32 @!p1 $0x0  }
0x130: {  	s9 =	sand.u32 $0x70, s9;
	s24 =	ssub.s32 s28, s25;
	s28 =	sshrl.u32 s29, $0x1D  }
0x131: {  	s24 =	sshll.u32 s24, $0x9;
	s25 =	sadd.s32 s28, s16;
	s28 =	simm.s32 $0x1  }
0x132: {  	s26 =	sshra.s32 s24, $0x2;
	s29 =	sand.u32 $0xFFFFFFF8, s25;
	s25 =	sshrl.u32 s25, $0x3  }
0x133: {  	s9 =	sor.u32 s9, s26;
	p4 =	sne.s32 s16, s29;
	s24 =	spop (v2sf);
	(v2sf) =	vpush v2, $0xF  }
0x134: {  	s29 =	sshra.s32 s19, $0x1F;
	s16 =	sshll.u32 s16, $0x4;
	p1 =	por !p3, !p4  }
0x135: {  	s26 =	sshrl.u32 s29, $0x1D;
	s16 =	sadd.s32 $0x80, s16;
	p1 =	por !p1, !p1  }
0x136: {  	p3 =	slt.s32 s21, $0x1;
	s26 =	sadd.s32 s26, s19;
	s28 =	simm.s32 @!p1 $0x0  }
0x137: {  	s16 =	sand.u32 $0x70, s16;
	s29 =	sand.u32 $0xFFFFFFF8, s26;
	s25 =	ssub.s32 s25, s28  }
0x138: {  	s26 =	sshrl.u32 s26, $0x3;
	p6 =	sne.s32 s19, s29;
	s25 =	sshll.u32 s25, $0x9  }
0x139: {  	s29 =	sshra.s32 s21, $0x1F;
	p1 =	por !p5, !p6;
	s25 =	sshra.s32 s25, $0x2  }
0x13a: {  	p1 =	por !p1, !p1;
	s16 =	sor.u32 s16, s25;
	s25 =	simm.s32 $0x1  }
0x13b: {  	s19 =	sshll.u32 s19, $0x4;
	s28 =	sshrl.u32 s29, $0x1D;
	s25 =	simm.s32 @!p1 $0x0  }
0x13c: {  	[tilespmem:s10+$0x19800] =	vst.add.f32.msk $0xffff, v1;
	s19 =	sadd.s32 $0x80, s19;
	s25 =	ssub.s32 s26, s25;
	s26 =	sadd.s32 s28, s21  }
0x13d: {  	[tilespmem:s12+$0x19800] =	vst.add.f32.msk $0xffff, v1;
	s19 =	sand.u32 $0x70, s19;
	s25 =	sshll.u32 s25, $0x9;
	s29 =	sand.u32 $0xFFFFFFF8, s26  }
0x13e: {  	[tilespmem:s17+$0x19800] =	vst.add.f32.msk $0xffff, v1;
	s17 =	sshll.u32 s24, $0x4;
	s25 =	sshra.s32 s25, $0x2;
	p4 =	sne.s32 s21, s29  }
0x13f: {  	s21 =	sshll.u32 s21, $0x4;
	s29 =	sshra.s32 s24, $0x1F;
	p1 =	por !p3, !p4  }
0x140: {  	s19 =	sor.u32 s19, s25;
	s25 =	sshrl.u32 s26, $0x3;
	p1 =	por !p1, !p1  }
0x141: {  	s26 =	sshrl.u32 s29, $0x1D;
	p3 =	slt.s32 s24, $0x1;
	s0 =	simm.s32 @!p1 $0x0  }
0x142: {  	s6 =	sadd.s32 s26, s24;
	s0 =	ssub.s32 s25, s0;
	s28 =	spop (v2sf)  }
0x143: {  	s12 =	sshrl.u32 s6, $0x3;
	s0 =	sshll.u32 s0, $0x9;
	s29 =	sshra.s32 s28, $0x1F  }
0x144: {  	s0 =	sshra.s32 s0, $0x2;
	p4 =	slt.s32 s28, $0x1;
	s26 =	sshrl.u32 s29, $0x1D  }
0x145: {  	s29 =	sand.u32 $0xFFFFFFF8, s6;
	s6 =	sadd.s32 $0x80, s17;
	s25 =	sadd.s32 s26, s28  }
0x146: {  	s26 =	sadd.s32 $0x80, s21;
	p5 =	sne.s32 s24, s29;
	s6 =	sand.u32 $0x70, s6  }
0x147: {  	s24 =	sshll.u32 s28, $0x4;
	s29 =	sand.u32 $0xFFFFFFF8, s25;
	s10 =	sand.u32 $0x70, s26  }
0x148: {  	[tilespmem:s18+$0x19800] =	vst.add.f32.msk $0xffff, v1;
	p1 =	por !p3, !p5;
	s18 =	sshrl.u32 s25, $0x3;
	p6 =	sne.s32 s28, s29  }
0x149: {  	[tilespmem:s14+$0x19800] =	vst.add.f32.msk $0xffff, v1;
	s0 =	sor.u32 s10, s0;
	p1 =	por !p1, !p1;
	p2 =	por !p4, !p6  }
0x14a: {  	[tilespmem:s11+$0x19800] =	vst.add.f32.msk $0xffff, v1;
	s10 =	simm.s32 $0x1;
	s7 =	simm.s32 @!p1 $0x0;
	p2 =	por !p2, !p2  }
0x14b: {  	[tilespmem:s9+$0x19800] =	vst.add.f32.msk $0xffff, v1;
	p1 =	sne.s32 s23, $0x18;
	s4 =	ssub.s32 s12, s7;
	s10 =	simm.s32 @!p2 $0x0  }
.Ltmp7:
0x14c: {  	[tilespmem:s16+$0x19800] =	vst.add.f32.msk $0xffff, v1;
	s4 =	sshll.u32 s4, $0x9;
	s21 =	ssub.s32 s18, s10;
	(pc) =	sbr.rel @p1 .LBB2_8-.Ltmp7, $4  }
0x14d: {  	[tilespmem:s19+$0x19800] =	vst.add.f32.msk $0xffff, v1;
	s9 =	sadd.s32 $0x80, s24;
	s4 =	sshra.s32 s4, $0x2;
	s7 =	sshll.u32 s21, $0x9  }
0x14e: {  	s26 =	sand.u32 $0x70, s9;
	[tilespmem:s0+$0x19800] =	vst.add.f32.msk $0xffff, v1;
	s25 =	sor.u32 s6, s4;
	s28 =	sshra.s32 s7, $0x2  }
0x14f: {  	[tilespmem:s25+$0x19800] =	vst.add.f32.msk $0xffff, v1;
	s29 =	sor.u32 s26, s28  }
0x150: {  	s23 =	sadd.s32 $0x1, s23;
	[tilespmem:s29+$0x19800] =	vst.add.f32.msk $0xffff, v1  }
.LBB2_9:
0x151: {  	p1 =	sge.u32 s22, s20  }
.Ltmp8:
0x152: {  	_ = 	snop;
	(pc) =	sbr.rel @p1 .LBB2_12-.Ltmp8, $1  }
0x153: {  	_ =	sdelay $0x3  }
0x154: {  	_ =	swait.ge [sflag:s8], $0xC800  }
0x155: {  	[sflag:s8] =	ssyncset.done $0x0  }
0x156: {  	[sflag:s8] =	ssyncadd.s32 $0xFFFF3800  }
0x157: {  	_ =	swait.ge [sflag:s8], $0x50  }
0x158: {  	[sflag:s8] =	ssyncset.done $0x0  }
0x159: {  	[sflag:s8] =	ssyncadd.s32 $0xFFFFFFB0  }
0x15a: {  	_ =	swait.ge [sflag:s8], $0x50  }
0x15b: {  	[sflag:s8] =	ssyncset.done $0x0  }
0x15c: {  	[sflag:s8] =	ssyncadd.s32 $0xFFFFFFB0  }
0x15d: {  	_ =	swait.ge [sflag:s8], $0x50  }
0x15e: {  	[sflag:s8] =	ssyncset.done $0x0  }
0x15f: {  	[sflag:s8] =	ssyncadd.s32 $0xFFFFFFB0  }
0x160: {  	_ =	swait.ge [sflag:s8], $0x50  }
0x161: {  	[sflag:s8] =	ssyncset.done $0x0  }
0x162: {  	[sflag:s8] =	ssyncadd.s32 $0xFFFFFFB0  }
0x163: {  	s0 =	sadd.s32 $0x2, s22;
	_ =	swait.ge [sflag:s8], $0x50  }
0x164: {  	p1 =	sge.u32 s0, s13;
	[sflag:s8] =	ssyncset.done $0x0  }
0x165: {  	s4 =	simm.s32 @!p1 $0x3;
	[sflag:s8] =	ssyncadd.s32 $0xFFFFFFB0  }
0x166: {  	_ =	swait.ge @!p1 [sflag:s4], $0x2800  }
0x167: {  	[sflag:s4] =	ssyncset.done @!p1 $0x0  }
0x168: {  	[sflag:s4] =	ssyncadd.s32 @!p1 $0xFFFFD800  }
0x169: {  	_ =	swait.ge @!p1 [sflag:s4], $0x2800  }
0x16a: {  	[sflag:s4] =	ssyncset.done @!p1 $0x0  }
0x16b: {  	[sflag:s4] =	ssyncadd.s32 @!p1 $0xFFFFD800  }
0x16c: {  	_ =	swait.ge @!p1 [sflag:s4], $0x2800  }
0x16d: {  	[sflag:s4] =	ssyncset.done @!p1 $0x0  }
0x16e: {  	s0 =	sshll.u32 @!p1 s0, $0x5;
	[sflag:s4] =	ssyncadd.s32 @!p1 $0xFFFFD800  }
0x16f: {  	s0 =	sor.u32 @!p1 s5, s0;
	_ =	swait.ge @!p1 [sflag:s4], $0x2800  }
0x170: {  	s6 =	smul.u32 @!p1 $0x1900, s0;
	[sflag:s4] =	ssyncset.done @!p1 $0x0  }
0x171: {  	s0 =	smul.u32 @!p1 $0x190, s0;
	[sflag:s4] =	ssyncadd.s32 @!p1 $0xFFFFD800  }
0x172: {  	_ =	swait.ge @!p1 [sflag:s4], $0x2800  }
0x173: {  	s0 =	sshrl.u32 @!p1 s0, $0x3;
	[sflag:s4] =	ssyncset.done @!p1 $0x0  }
0x174: {  	[sflag:s4] =	ssyncadd.s32 @!p1 $0xFFFFD800;
	s4 =	sadd.s32 @!p1 s1, s6;
	s6 =	simm.s32 @!p1 $0x0  }
0x175: {  	[tilespmem:s6], [sflag:$0x1] =	stream.linear.gather @!p1 [hbm4b:s4+s6], $0xC800, $0x38;
	[tilespmem:$0x1E800] =	vst v63  }
0x176: {  	s0 =	sadd.s32 @!p1 s2, s0;
	s4 =	simm.s32 @!p1 $0x19000  }
0x177: {  	[tilespmem:s4], [sflag:$0x1] =	stream.linear.gather @!p1 [hbm4b:s0+s6], $0x50, $0x38;
	[tilespmem:$0x1E800] =	vst v63  }
0x178: {  	s7 =	simm.s32 @!p1 $0x19080;
	s4 =	sadd.s32 @!p1 $0xA, s0  }
0x179: {  	[tilespmem:s7], [sflag:$0x1] =	stream.linear.gather @!p1 [hbm4b:s4+s6], $0x50, $0x38;
	[tilespmem:$0x1E800] =	vst v63  }
0x17a: {  	s4 =	sadd.s32 @!p1 $0x14, s0;
	s7 =	simm.s32 @!p1 $0x19100  }
0x17b: {  	[tilespmem:s7], [sflag:$0x1] =	stream.linear.gather @!p1 [hbm4b:s4+s6], $0x50, $0x38;
	[tilespmem:$0x1E800] =	vst v63  }
0x17c: {  	s4 =	sadd.s32 @!p1 $0x1E, s0;
	s7 =	simm.s32 @!p1 $0x19180  }
0x17d: {  	[tilespmem:s7], [sflag:$0x1] =	stream.linear.gather @!p1 [hbm4b:s4+s6], $0x50, $0x38;
	[tilespmem:$0x1E800] =	vst v63  }
0x17e: {  	s0 =	sadd.s32 @!p1 $0x28, s0;
	s4 =	simm.s32 @!p1 $0x19200  }
0x17f: {  	[tilespmem:s4], [sflag:$0x1] =	stream.linear.gather @!p1 [hbm4b:s0+s6], $0x50, $0x38;
	[tilespmem:$0x1E800] =	vst v63  }
0x180: {  	s18 =	simm.s32 $0x19400;
	s19 =	simm.s32 $0xC800  }
0x181: {  	[spmem:s3] =	stream.indirect.scatter.add.f32 [tilespmem:s19], [sflag:$0x4], $0x80, s18, s31, $0xb8;
	[tilespmem:$0x1E800] =	vst v63  }
0x182: {  	s21 =	simm.s32 $0x19480;
	s22 =	simm.s32 $0xF000  }
0x183: {  	[spmem:s3] =	stream.indirect.scatter.add.f32 [tilespmem:s22], [sflag:$0x4], $0x80, s21, s31, $0xb8;
	[tilespmem:$0x1E800] =	vst v63  }
0x184: {  	s23 =	simm.s32 $0x19500;
	s24 =	simm.s32 $0x11800  }
0x185: {  	[spmem:s3] =	stream.indirect.scatter.add.f32 [tilespmem:s24], [sflag:$0x4], $0x80, s23, s31, $0xb8;
	[tilespmem:$0x1E800] =	vst v63  }
0x186: {  	s25 =	simm.s32 $0x19580;
	s26 =	simm.s32 $0x14000  }
0x187: {  	[spmem:s3] =	stream.indirect.scatter.add.f32 [tilespmem:s26], [sflag:$0x4], $0x80, s25, s31, $0xb8;
	[tilespmem:$0x1E800] =	vst v63  }
0x188: {  	s28 =	simm.s32 $0x19600;
	s29 =	simm.s32 $0x16800;
	s22 =	simm.s32 $0x0  }
0x189: {  	[spmem:s3] =	stream.indirect.scatter.add.f32 [tilespmem:s29], [sflag:$0x4], $0x80, s28, s31, $0xb8;
	[tilespmem:$0x1E800] =	vst v63  }
.LBB2_11:
0x18a: {  	s0 =	smul.u32 $0xCD, s22;
	_ =	sdelay $0x1  }
0x18b: {  	s4 =	sshrl.u32 s0, $0xA  }
0x18c: {  	s4 =	sand.u32 $0x3F, s4  }
0x18d: {  	s4 =	smul.u32 $0x5, s4;
	_ =	sdelay $0x1  }
0x18e: {  	s4 =	ssub.s32 s22, s4  }
0x18f: {  	s0 =	sshrl.u32 s0, $0x3;
	s4 =	sand.u32 $0xFF, s4  }
0x190: {  	s0 =	sand.u32 $0x1F80, s0;
	s4 =	sshll.u32 s4, $0x4  }
0x191: {  	s0 =	sor.u32 s4, s0  }
0x192: {  	v2 =	vld [tilespmem:s0+$0x19400];
	_ =	sdelay $0x4  }
0x193: {  	(v2sf) =	vpush v2, $0x0  }
0x194: {  	(v2sf) =	vpush v2, $0x1  }
0x195: {  	(v2sf) =	vpush v2, $0x2;
	_ =	sdelay $0x1  }
0x196: {  	(v2sf) =	vpush v2, $0x3;
	_ =	sdelay $0x1  }
0x197: {  	(v2sf) =	vpush v2, $0x4  }
0x198: {  	(v2sf) =	vpush v2, $0x5  }
0x199: {  	(v2sf) =	vpush v2, $0x6  }
0x19a: {  	(v2sf) =	vpush v2, $0x7  }
0x19b: {  	(v2sf) =	vpush v2, $0x8  }
0x19c: {  	(v2sf) =	vpush v2, $0x9;
	_ =	sdelay $0x2  }
0x19d: {  	(v2sf) =	vpush v2, $0xA  }
0x19e: {  	s16 =	simm.s32 $0x1;
	s28 =	spop (v2sf)  }
0x19f: {  	s29 =	spop (v2sf);
	s9 =	sshra.s32 s28, $0x1F;
	p1 =	slt.s32 s28, $0x1  }
0x1a0: {  	s0 =	sshll.u32 s28, $0x4;
	s6 =	spop (v2sf);
	s9 =	sshrl.u32 s9, $0x1D  }
0x1a1: {  	s19 =	sshra.s32 s29, $0x1F;
	s0 =	sadd.s32 $0x80, s0;
	p3 =	slt.s32 s29, $0x1  }
0x1a2: {  	s4 =	sshll.u32 s29, $0x4;
	s7 =	spop (v2sf);
	s9 =	sadd.s32 s9, s28  }
0x1a3: {  	s0 =	sand.u32 $0x70, s0;
	s23 =	sshra.s32 s6, $0x1F;
	s11 =	sand.u32 $0xFFFFFFF8, s9  }
0x1a4: {  	s4 =	sadd.s32 $0x80, s4;
	s10 =	spop (v2sf);
	p2 =	sne.s32 s28, s11  }
0x1a5: {  	p5 =	slt.s32 s6, $0x1;
	s12 =	spop (v2sf);
	p1 =	por !p1, !p2  }
0x1a6: {  	s9 =	sshrl.u32 s9, $0x3;
	s17 =	spop (v2sf);
	p1 =	por !p1, !p1  }
0x1a7: {  	s4 =	sand.u32 $0x70, s4;
	s18 =	spop (v2sf);
	s16 =	simm.s32 @!p1 $0x0  }
0x1a8: {  	s14 =	spop (v2sf);
	s9 =	ssub.s32 s9, s16;
	s16 =	sshrl.u32 s19, $0x1D  }
0x1a9: {  	(v2sf) =	vpush v2, $0xB;
	s11 =	spop (v2sf);
	s9 =	sshll.u32 s9, $0x9;
	s16 =	sadd.s32 s16, s29  }
0x1aa: {  	s9 =	sshra.s32 s9, $0x2;
	s19 =	sshrl.u32 s16, $0x3;
	s21 =	sand.u32 $0xFFFFFFF8, s16  }
0x1ab: {  	s16 =	sshrl.u32 s23, $0x1D;
	s23 =	sshra.s32 s7, $0x1F;
	s0 =	sor.u32 s0, s9  }
0x1ac: {  	p4 =	sne.s32 s29, s21;
	s9 =	spop (v2sf);
	s21 =	simm.s32 $0x1  }
0x1ad: {  	s16 =	sadd.s32 s16, s6;
	s23 =	sshrl.u32 s23, $0x1D;
	p1 =	por !p3, !p4  }
0x1ae: {  	s24 =	sand.u32 $0xFFFFFFF8, s16;
	s16 =	sshrl.u32 s16, $0x3;
	s25 =	sadd.s32 s23, s7  }
0x1af: {  	p3 =	slt.s32 s7, $0x1;
	[tilespmem:s0+$0x19800] =	vst.add.f32.msk $0xffff, v1;
	s0 =	simm.s32 $0x1;
	p1 =	por !p1, !p1  }
0x1b0: {  	p6 =	sne.s32 s6, s24;
	s6 =	sshll.u32 s6, $0x4;
	s29 =	sand.u32 $0xFFFFFFF8, s25  }
0x1b1: {  	s23 =	sshrl.u32 s25, $0x3;
	s21 =	simm.s32 @!p1 $0x0;
	p1 =	por !p5, !p6  }
0x1b2: {  	s6 =	sadd.s32 $0x80, s6;
	p4 =	sne.s32 s7, s29;
	s7 =	sshll.u32 s7, $0x4  }
0x1b3: {  	p5 =	slt.s32 s10, $0x1;
	s19 =	ssub.s32 s19, s21;
	p1 =	por !p1, !p1  }
0x1b4: {  	s21 =	simm.s32 $0x1;
	s26 =	sand.u32 $0x70, s6;
	s7 =	sadd.s32 $0x80, s7  }
0x1b5: {  	s19 =	sshll.u32 s19, $0x9;
	s21 =	simm.s32 @!p1 $0x0;
	p1 =	por !p3, !p4  }
0x1b6: {  	s7 =	sand.u32 $0x70, s7;
	p3 =	slt.s32 s12, $0x1;
	s16 =	ssub.s32 s16, s21  }
0x1b7: {  	s19 =	sshra.s32 s19, $0x2;
	p1 =	por !p1, !p1;
	s28 =	sshll.u32 s16, $0x9  }
0x1b8: {  	s6 =	sor.u32 s4, s19;
	s19 =	simm.s32 $0x1;
	s16 =	spop (v2sf)  }
0x1b9: {  	s24 =	sshra.s32 s28, $0x2;
	s19 =	simm.s32 @!p1 $0x0;
	s28 =	sshra.s32 s12, $0x1F  }
0x1ba: {  	s4 =	sor.u32 s26, s24;
	s24 =	sshra.s32 s10, $0x1F;
	s19 =	ssub.s32 s23, s19  }
0x1bb: {  	s23 =	simm.s32 $0x1;
	s21 =	sshrl.u32 s24, $0x1D;
	s19 =	sshll.u32 s19, $0x9  }
0x1bc: {  	(v2sf) =	vpush v2, $0xC;
	s24 =	sshra.s32 s17, $0x1F;
	s21 =	sadd.s32 s21, s10;
	s19 =	sshra.s32 s19, $0x2  }
0x1bd: {  	[tilespmem:s6+$0x19800] =	vst.add.f32.msk $0xffff, v1;
	s25 =	sand.u32 $0xFFFFFFF8, s21;
	s7 =	sor.u32 s7, s19;
	s26 =	sshrl.u32 s21, $0x3  }
0x1be: {  	[tilespmem:s4+$0x19800] =	vst.add.f32.msk $0xffff, v1;
	s21 =	sshrl.u32 s28, $0x1D;
	p6 =	sne.s32 s10, s25;
	s10 =	sshll.u32 s10, $0x4  }
0x1bf: {  	s21 =	sadd.s32 s21, s12;
	s25 =	sshrl.u32 s24, $0x1D;
	[tilespmem:s7+$0x19800] =	vst.add.f32.msk $0xffff, v1;
	s7 =	simm.s32 $0x1  }
0x1c0: {  	p1 =	por !p5, !p6;
	s10 =	sadd.s32 $0x80, s10;
	s29 =	sand.u32 $0xFFFFFFF8, s21  }
0x1c1: {  	s21 =	sshrl.u32 s21, $0x3;
	p5 =	slt.s32 s17, $0x1;
	p1 =	por !p1, !p1  }
0x1c2: {  	p4 =	sne.s32 s12, s29;
	s10 =	sand.u32 $0x70, s10;
	s23 =	simm.s32 @!p1 $0x0  }
0x1c3: {  	s12 =	sshll.u32 s12, $0x4;
	s29 =	sshra.s32 s18, $0x1F;
	s19 =	ssub.s32 s26, s23  }
0x1c4: {  	p1 =	por !p3, !p4;
	s12 =	sadd.s32 $0x80, s12;
	s19 =	sshll.u32 s19, $0x9  }
0x1c5: {  	s24 =	sshrl.u32 s29, $0x1D;
	p3 =	slt.s32 s18, $0x1;
	s19 =	sshra.s32 s19, $0x2  }
0x1c6: {  	p1 =	por !p1, !p1;
	s10 =	sor.u32 s10, s19;
	s19 =	simm.s32 $0x1  }
0x1c7: {  	s12 =	sand.u32 $0x70, s12;
	s23 =	simm.s32 $0x1;
	s19 =	simm.s32 @!p1 $0x0  }
0x1c8: {  	s19 =	ssub.s32 s21, s19;
	s21 =	sadd.s32 s25, s17;
	s25 =	sadd.s32 s24, s18  }
0x1c9: {  	s19 =	sshll.u32 s19, $0x9;
	s28 =	sand.u32 $0xFFFFFFF8, s21;
	s21 =	sshrl.u32 s21, $0x3  }
0x1ca: {  	s24 =	sand.u32 $0xFFFFFFF8, s25;
	s26 =	sshra.s32 s19, $0x2;
	p6 =	sne.s32 s17, s28  }
0x1cb: {  	s19 =	spop (v2sf);
	(v2sf) =	vpush v2, $0xD;
	s17 =	sshll.u32 s17, $0x4;
	p4 =	sne.s32 s18, s24  }
0x1cc: {  	s28 =	sshra.s32 s14, $0x1F;
	s18 =	sshll.u32 s18, $0x4;
	s12 =	sor.u32 s12, s26  }
0x1cd: {  	p1 =	por !p5, !p6;
	s17 =	sadd.s32 $0x80, s17;
	s26 =	sshrl.u32 s25, $0x3  }
0x1ce: {  	s24 =	sshrl.u32 s28, $0x1D;
	s18 =	sadd.s32 $0x80, s18;
	p5 =	slt.s32 s14, $0x1  }
0x1cf: {  	s25 =	sshra.s32 s11, $0x1F;
	p1 =	por !p1, !p1;
	s17 =	sand.u32 $0x70, s17  }
0x1d0: {  	s29 =	sadd.s32 s24, s14;
	s18 =	sand.u32 $0x70, s18;
	s25 =	sshrl.u32 s25, $0x1D  }
0x1d1: {  	s23 =	simm.s32 @!p1 $0x0;
	p1 =	por !p3, !p4;
	s24 =	sand.u32 $0xFFFFFFF8, s29  }
0x1d2: {  	s25 =	sadd.s32 s25, s11;
	p3 =	slt.s32 s11, $0x1;
	s21 =	ssub.s32 s21, s23  }
0x1d3: {  	p1 =	por !p1, !p1;
	s23 =	simm.s32 $0x1;
	p6 =	sne.s32 s14, s24  }
0x1d4: {  	s14 =	sshll.u32 s14, $0x4;
	s24 =	simm.s32 $0x1;
	s28 =	sshrl.u32 s25, $0x3  }
0x1d5: {  	s21 =	sshll.u32 s21, $0x9;
	s23 =	simm.s32 @!p1 $0x0;
	p1 =	por !p5, !p6  }
0x1d6: {  	s14 =	sadd.s32 $0x80, s14;
	p5 =	slt.s32 s9, $0x1;
	s21 =	sshra.s32 s21, $0x2  }
0x1d7: {  	p1 =	por !p1, !p1;
	s17 =	sor.u32 s17, s21;
	s21 =	ssub.s32 s26, s23  }
0x1d8: {  	s14 =	sand.u32 $0x70, s14;
	s23 =	sshrl.u32 s29, $0x3;
	s21 =	sshll.u32 s21, $0x9  }
0x1d9: {  	s24 =	simm.s32 @!p1 $0x0;
	s26 =	sand.u32 $0xFFFFFFF8, s25;
	s21 =	sshra.s32 s21, $0x2  }
0x1da: {  	s25 =	simm.s32 $0x1;
	s18 =	sor.u32 s18, s21;
	s21 =	spop (v2sf);
	(v2sf) =	vpush v2, $0xE  }
0x1db: {  	s23 =	ssub.s32 s23, s24;
	p4 =	sne.s32 s11, s26;
	s26 =	sshra.s32 s9, $0x1F  }
0x1dc: {  	s11 =	sshll.u32 s11, $0x4;
	s23 =	sshll.u32 s23, $0x9;
	p1 =	por !p3, !p4  }
0x1dd: {  	s26 =	sshrl.u32 s26, $0x1D;
	s11 =	sadd.s32 $0x80, s11;
	p3 =	slt.s32 s16, $0x1  }
0x1de: {  	s23 =	sshra.s32 s23, $0x2;
	p1 =	por !p1, !p1;
	s29 =	sadd.s32 s26, s9  }
0x1df: {  	s11 =	sand.u32 $0x70, s11;
	s25 =	simm.s32 @!p1 $0x0;
	s26 =	sand.u32 $0xFFFFFFF8, s29  }
0x1e0: {  	s14 =	sor.u32 s14, s23;
	s24 =	ssub.s32 s28, s25;
	p6 =	sne.s32 s9, s26  }
0x1e1: {  	s28 =	sshrl.u32 s29, $0x3;
	s9 =	sshll.u32 s9, $0x4;
	s29 =	sshra.s32 s16, $0x1F  }
0x1e2: {  	s24 =	sshll.u32 s24, $0x9;
	p1 =	por !p5, !p6;
	s9 =	sadd.s32 $0x80, s9  }
0x1e3: {  	s25 =	sshrl.u32 s29, $0x1D;
	s29 =	sshra.s32 s19, $0x1F;
	s24 =	sshra.s32 s24, $0x2  }
0x1e4: {  	p1 =	por !p1, !p1;
	s11 =	sor.u32 s11, s24;
	s24 =	simm.s32 $0x1  }
0x1e5: {  	p5 =	slt.s32 s19, $0x1;
	s9 =	sand.u32 $0x70, s9;
	s24 =	simm.s32 @!p1 $0x0  }
0x1e6: {  	s23 =	ssub.s32 s28, s24;
	s24 =	sadd.s32 s25, s16;
	s25 =	sshrl.u32 s29, $0x1D  }
0x1e7: {  	s29 =	sshra.s32 s21, $0x1F;
	s23 =	sshll.u32 s23, $0x9;
	s28 =	sand.u32 $0xFFFFFFF8, s24  }
0x1e8: {  	s24 =	sshrl.u32 s24, $0x3;
	s25 =	sadd.s32 s25, s19;
	p4 =	sne.s32 s16, s28  }
0x1e9: {  	s26 =	sshra.s32 s23, $0x2;
	p1 =	por !p3, !p4;
	s23 =	spop (v2sf);
	(v2sf) =	vpush v2, $0xF  }
0x1ea: {  	s9 =	sor.u32 s9, s26;
	s26 =	simm.s32 $0x1;
	p1 =	por !p1, !p1  }
0x1eb: {  	s16 =	sshll.u32 s16, $0x4;
	s28 =	sand.u32 $0xFFFFFFF8, s25;
	s26 =	simm.s32 @!p1 $0x0  }
0x1ec: {  	s25 =	sshrl.u32 s25, $0x3;
	s16 =	sadd.s32 $0x80, s16;
	s24 =	ssub.s32 s24, s26  }
0x1ed: {  	p6 =	sne.s32 s19, s28;
	s19 =	sshll.u32 s19, $0x4;
	s24 =	sshll.u32 s24, $0x9  }
0x1ee: {  	s16 =	sand.u32 $0x70, s16;
	p1 =	por !p5, !p6;
	s24 =	sshra.s32 s24, $0x2  }
0x1ef: {  	p1 =	por !p1, !p1;
	s16 =	sor.u32 s16, s24;
	s24 =	simm.s32 $0x1  }
0x1f0: {  	s28 =	sshrl.u32 s29, $0x1D;
	p3 =	slt.s32 s21, $0x1;
	s24 =	simm.s32 @!p1 $0x0  }
0x1f1: {  	s19 =	sadd.s32 $0x80, s19;
	s24 =	ssub.s32 s25, s24;
	s25 =	sadd.s32 s28, s21  }
0x1f2: {  	s19 =	sand.u32 $0x70, s19;
	s24 =	sshll.u32 s24, $0x9;
	s29 =	sand.u32 $0xFFFFFFF8, s25  }
0x1f3: {  	s24 =	sshra.s32 s24, $0x2;
	p4 =	sne.s32 s21, s29;
	s21 =	sshll.u32 s21, $0x4  }
0x1f4: {  	[tilespmem:s10+$0x19800] =	vst.add.f32.msk $0xffff, v1;
	s19 =	sor.u32 s19, s24;
	p1 =	por !p3, !p4;
	s28 =	sshra.s32 s23, $0x1F  }
0x1f5: {  	[tilespmem:s12+$0x19800] =	vst.add.f32.msk $0xffff, v1;
	s24 =	sshrl.u32 s25, $0x3;
	p1 =	por !p1, !p1;
	s25 =	sshrl.u32 s28, $0x1D  }
0x1f6: {  	[tilespmem:s17+$0x19800] =	vst.add.f32.msk $0xffff, v1;
	p3 =	slt.s32 s23, $0x1;
	s0 =	simm.s32 @!p1 $0x0;
	s6 =	sadd.s32 s25, s23  }
0x1f7: {  	[tilespmem:s18+$0x19800] =	vst.add.f32.msk $0xffff, v1;
	s18 =	sshll.u32 s23, $0x4;
	s0 =	ssub.s32 s24, s0;
	s24 =	sand.u32 $0xFFFFFFF8, s6  }
0x1f8: {  	s17 =	sshrl.u32 s6, $0x3;
	s6 =	sadd.s32 $0x80, s18;
	s26 =	spop (v2sf)  }
0x1f9: {  	p5 =	sne.s32 s23, s24;
	s0 =	sshll.u32 s0, $0x9;
	s28 =	sshra.s32 s26, $0x1F  }
0x1fa: {  	s6 =	sand.u32 $0x70, s6;
	p1 =	por !p3, !p5;
	s29 =	sshrl.u32 s28, $0x1D  }
0x1fb: {  	s0 =	sshra.s32 s0, $0x2;
	p1 =	por !p1, !p1;
	s25 =	sadd.s32 s29, s26  }
0x1fc: {  	s7 =	simm.s32 @!p1 $0x0;
	p1 =	sne.s32 s22, $0x18;
	s29 =	sand.u32 $0xFFFFFFF8, s25  }
0x1fd: {  	p4 =	slt.s32 s26, $0x1;
	s28 =	sadd.s32 $0x80, s21;
	p6 =	sne.s32 s26, s29  }
0x1fe: {  	[tilespmem:s14+$0x19800] =	vst.add.f32.msk $0xffff, v1;
	s4 =	ssub.s32 s17, s7;
	s10 =	sand.u32 $0x70, s28;
	p2 =	por !p4, !p6  }
0x1ff: {  	[tilespmem:s11+$0x19800] =	vst.add.f32.msk $0xffff, v1;
	s0 =	sor.u32 s10, s0;
	s10 =	simm.s32 $0x1;
	p2 =	por !p2, !p2  }
0x200: {  	[tilespmem:s9+$0x19800] =	vst.add.f32.msk $0xffff, v1;
	s4 =	sshll.u32 s4, $0x9;
	s21 =	sshrl.u32 s25, $0x3;
	s10 =	simm.s32 @!p2 $0x0  }
.Ltmp9:
0x201: {  	[tilespmem:s16+$0x19800] =	vst.add.f32.msk $0xffff, v1;
	s24 =	sshll.u32 s26, $0x4;
	s23 =	ssub.s32 s21, s10;
	(pc) =	sbr.rel @p1 .LBB2_11-.Ltmp9, $4  }
0x202: {  	[tilespmem:s19+$0x19800] =	vst.add.f32.msk $0xffff, v1;
	s4 =	sshra.s32 s4, $0x2;
	s9 =	sadd.s32 $0x80, s24;
	s7 =	sshll.u32 s23, $0x9  }
0x203: {  	s25 =	sor.u32 s6, s4;
	[tilespmem:s0+$0x19800] =	vst.add.f32.msk $0xffff, v1;
	s26 =	sand.u32 $0x70, s9;
	s28 =	sshra.s32 s7, $0x2  }
0x204: {  	[tilespmem:s25+$0x19800] =	vst.add.f32.msk $0xffff, v1;
	s29 =	sor.u32 s26, s28  }
0x205: {  	s22 =	sadd.s32 $0x1, s22;
	[tilespmem:s29+$0x19800] =	vst.add.f32.msk $0xffff, v1  }
.Ltmp10:
0x206: {  	_ = 	snop;
	(pc) =	sbr.rel .LBB2_12-.Ltmp10, $1  }
0x207: {  	_ =	sdelay $0x3  }
.LBB2_14:
0x208: {  	_ =	sfence.sel $0x180000  }
0x209: {  	[bflag:$0x0] =	sbarrier.arrive $0xFFFF  }
0x20a: {  	_ =	strace $0x90000047  }
0x20b: {  	[bflag:$0x2] =	sbarrier.arrive $0xFFFF  }
0x20c: {  	s0 =	rddreg [dreg:$0x4]  }
0x20d: {  	s0 =	sadd.s32 @!p0 $0x100000, s0  }
0x20e: {  	[sflag:s0] =	ssyncadd.tile.s32 @!p0 $0x1;
	_ =	shalt  }
.Lfunc_end2:
_tile_overlayer_lowered:
.L_overlay_start_2:
0x20f: {  	(tag) =	ssettag $0x2  }
0x210: {  	s0 =	rddreg [dreg:$0x0];
	s2 =	stileid.u32  }
0x211: {  	s1 =	rddreg [dreg:$0x1];
	p0 =	sne.s32 s2, $0x0  }
0x212: {  	s3 =	rddreg [dreg:$0x2];
	[bflag:$0x3] =	sbarrier.arrive $0xFFFF;
	s2 =	simm.s32 @!p0 $0x1C05  }
0x213: {  	[timem:s3], [sflag:s2] =	dma.local @!p0 [hbm:s0], s1  }
0x214: {  	s0 =	simm.s32 @!p0 $0x5  }
0x215: {  	_ =	swait.ge @!p0 [sflag:s0], s1  }
0x216: {  	s1 =	ssub.s32 @!p0 $0x0, s1;
	[sflag:s0] =	ssyncset.done @!p0 $0x0  }
0x217: {  	[sflag:s0] =	ssyncadd.s32 @!p0 s1  }
0x218: {  	[bflag:$0x3] =	sbarrier.arrive $0xFFFF  }
0x219: {  	_ =	shalt  }

</sc_bundles>
